<compile_context>
chip_gen: v7x
topology: tpu7x:2x2x1
jax: 0.10.2.dev20260603
libtpu: 0.0.44.dev20260713+nightly
codegen_flags: <defaults>
</compile_context>

<pallas_src>
import functools

import jax
import jax.numpy as jnp
from jax import lax
from jax.experimental import pallas as pl
from jax.experimental.pallas import tpu as pltpu
from jax.experimental.pallas import tpu_sc as plsc

_N = 10000
_E = 320000
_D = 128
_NC = 2
_NS = 16
_NW = _NC * _NS
_EPT = _E // _NW
_CHUNK = 40
_NCHUNK = _EPT // _CHUNK
_CHUNK_D = 80
_NCHUNK_D = _EPT // _CHUNK_D
_NPAD = 10240
_RPT = _NPAD // _NS

_mesh = plsc.VectorSubcoreMesh(core_axis_name="c", subcore_axis_name="s")


@functools.partial(
    pl.kernel,
    out_type=jax.ShapeDtypeStruct((_NC, _NPAD), jnp.float32),
    mesh=_mesh,
    scratch_types=[
        pltpu.VMEM((_NCHUNK_D, _CHUNK_D), jnp.int32),
        pltpu.VMEM((_CHUNK_D,), jnp.float32),
        pltpu.VMEM((_RPT,), jnp.float32),
        pltpu.VMEM_SHARED((_NPAD,), jnp.float32),
        pltpu.SemaphoreType.DMA,
    ],
)
def _sc_degree(dst_hbm, out_hbm, idx_v, ones_v, stage_v, acc_sh, sem):
    c = lax.axis_index("c")
    s = lax.axis_index("s")
    wid = c * _NS + s

    def _fill_zero(i, carry):
        stage_v[pl.ds(i * 16, 16)] = jnp.zeros((16,), jnp.float32)
        return carry

    lax.fori_loop(0, _RPT // 16, _fill_zero, 0)

    def _fill_one(i, carry):
        ones_v[pl.ds(i * 16, 16)] = jnp.ones((16,), jnp.float32)
        return carry

    lax.fori_loop(0, _CHUNK_D // 16, _fill_one, 0)

    pltpu.sync_copy(dst_hbm.at[wid], idx_v)
    pltpu.sync_copy(stage_v, acc_sh.at[pl.ds(s * _RPT, _RPT)])
    plsc.subcore_barrier()

    def _chunk(k, carry):
        pltpu.sync_copy(ones_v, acc_sh.at[idx_v.at[k]], add=True)
        return carry

    lax.fori_loop(0, _NCHUNK_D, _chunk, 0)
    plsc.subcore_barrier()
    pltpu.sync_copy(acc_sh.at[pl.ds(s * _RPT, _RPT)],
                    out_hbm.at[c, pl.ds(s * _RPT, _RPT)])


_NBUF = 7
_G = 5


@functools.partial(
    pl.kernel,
    out_type=jax.ShapeDtypeStruct((_NC, _NPAD, _D), jnp.float32),
    mesh=_mesh,
    scratch_types=[
        [pltpu.VMEM((_CHUNK,), jnp.int32)] * _NBUF,
        [pltpu.VMEM((_CHUNK,), jnp.int32)] * _NBUF,
        pltpu.VMEM((_NBUF, _CHUNK, _D), jnp.float32),
        pltpu.VMEM_SHARED((_NPAD, _D), jnp.float32),
        [pltpu.SemaphoreType.DMA] * _NBUF,
        [pltpu.SemaphoreType.DMA] * _NBUF,
        [pltpu.SemaphoreType.DMA] * _NBUF,
    ],
)
def _sc_scatter(src_hbm, dst_hbm, g_hbm, out_hbm,
                sidx, didx, rows_v, acc_sh, isems, gsems, ssems):
    c = lax.axis_index("c")
    s = lax.axis_index("s")
    wid = c * _NS + s
    tbase = wid * _NCHUNK

    def _fill_zero(i, carry):
        for j in range(_D // 16):
            rows_v[0, i, pl.ds(j * 16, 16)] = jnp.zeros((16,), jnp.float32)
        return carry

    lax.fori_loop(0, _CHUNK, _fill_zero, 0)

    def _zero_acc(i, carry):
        pltpu.sync_copy(rows_v.at[0],
                        acc_sh.at[pl.ds(s * _RPT + i * _CHUNK, _CHUNK)])
        return carry

    lax.fori_loop(0, _RPT // _CHUNK, _zero_acc, 0)
    plsc.subcore_barrier()

    def _idx_load(k, b, sem):
        pltpu.async_copy(src_hbm.at[tbase + k], sidx[b], sem)
        pltpu.async_copy(dst_hbm.at[tbase + k], didx[b], sem)

    def _idx_wait(b):
        pltpu.make_async_copy(src_hbm.at[0], sidx[b], isems[b]).wait()
        pltpu.make_async_copy(dst_hbm.at[0], didx[b], isems[b]).wait()

    def _gather(k_dyn, b):
        pltpu.async_copy(g_hbm.at[sidx[b]], rows_v.at[b], gsems[b])

    def _gather_wait(b):
        pltpu.make_async_copy(g_hbm.at[sidx[b]], rows_v.at[b],
                              gsems[b]).wait()

    def _scatter_wait(b):
        pltpu.make_async_copy(rows_v.at[b], acc_sh.at[didx[b]],
                              ssems[b]).wait()

    for k0 in range(_G + 1):
        _idx_load(k0, k0, isems[k0])
    for k0 in range(_G):
        _idx_wait(k0)
        _gather(k0, k0)

    def _group(kg, carry):
        for b in range(_NBUF):
            t = kg * _NBUF + b
            _gather_wait(b)
            pltpu.async_copy(rows_v.at[b], acc_sh.at[didx[b]],
                             ssems[b], add=True)
            br = (b + _G + 1) % _NBUF

            @pl.when(t >= _NBUF - _G - 1)
            def _():
                _scatter_wait(br)

            @pl.when(t + _G + 1 <= _NCHUNK - 1)
            def _():
                _idx_load(t + _G + 1, br, isems[br])

            bg = (b + _G) % _NBUF

            @pl.when(t + _G <= _NCHUNK - 1)
            def _():
                _idx_wait(bg)
                _gather(t + _G, bg)
        return carry

    lax.fori_loop(0, _NCHUNK // _NBUF, _group, 0)
    for t0 in range((_NCHUNK // _NBUF) * _NBUF, _NCHUNK):
        b0 = t0 % _NBUF
        _gather_wait(b0)
        pltpu.async_copy(rows_v.at[b0], acc_sh.at[didx[b0]],
                         ssems[b0], add=True)
        br0 = (b0 + _G + 1) % _NBUF
        if t0 >= _NBUF - _G - 1:
            _scatter_wait(br0)
        if t0 + _G + 1 <= _NCHUNK - 1:
            _idx_load(t0 + _G + 1, br0, isems[br0])
        bg0 = (b0 + _G) % _NBUF
        if t0 + _G <= _NCHUNK - 1:
            _idx_wait(bg0)
            _gather(t0 + _G, bg0)
    for k0 in range(_NCHUNK - (_NBUF - _G - 1), _NCHUNK):
        _scatter_wait(k0 % _NBUF)
    plsc.subcore_barrier()

    def _writeout(i, carry):
        pltpu.sync_copy(acc_sh.at[pl.ds(s * _RPT + i * 128, 128)],
                        out_hbm.at[c, pl.ds(s * _RPT + i * 128, 128)])
        return carry

    lax.fori_loop(0, _RPT // 128, _writeout, 0)


_BM = 1000


def _tc_scale_body(x_ref, w_ref, degp_ref, g_ref, dis_ref):
    h = jnp.dot(x_ref[...], w_ref[...], preferred_element_type=jnp.float32)
    deg = 1.0 + degp_ref[0] + degp_ref[1]
    dis = lax.rsqrt(deg)
    dis_ref[...] = dis
    g_ref[...] = h * dis


_tc_scale = pl.pallas_call(
    _tc_scale_body,
    grid=(_N // _BM,),
    in_specs=[
        pl.BlockSpec((_BM, _D), lambda i: (i, 0)),
        pl.BlockSpec((_D, _D), lambda i: (0, 0)),
        pl.BlockSpec((_NC, _BM, 1), lambda i: (0, i, 0)),
    ],
    out_specs=[
        pl.BlockSpec((_BM, _D), lambda i: (i, 0)),
        pl.BlockSpec((_BM, 1), lambda i: (i, 0)),
    ],
    out_shape=[
        jax.ShapeDtypeStruct((_N, _D), jnp.float32),
        jax.ShapeDtypeStruct((_N, 1), jnp.float32),
    ],
)


def _tc_final_body(p_ref, g_ref, dis_ref, b_ref, o_ref):
    acc = p_ref[0] + p_ref[1] + g_ref[...]
    o_ref[...] = jnp.maximum(acc * dis_ref[...] + b_ref[...], 0.0)


_tc_final = pl.pallas_call(
    _tc_final_body,
    grid=(_N // _BM,),
    in_specs=[
        pl.BlockSpec((_NC, _BM, _D), lambda i: (0, i, 0)),
        pl.BlockSpec((_BM, _D), lambda i: (i, 0)),
        pl.BlockSpec((_BM, 1), lambda i: (i, 0)),
        pl.BlockSpec((1, _D), lambda i: (0, 0)),
    ],
    out_specs=pl.BlockSpec((_BM, _D), lambda i: (i, 0)),
    out_shape=jax.ShapeDtypeStruct((_N, _D), jnp.float32),
)


def kernel(x, edge_index, W, b):
    src2 = edge_index[0].reshape(_NW * _NCHUNK, _CHUNK)
    dst2 = edge_index[1].reshape(_NW * _NCHUNK, _CHUNK)
    dst3 = edge_index[1].reshape(_NW, _NCHUNK_D, _CHUNK_D)
    deg_p = _sc_degree(dst3)
    degp3 = deg_p[:, :_N, None]
    g, dis = _tc_scale(x, W, degp3)
    p = _sc_scatter(src2, dst2, g)
    out = _tc_final(p, g, dis, b.reshape(1, _D))
    return out

# --- scband reference (transcript-rebuilt; emitter-appended) ---
"""Pipeline reference for scband-gcn-block-67233418051652 (READ-ONLY COPY).

The authoritative reference and input builder live on the scoring server;
editing this copy changes nothing except your own understanding.
"""

import jax, jax.numpy as jnp
import numpy as np

N = 10000
E = 320000
D_IN = 128
D_OUT = 128

def setup_inputs(seed: int = 0):
    key = jax.random.key(seed)
    k1, k2, k3 = jax.random.split(key, 3)
    x = jax.random.normal(k1, (N, D_IN), dtype=jnp.float32)
    edge_index = jax.random.randint(k2, (2, E), 0, N, dtype=jnp.int32)
    W = jax.random.normal(k3, (D_IN, D_OUT), dtype=jnp.float32) * (1.0 / np.sqrt(D_IN))
    b = jnp.zeros((D_OUT,), dtype=jnp.float32)
    return {"x": x, "edge_index": edge_index, "W": W, "b": b}

def reference(x, edge_index, W, b):
    # PyG GCNConv: linear transform, add self-loops, symmetric normalization, scatter-add; then ReLU (act=True)
    n = x.shape[0]
    loop = jnp.arange(n, dtype=edge_index.dtype)
    src = jnp.concatenate([edge_index[0], loop])
    dst = jnp.concatenate([edge_index[1], loop])
    h = x @ W
    ones = jnp.ones(src.shape[0], dtype=x.dtype)
    deg = jax.ops.segment_sum(ones, dst, num_segments=n)
    deg_inv_sqrt = jnp.where(deg > 0, jax.lax.rsqrt(jnp.maximum(deg, 1e-12)), 0.0)
    norm = deg_inv_sqrt[src] * deg_inv_sqrt[dst]
    msg = h[src] * norm[:, None]
    out = jax.ops.segment_sum(msg, dst, num_segments=n) + b
    return jax.nn.relu(out)

if __name__ == "__main__":
    import jax
    _d = setup_inputs()
    print(jax.jit(kernel)(*tuple(_d.values())))

</pallas_src>

<mosaic_0001>
#map = affine_map<(d0, d1) -> (0, 0)>
#map1 = affine_map<(d0, d1) -> (0, 0, 0)>
module attributes {stable_mosaic.version = 14 : i64} {
  func.func @_sc_scatter(%arg0: i32, %arg1: i32, %arg2: memref<8000x40xi32, #tpu.memory_space<hbm>>, %arg3: memref<8000x40xi32, #tpu.memory_space<hbm>>, %arg4: memref<10000x128xf32, #tpu.memory_space<hbm>>, %arg5: memref<2x10240x128xf32, #tpu.memory_space<hbm>>, %arg6: memref<40xi32, #tpu.memory_space<vmem>>, %arg7: memref<40xi32, #tpu.memory_space<vmem>>, %arg8: memref<40xi32, #tpu.memory_space<vmem>>, %arg9: memref<40xi32, #tpu.memory_space<vmem>>, %arg10: memref<40xi32, #tpu.memory_space<vmem>>, %arg11: memref<40xi32, #tpu.memory_space<vmem>>, %arg12: memref<40xi32, #tpu.memory_space<vmem>>, %arg13: memref<40xi32, #tpu.memory_space<vmem>>, %arg14: memref<40xi32, #tpu.memory_space<vmem>>, %arg15: memref<40xi32, #tpu.memory_space<vmem>>, %arg16: memref<40xi32, #tpu.memory_space<vmem>>, %arg17: memref<40xi32, #tpu.memory_space<vmem>>, %arg18: memref<40xi32, #tpu.memory_space<vmem>>, %arg19: memref<40xi32, #tpu.memory_space<vmem>>, %arg20: memref<7x40x128xf32, #tpu.memory_space<vmem>>, %arg21: memref<10240x128xf32, #tpu.memory_space<vmem_shared>>, %arg22: memref<!tpu.dma_semaphore, #tpu.memory_space<semaphore_mem>>, %arg23: memref<!tpu.dma_semaphore, #tpu.memory_space<semaphore_mem>>, %arg24: memref<!tpu.dma_semaphore, #tpu.memory_space<semaphore_mem>>, %arg25: memref<!tpu.dma_semaphore, #tpu.memory_space<semaphore_mem>>, %arg26: memref<!tpu.dma_semaphore, #tpu.memory_space<semaphore_mem>>, %arg27: memref<!tpu.dma_semaphore, #tpu.memory_space<semaphore_mem>>, %arg28: memref<!tpu.dma_semaphore, #tpu.memory_space<semaphore_mem>>, %arg29: memref<!tpu.dma_semaphore, #tpu.memory_space<semaphore_mem>>, %arg30: memref<!tpu.dma_semaphore, #tpu.memory_space<semaphore_mem>>, %arg31: memref<!tpu.dma_semaphore, #tpu.memory_space<semaphore_mem>>, %arg32: memref<!tpu.dma_semaphore, #tpu.memory_space<semaphore_mem>>, %arg33: memref<!tpu.dma_semaphore, #tpu.memory_space<semaphore_mem>>, %arg34: memref<!tpu.dma_semaphore, #tpu.memory_space<semaphore_mem>>, %arg35: memref<!tpu.dma_semaphore, #tpu.memory_space<semaphore_mem>>, %arg36: memref<!tpu.dma_semaphore, #tpu.memory_space<semaphore_mem>>, %arg37: memref<!tpu.dma_semaphore, #tpu.memory_space<semaphore_mem>>, %arg38: memref<!tpu.dma_semaphore, #tpu.memory_space<semaphore_mem>>, %arg39: memref<!tpu.dma_semaphore, #tpu.memory_space<semaphore_mem>>, %arg40: memref<!tpu.dma_semaphore, #tpu.memory_space<semaphore_mem>>, %arg41: memref<!tpu.dma_semaphore, #tpu.memory_space<semaphore_mem>>, %arg42: memref<!tpu.dma_semaphore, #tpu.memory_space<semaphore_mem>>) attributes {dimension_semantics = [#tpu.dimension_semantics<core_parallel>, #tpu.dimension_semantics<subcore_parallel>], iteration_bounds = array<i64: 2, 16>, scalar_prefetch = 0 : i64, scratch_operands = 37 : i64, tpu.core_type = #tpu.core_type<sc_vector_subcore>, window_params = [{transform_indices = #map}, {transform_indices = #map}, {transform_indices = #map}, {transform_indices = #map1}]} {
    %mul3A = arith.constant 16 : i32
    %mul3A_0 = arith.muli %arg0, %mul3A : i32
    %add3A = arith.addi %mul3A_0, %arg1 : i32
    %mul3A_1 = arith.constant 250 : i32
    %mul3A_2 = arith.muli %add3A, %mul3A_1 : i32
    %scan3A = arith.constant 0 : i32
    %scan3A_3 = arith.constant 0 : i32
    %scan3A_4 = arith.constant 40 : i32
    %scan3A_5 = arith.addi %scan3A_3, %scan3A_4 : i32
    %scan3A_6 = arith.constant 1 : i32
    scf.for %scan3A_359 = %scan3A_3 to %scan3A_5 step %scan3A_6  : i32 {
      %broadcast_in_dim3A = arith.constant 0.000000e+00 : f32
      %broadcast_in_dim3A_360 = vector.broadcast %broadcast_in_dim3A : f32 to vector<16xf32>
      %swap3A = arith.constant 0 : i32
      %swap3A_361 = arith.index_cast %swap3A : i32 to index
      %swap3A_362 = arith.index_cast %scan3A_359 : i32 to index
      %swap3A_363 = arith.constant 0 : index
      %swap3A_364 = tpu.vector_load %arg20[%swap3A_361, %swap3A_362, %swap3A_363] {strides = array<i32>} : memref<7x40x128xf32, #tpu.memory_space<vmem>>, vector<1x1x16xf32>,
      %swap3A_365 = vector.shape_cast %swap3A_364 : vector<1x1x16xf32> to vector<16xf32>
      %swap3A_366 = vector.shape_cast %broadcast_in_dim3A_360 : vector<16xf32> to vector<1x1x16xf32>
      tpu.vector_store %arg20[%swap3A_361, %swap3A_362, %swap3A_363], %swap3A_366 {strides = array<i32>} : memref<7x40x128xf32, #tpu.memory_space<vmem>>, vector<1x1x16xf32>,
      %broadcast_in_dim3A_367 = arith.constant 0.000000e+00 : f32
      %broadcast_in_dim3A_368 = vector.broadcast %broadcast_in_dim3A_367 : f32 to vector<16xf32>
      %swap3A_369 = arith.constant 0 : i32
      %swap3A_370 = arith.index_cast %swap3A_369 : i32 to index
      %swap3A_371 = arith.index_cast %scan3A_359 : i32 to index
      %swap3A_372 = arith.constant 16 : index
      %swap3A_373 = tpu.vector_load %arg20[%swap3A_370, %swap3A_371, %swap3A_372] {strides = array<i32>} : memref<7x40x128xf32, #tpu.memory_space<vmem>>, vector<1x1x16xf32>,
      %swap3A_374 = vector.shape_cast %swap3A_373 : vector<1x1x16xf32> to vector<16xf32>
      %swap3A_375 = vector.shape_cast %broadcast_in_dim3A_368 : vector<16xf32> to vector<1x1x16xf32>
      tpu.vector_store %arg20[%swap3A_370, %swap3A_371, %swap3A_372], %swap3A_375 {strides = array<i32>} : memref<7x40x128xf32, #tpu.memory_space<vmem>>, vector<1x1x16xf32>,
      %broadcast_in_dim3A_376 = arith.constant 0.000000e+00 : f32
      %broadcast_in_dim3A_377 = vector.broadcast %broadcast_in_dim3A_376 : f32 to vector<16xf32>
      %swap3A_378 = arith.constant 0 : i32
      %swap3A_379 = arith.index_cast %swap3A_378 : i32 to index
      %swap3A_380 = arith.index_cast %scan3A_359 : i32 to index
      %swap3A_381 = arith.constant 32 : index
      %swap3A_382 = tpu.vector_load %arg20[%swap3A_379, %swap3A_380, %swap3A_381] {strides = array<i32>} : memref<7x40x128xf32, #tpu.memory_space<vmem>>, vector<1x1x16xf32>,
      %swap3A_383 = vector.shape_cast %swap3A_382 : vector<1x1x16xf32> to vector<16xf32>
      %swap3A_384 = vector.shape_cast %broadcast_in_dim3A_377 : vector<16xf32> to vector<1x1x16xf32>
      tpu.vector_store %arg20[%swap3A_379, %swap3A_380, %swap3A_381], %swap3A_384 {strides = array<i32>} : memref<7x40x128xf32, #tpu.memory_space<vmem>>, vector<1x1x16xf32>,
      %broadcast_in_dim3A_385 = arith.constant 0.000000e+00 : f32
      %broadcast_in_dim3A_386 = vector.broadcast %broadcast_in_dim3A_385 : f32 to vector<16xf32>
      %swap3A_387 = arith.constant 0 : i32
      %swap3A_388 = arith.index_cast %swap3A_387 : i32 to index
      %swap3A_389 = arith.index_cast %scan3A_359 : i32 to index
      %swap3A_390 = arith.constant 48 : index
      %swap3A_391 = tpu.vector_load %arg20[%swap3A_388, %swap3A_389, %swap3A_390] {strides = array<i32>} : memref<7x40x128xf32, #tpu.memory_space<vmem>>, vector<1x1x16xf32>,
      %swap3A_392 = vector.shape_cast %swap3A_391 : vector<1x1x16xf32> to vector<16xf32>
      %swap3A_393 = vector.shape_cast %broadcast_in_dim3A_386 : vector<16xf32> to vector<1x1x16xf32>
      tpu.vector_store %arg20[%swap3A_388, %swap3A_389, %swap3A_390], %swap3A_393 {strides = array<i32>} : memref<7x40x128xf32, #tpu.memory_space<vmem>>, vector<1x1x16xf32>,
      %broadcast_in_dim3A_394 = arith.constant 0.000000e+00 : f32
      %broadcast_in_dim3A_395 = vector.broadcast %broadcast_in_dim3A_394 : f32 to vector<16xf32>
      %swap3A_396 = arith.constant 0 : i32
      %swap3A_397 = arith.index_cast %swap3A_396 : i32 to index
      %swap3A_398 = arith.index_cast %scan3A_359 : i32 to index
      %swap3A_399 = arith.constant 64 : index
      %swap3A_400 = tpu.vector_load %arg20[%swap3A_397, %swap3A_398, %swap3A_399] {strides = array<i32>} : memref<7x40x128xf32, #tpu.memory_space<vmem>>, vector<1x1x16xf32>,
      %swap3A_401 = vector.shape_cast %swap3A_400 : vector<1x1x16xf32> to vector<16xf32>
      %swap3A_402 = vector.shape_cast %broadcast_in_dim3A_395 : vector<16xf32> to vector<1x1x16xf32>
      tpu.vector_store %arg20[%swap3A_397, %swap3A_398, %swap3A_399], %swap3A_402 {strides = array<i32>} : memref<7x40x128xf32, #tpu.memory_space<vmem>>, vector<1x1x16xf32>,
      %broadcast_in_dim3A_403 = arith.constant 0.000000e+00 : f32
      %broadcast_in_dim3A_404 = vector.broadcast %broadcast_in_dim3A_403 : f32 to vector<16xf32>
      %swap3A_405 = arith.constant 0 : i32
      %swap3A_406 = arith.index_cast %swap3A_405 : i32 to index
      %swap3A_407 = arith.index_cast %scan3A_359 : i32 to index
      %swap3A_408 = arith.constant 80 : index
      %swap3A_409 = tpu.vector_load %arg20[%swap3A_406, %swap3A_407, %swap3A_408] {strides = array<i32>} : memref<7x40x128xf32, #tpu.memory_space<vmem>>, vector<1x1x16xf32>,
      %swap3A_410 = vector.shape_cast %swap3A_409 : vector<1x1x16xf32> to vector<16xf32>
      %swap3A_411 = vector.shape_cast %broadcast_in_dim3A_404 : vector<16xf32> to vector<1x1x16xf32>
      tpu.vector_store %arg20[%swap3A_406, %swap3A_407, %swap3A_408], %swap3A_411 {strides = array<i32>} : memref<7x40x128xf32, #tpu.memory_space<vmem>>, vector<1x1x16xf32>,
      %broadcast_in_dim3A_412 = arith.constant 0.000000e+00 : f32
      %broadcast_in_dim3A_413 = vector.broadcast %broadcast_in_dim3A_412 : f32 to vector<16xf32>
      %swap3A_414 = arith.constant 0 : i32
      %swap3A_415 = arith.index_cast %swap3A_414 : i32 to index
      %swap3A_416 = arith.index_cast %scan3A_359 : i32 to index
      %swap3A_417 = arith.constant 96 : index
      %swap3A_418 = tpu.vector_load %arg20[%swap3A_415, %swap3A_416, %swap3A_417] {strides = array<i32>} : memref<7x40x128xf32, #tpu.memory_space<vmem>>, vector<1x1x16xf32>,
      %swap3A_419 = vector.shape_cast %swap3A_418 : vector<1x1x16xf32> to vector<16xf32>
      %swap3A_420 = vector.shape_cast %broadcast_in_dim3A_413 : vector<16xf32> to vector<1x1x16xf32>
      tpu.vector_store %arg20[%swap3A_415, %swap3A_416, %swap3A_417], %swap3A_420 {strides = array<i32>} : memref<7x40x128xf32, #tpu.memory_space<vmem>>, vector<1x1x16xf32>,
      %broadcast_in_dim3A_421 = arith.constant 0.000000e+00 : f32
      %broadcast_in_dim3A_422 = vector.broadcast %broadcast_in_dim3A_421 : f32 to vector<16xf32>
      %swap3A_423 = arith.constant 0 : i32
      %swap3A_424 = arith.index_cast %swap3A_423 : i32 to index
      %swap3A_425 = arith.index_cast %scan3A_359 : i32 to index
      %swap3A_426 = arith.constant 112 : index
      %swap3A_427 = tpu.vector_load %arg20[%swap3A_424, %swap3A_425, %swap3A_426] {strides = array<i32>} : memref<7x40x128xf32, #tpu.memory_space<vmem>>, vector<1x1x16xf32>,
      %swap3A_428 = vector.shape_cast %swap3A_427 : vector<1x1x16xf32> to vector<16xf32>
      %swap3A_429 = vector.shape_cast %broadcast_in_dim3A_422 : vector<16xf32> to vector<1x1x16xf32>
      tpu.vector_store %arg20[%swap3A_424, %swap3A_425, %swap3A_426], %swap3A_429 {strides = array<i32>} : memref<7x40x128xf32, #tpu.memory_space<vmem>>, vector<1x1x16xf32>,
    }
    %scan3A_7 = arith.constant 40 : i32
    %scan3A_8 = arith.constant 0 : i32
    %scan3A_9 = arith.constant 0 : i32
    %scan3A_10 = arith.constant 16 : i32
    %scan3A_11 = arith.addi %scan3A_9, %scan3A_10 : i32
    %scan3A_12 = arith.constant 1 : i32
    scf.for %scan3A_359 = %scan3A_9 to %scan3A_11 step %scan3A_12  : i32 {
      %mul3A_360 = arith.constant 640 : i32
      %mul3A_361 = arith.muli %arg1, %mul3A_360 : i32
      %mul3A_362 = arith.constant 40 : i32
      %mul3A_363 = arith.muli %scan3A_359, %mul3A_362 : i32
      %add3A_364 = arith.addi %mul3A_361, %mul3A_363 : i32
      %run_scoped3A = arith.constant 0 : i32
      "tpu.region"() ({
        %run_scoped3A_365 = tpu.sem_alloc : memref<!tpu.dma_semaphore, #tpu.memory_space<semaphore_mem>>
        %dma_start3A_366 = arith.constant 0 : i32
        %dma_start3A_367 = arith.constant 0 : i32
        %dma_start3A_368 = tpu.memref_slice %arg20[%run_scoped3A, %dma_start3A_366, %dma_start3A_367] : memref<7x40x128xf32, #tpu.memory_space<vmem>> -> memref<1x40x128xf32, #tpu.memory_space<vmem>>
        %dma_start3A_369 = tpu.memref_squeeze %dma_start3A_368 : memref<1x40x128xf32, #tpu.memory_space<vmem>> -> memref<40x128xf32, #tpu.memory_space<vmem>>
        %dma_start3A_370 = arith.constant 0 : i32
        %dma_start3A_371 = tpu.memref_slice %arg21[%add3A_364, %dma_start3A_370] : memref<10240x128xf32, #tpu.memory_space<vmem_shared>> -> memref<40x128xf32, #tpu.memory_space<vmem_shared>>
        %dma_start3A_372 = arith.constant 0 : i32
        %dma_start3A_373 = tpu.memref_slice %arg21[%add3A_364, %dma_start3A_372] : memref<10240x128xf32, #tpu.memory_space<vmem_shared>> -> memref<40x128xf32, #tpu.memory_space<vmem_shared>>
        %dma_start3A_374 = arith.constant 0 : i32
        %dma_start3A_375 = arith.constant 0 : i32
        %dma_start3A_376 = tpu.memref_slice %arg20[%run_scoped3A, %dma_start3A_374, %dma_start3A_375] : memref<7x40x128xf32, #tpu.memory_space<vmem>> -> memref<1x40x128xf32, #tpu.memory_space<vmem>>
        %dma_start3A_377 = tpu.memref_squeeze %dma_start3A_376 : memref<1x40x128xf32, #tpu.memory_space<vmem>> -> memref<40x128xf32, #tpu.memory_space<vmem>>
        tpu.enqueue_dma source(%dma_start3A_377 : memref<40x128xf32, #tpu.memory_space<vmem>>) target(%dma_start3A_373 : memref<40x128xf32, #tpu.memory_space<vmem_shared>>) target_semaphore(%run_scoped3A_365 : memref<!tpu.dma_semaphore, #tpu.memory_space<semaphore_mem>>)
        %dma_wait3A_378 = arith.constant 0 : i32
        %dma_wait3A_379 = arith.constant 0 : i32
        %dma_wait3A_380 = tpu.memref_slice %arg20[%run_scoped3A, %dma_wait3A_378, %dma_wait3A_379] : memref<7x40x128xf32, #tpu.memory_space<vmem>> -> memref<1x40x128xf32, #tpu.memory_space<vmem>>
        %dma_wait3A_381 = tpu.memref_squeeze %dma_wait3A_380 : memref<1x40x128xf32, #tpu.memory_space<vmem>> -> memref<40x128xf32, #tpu.memory_space<vmem>>
        %dma_wait3A_382 = arith.constant 0 : i32
        %dma_wait3A_383 = tpu.memref_slice %arg21[%add3A_364, %dma_wait3A_382] : memref<10240x128xf32, #tpu.memory_space<vmem_shared>> -> memref<40x128xf32, #tpu.memory_space<vmem_shared>>
        %dma_wait3A_384 = arith.constant 0 : i32
        %dma_wait3A_385 = tpu.memref_slice %arg21[%add3A_364, %dma_wait3A_384] : memref<10240x128xf32, #tpu.memory_space<vmem_shared>> -> memref<40x128xf32, #tpu.memory_space<vmem_shared>>
        %dma_wait3A_386 = arith.constant 0 : i32
        %dma_wait3A_387 = arith.constant 0 : i32
        %dma_wait3A_388 = tpu.memref_slice %arg20[%run_scoped3A, %dma_wait3A_386, %dma_wait3A_387] : memref<7x40x128xf32, #tpu.memory_space<vmem>> -> memref<1x40x128xf32, #tpu.memory_space<vmem>>
        %dma_wait3A_389 = tpu.memref_squeeze %dma_wait3A_388 : memref<1x40x128xf32, #tpu.memory_space<vmem>> -> memref<40x128xf32, #tpu.memory_space<vmem>>
        tpu.wait_dma2 semaphore(%run_scoped3A_365 : memref<!tpu.dma_semaphore, #tpu.memory_space<semaphore_mem>>) src(%dma_wait3A_389 : memref<40x128xf32, #tpu.memory_space<vmem>>) dst(%dma_wait3A_385 : memref<40x128xf32, #tpu.memory_space<vmem_shared>>)
        tpu.yield
      }) : () -> ()
    }
    %scan3A_13 = arith.constant 16 : i32
    %barrier3A = arith.constant 0 : index
    tpu.barrier barrier_id(%barrier3A)
    %add3A_14 = arith.constant 0 : i32
    %add3A_15 = arith.addi %mul3A_2, %add3A_14 : i32
    %dma_start3A = arith.constant 0 : i32
    %dma_start3A_16 = tpu.memref_slice %arg2[%add3A_15, %dma_start3A] : memref<8000x40xi32, #tpu.memory_space<hbm>> -> memref<1x40xi32, #tpu.memory_space<hbm>>
    %dma_start3A_17 = tpu.memref_squeeze %dma_start3A_16 : memref<1x40xi32, #tpu.memory_space<hbm>> -> memref<40xi32, #tpu.memory_space<hbm>>
    %dma_start3A_18 = arith.constant 0 : i32
    %dma_start3A_19 = tpu.memref_slice %arg2[%add3A_15, %dma_start3A_18] : memref<8000x40xi32, #tpu.memory_space<hbm>> -> memref<1x40xi32, #tpu.memory_space<hbm>>
    %dma_start3A_20 = tpu.memref_squeeze %dma_start3A_19 : memref<1x40xi32, #tpu.memory_space<hbm>> -> memref<40xi32, #tpu.memory_space<hbm>>
    tpu.enqueue_dma source(%dma_start3A_20 : memref<40xi32, #tpu.memory_space<hbm>>) target(%arg6 : memref<40xi32, #tpu.memory_space<vmem>>) target_semaphore(%arg22 : memref<!tpu.dma_semaphore, #tpu.memory_space<semaphore_mem>>)
    %add3A_21 = arith.constant 0 : i32
    %add3A_22 = arith.addi %mul3A_2, %add3A_21 : i32
    %dma_start3A_23 = arith.constant 0 : i32
    %dma_start3A_24 = tpu.memref_slice %arg3[%add3A_22, %dma_start3A_23] : memref<8000x40xi32, #tpu.memory_space<hbm>> -> memref<1x40xi32, #tpu.memory_space<hbm>>
    %dma_start3A_25 = tpu.memref_squeeze %dma_start3A_24 : memref<1x40xi32, #tpu.memory_space<hbm>> -> memref<40xi32, #tpu.memory_space<hbm>>
    %dma_start3A_26 = arith.constant 0 : i32
    %dma_start3A_27 = tpu.memref_slice %arg3[%add3A_22, %dma_start3A_26] : memref<8000x40xi32, #tpu.memory_space<hbm>> -> memref<1x40xi32, #tpu.memory_space<hbm>>
    %dma_start3A_28 = tpu.memref_squeeze %dma_start3A_27 : memref<1x40xi32, #tpu.memory_space<hbm>> -> memref<40xi32, #tpu.memory_space<hbm>>
    tpu.enqueue_dma source(%dma_start3A_28 : memref<40xi32, #tpu.memory_space<hbm>>) target(%arg13 : memref<40xi32, #tpu.memory_space<vmem>>) target_semaphore(%arg22 : memref<!tpu.dma_semaphore, #tpu.memory_space<semaphore_mem>>)
    %add3A_29 = arith.constant 1 : i32
    %add3A_30 = arith.addi %mul3A_2, %add3A_29 : i32
    %dma_start3A_31 = arith.constant 0 : i32
    %dma_start3A_32 = tpu.memref_slice %arg2[%add3A_30, %dma_start3A_31] : memref<8000x40xi32, #tpu.memory_space<hbm>> -> memref<1x40xi32, #tpu.memory_space<hbm>>
    %dma_start3A_33 = tpu.memref_squeeze %dma_start3A_32 : memref<1x40xi32, #tpu.memory_space<hbm>> -> memref<40xi32, #tpu.memory_space<hbm>>
    %dma_start3A_34 = arith.constant 0 : i32
    %dma_start3A_35 = tpu.memref_slice %arg2[%add3A_30, %dma_start3A_34] : memref<8000x40xi32, #tpu.memory_space<hbm>> -> memref<1x40xi32, #tpu.memory_space<hbm>>
    %dma_start3A_36 = tpu.memref_squeeze %dma_start3A_35 : memref<1x40xi32, #tpu.memory_space<hbm>> -> memref<40xi32, #tpu.memory_space<hbm>>
    tpu.enqueue_dma source(%dma_start3A_36 : memref<40xi32, #tpu.memory_space<hbm>>) target(%arg7 : memref<40xi32, #tpu.memory_space<vmem>>) target_semaphore(%arg23 : memref<!tpu.dma_semaphore, #tpu.memory_space<semaphore_mem>>)
    %add3A_37 = arith.constant 1 : i32
    %add3A_38 = arith.addi %mul3A_2, %add3A_37 : i32
    %dma_start3A_39 = arith.constant 0 : i32
    %dma_start3A_40 = tpu.memref_slice %arg3[%add3A_38, %dma_start3A_39] : memref<8000x40xi32, #tpu.memory_space<hbm>> -> memref<1x40xi32, #tpu.memory_space<hbm>>
    %dma_start3A_41 = tpu.memref_squeeze %dma_start3A_40 : memref<1x40xi32, #tpu.memory_space<hbm>> -> memref<40xi32, #tpu.memory_space<hbm>>
    %dma_start3A_42 = arith.constant 0 : i32
    %dma_start3A_43 = tpu.memref_slice %arg3[%add3A_38, %dma_start3A_42] : memref<8000x40xi32, #tpu.memory_space<hbm>> -> memref<1x40xi32, #tpu.memory_space<hbm>>
    %dma_start3A_44 = tpu.memref_squeeze %dma_start3A_43 : memref<1x40xi32, #tpu.memory_space<hbm>> -> memref<40xi32, #tpu.memory_space<hbm>>
    tpu.enqueue_dma source(%dma_start3A_44 : memref<40xi32, #tpu.memory_space<hbm>>) target(%arg14 : memref<40xi32, #tpu.memory_space<vmem>>) target_semaphore(%arg23 : memref<!tpu.dma_semaphore, #tpu.memory_space<semaphore_mem>>)
    %add3A_45 = arith.constant 2 : i32
    %add3A_46 = arith.addi %mul3A_2, %add3A_45 : i32
    %dma_start3A_47 = arith.constant 0 : i32
    %dma_start3A_48 = tpu.memref_slice %arg2[%add3A_46, %dma_start3A_47] : memref<8000x40xi32, #tpu.memory_space<hbm>> -> memref<1x40xi32, #tpu.memory_space<hbm>>
    %dma_start3A_49 = tpu.memref_squeeze %dma_start3A_48 : memref<1x40xi32, #tpu.memory_space<hbm>> -> memref<40xi32, #tpu.memory_space<hbm>>
    %dma_start3A_50 = arith.constant 0 : i32
    %dma_start3A_51 = tpu.memref_slice %arg2[%add3A_46, %dma_start3A_50] : memref<8000x40xi32, #tpu.memory_space<hbm>> -> memref<1x40xi32, #tpu.memory_space<hbm>>
    %dma_start3A_52 = tpu.memref_squeeze %dma_start3A_51 : memref<1x40xi32, #tpu.memory_space<hbm>> -> memref<40xi32, #tpu.memory_space<hbm>>
    tpu.enqueue_dma source(%dma_start3A_52 : memref<40xi32, #tpu.memory_space<hbm>>) target(%arg8 : memref<40xi32, #tpu.memory_space<vmem>>) target_semaphore(%arg24 : memref<!tpu.dma_semaphore, #tpu.memory_space<semaphore_mem>>)
    %add3A_53 = arith.constant 2 : i32
    %add3A_54 = arith.addi %mul3A_2, %add3A_53 : i32
    %dma_start3A_55 = arith.constant 0 : i32
    %dma_start3A_56 = tpu.memref_slice %arg3[%add3A_54, %dma_start3A_55] : memref<8000x40xi32, #tpu.memory_space<hbm>> -> memref<1x40xi32, #tpu.memory_space<hbm>>
    %dma_start3A_57 = tpu.memref_squeeze %dma_start3A_56 : memref<1x40xi32, #tpu.memory_space<hbm>> -> memref<40xi32, #tpu.memory_space<hbm>>
    %dma_start3A_58 = arith.constant 0 : i32
    %dma_start3A_59 = tpu.memref_slice %arg3[%add3A_54, %dma_start3A_58] : memref<8000x40xi32, #tpu.memory_space<hbm>> -> memref<1x40xi32, #tpu.memory_space<hbm>>
    %dma_start3A_60 = tpu.memref_squeeze %dma_start3A_59 : memref<1x40xi32, #tpu.memory_space<hbm>> -> memref<40xi32, #tpu.memory_space<hbm>>
    tpu.enqueue_dma source(%dma_start3A_60 : memref<40xi32, #tpu.memory_space<hbm>>) target(%arg15 : memref<40xi32, #tpu.memory_space<vmem>>) target_semaphore(%arg24 : memref<!tpu.dma_semaphore, #tpu.memory_space<semaphore_mem>>)
    %add3A_61 = arith.constant 3 : i32
    %add3A_62 = arith.addi %mul3A_2, %add3A_61 : i32
    %dma_start3A_63 = arith.constant 0 : i32
    %dma_start3A_64 = tpu.memref_slice %arg2[%add3A_62, %dma_start3A_63] : memref<8000x40xi32, #tpu.memory_space<hbm>> -> memref<1x40xi32, #tpu.memory_space<hbm>>
    %dma_start3A_65 = tpu.memref_squeeze %dma_start3A_64 : memref<1x40xi32, #tpu.memory_space<hbm>> -> memref<40xi32, #tpu.memory_space<hbm>>
    %dma_start3A_66 = arith.constant 0 : i32
    %dma_start3A_67 = tpu.memref_slice %arg2[%add3A_62, %dma_start3A_66] : memref<8000x40xi32, #tpu.memory_space<hbm>> -> memref<1x40xi32, #tpu.memory_space<hbm>>
    %dma_start3A_68 = tpu.memref_squeeze %dma_start3A_67 : memref<1x40xi32, #tpu.memory_space<hbm>> -> memref<40xi32, #tpu.memory_space<hbm>>
    tpu.enqueue_dma source(%dma_start3A_68 : memref<40xi32, #tpu.memory_space<hbm>>) target(%arg9 : memref<40xi32, #tpu.memory_space<vmem>>) target_semaphore(%arg25 : memref<!tpu.dma_semaphore, #tpu.memory_space<semaphore_mem>>)
    %add3A_69 = arith.constant 3 : i32
    %add3A_70 = arith.addi %mul3A_2, %add3A_69 : i32
    %dma_start3A_71 = arith.constant 0 : i32
    %dma_start3A_72 = tpu.memref_slice %arg3[%add3A_70, %dma_start3A_71] : memref<8000x40xi32, #tpu.memory_space<hbm>> -> memref<1x40xi32, #tpu.memory_space<hbm>>
    %dma_start3A_73 = tpu.memref_squeeze %dma_start3A_72 : memref<1x40xi32, #tpu.memory_space<hbm>> -> memref<40xi32, #tpu.memory_space<hbm>>
    %dma_start3A_74 = arith.constant 0 : i32
    %dma_start3A_75 = tpu.memref_slice %arg3[%add3A_70, %dma_start3A_74] : memref<8000x40xi32, #tpu.memory_space<hbm>> -> memref<1x40xi32, #tpu.memory_space<hbm>>
    %dma_start3A_76 = tpu.memref_squeeze %dma_start3A_75 : memref<1x40xi32, #tpu.memory_space<hbm>> -> memref<40xi32, #tpu.memory_space<hbm>>
    tpu.enqueue_dma source(%dma_start3A_76 : memref<40xi32, #tpu.memory_space<hbm>>) target(%arg16 : memref<40xi32, #tpu.memory_space<vmem>>) target_semaphore(%arg25 : memref<!tpu.dma_semaphore, #tpu.memory_space<semaphore_mem>>)
    %add3A_77 = arith.constant 4 : i32
    %add3A_78 = arith.addi %mul3A_2, %add3A_77 : i32
    %dma_start3A_79 = arith.constant 0 : i32
    %dma_start3A_80 = tpu.memref_slice %arg2[%add3A_78, %dma_start3A_79] : memref<8000x40xi32, #tpu.memory_space<hbm>> -> memref<1x40xi32, #tpu.memory_space<hbm>>
    %dma_start3A_81 = tpu.memref_squeeze %dma_start3A_80 : memref<1x40xi32, #tpu.memory_space<hbm>> -> memref<40xi32, #tpu.memory_space<hbm>>
    %dma_start3A_82 = arith.constant 0 : i32
    %dma_start3A_83 = tpu.memref_slice %arg2[%add3A_78, %dma_start3A_82] : memref<8000x40xi32, #tpu.memory_space<hbm>> -> memref<1x40xi32, #tpu.memory_space<hbm>>
    %dma_start3A_84 = tpu.memref_squeeze %dma_start3A_83 : memref<1x40xi32, #tpu.memory_space<hbm>> -> memref<40xi32, #tpu.memory_space<hbm>>
    tpu.enqueue_dma source(%dma_start3A_84 : memref<40xi32, #tpu.memory_space<hbm>>) target(%arg10 : memref<40xi32, #tpu.memory_space<vmem>>) target_semaphore(%arg26 : memref<!tpu.dma_semaphore, #tpu.memory_space<semaphore_mem>>)
    %add3A_85 = arith.constant 4 : i32
    %add3A_86 = arith.addi %mul3A_2, %add3A_85 : i32
    %dma_start3A_87 = arith.constant 0 : i32
    %dma_start3A_88 = tpu.memref_slice %arg3[%add3A_86, %dma_start3A_87] : memref<8000x40xi32, #tpu.memory_space<hbm>> -> memref<1x40xi32, #tpu.memory_space<hbm>>
    %dma_start3A_89 = tpu.memref_squeeze %dma_start3A_88 : memref<1x40xi32, #tpu.memory_space<hbm>> -> memref<40xi32, #tpu.memory_space<hbm>>
    %dma_start3A_90 = arith.constant 0 : i32
    %dma_start3A_91 = tpu.memref_slice %arg3[%add3A_86, %dma_start3A_90] : memref<8000x40xi32, #tpu.memory_space<hbm>> -> memref<1x40xi32, #tpu.memory_space<hbm>>
    %dma_start3A_92 = tpu.memref_squeeze %dma_start3A_91 : memref<1x40xi32, #tpu.memory_space<hbm>> -> memref<40xi32, #tpu.memory_space<hbm>>
    tpu.enqueue_dma source(%dma_start3A_92 : memref<40xi32, #tpu.memory_space<hbm>>) target(%arg17 : memref<40xi32, #tpu.memory_space<vmem>>) target_semaphore(%arg26 : memref<!tpu.dma_semaphore, #tpu.memory_space<semaphore_mem>>)
    %add3A_93 = arith.constant 5 : i32
    %add3A_94 = arith.addi %mul3A_2, %add3A_93 : i32
    %dma_start3A_95 = arith.constant 0 : i32
    %dma_start3A_96 = tpu.memref_slice %arg2[%add3A_94, %dma_start3A_95] : memref<8000x40xi32, #tpu.memory_space<hbm>> -> memref<1x40xi32, #tpu.memory_space<hbm>>
    %dma_start3A_97 = tpu.memref_squeeze %dma_start3A_96 : memref<1x40xi32, #tpu.memory_space<hbm>> -> memref<40xi32, #tpu.memory_space<hbm>>
    %dma_start3A_98 = arith.constant 0 : i32
    %dma_start3A_99 = tpu.memref_slice %arg2[%add3A_94, %dma_start3A_98] : memref<8000x40xi32, #tpu.memory_space<hbm>> -> memref<1x40xi32, #tpu.memory_space<hbm>>
    %dma_start3A_100 = tpu.memref_squeeze %dma_start3A_99 : memref<1x40xi32, #tpu.memory_space<hbm>> -> memref<40xi32, #tpu.memory_space<hbm>>
    tpu.enqueue_dma source(%dma_start3A_100 : memref<40xi32, #tpu.memory_space<hbm>>) target(%arg11 : memref<40xi32, #tpu.memory_space<vmem>>) target_semaphore(%arg27 : memref<!tpu.dma_semaphore, #tpu.memory_space<semaphore_mem>>)
    %add3A_101 = arith.constant 5 : i32
    %add3A_102 = arith.addi %mul3A_2, %add3A_101 : i32
    %dma_start3A_103 = arith.constant 0 : i32
    %dma_start3A_104 = tpu.memref_slice %arg3[%add3A_102, %dma_start3A_103] : memref<8000x40xi32, #tpu.memory_space<hbm>> -> memref<1x40xi32, #tpu.memory_space<hbm>>
    %dma_start3A_105 = tpu.memref_squeeze %dma_start3A_104 : memref<1x40xi32, #tpu.memory_space<hbm>> -> memref<40xi32, #tpu.memory_space<hbm>>
    %dma_start3A_106 = arith.constant 0 : i32
    %dma_start3A_107 = tpu.memref_slice %arg3[%add3A_102, %dma_start3A_106] : memref<8000x40xi32, #tpu.memory_space<hbm>> -> memref<1x40xi32, #tpu.memory_space<hbm>>
    %dma_start3A_108 = tpu.memref_squeeze %dma_start3A_107 : memref<1x40xi32, #tpu.memory_space<hbm>> -> memref<40xi32, #tpu.memory_space<hbm>>
    tpu.enqueue_dma source(%dma_start3A_108 : memref<40xi32, #tpu.memory_space<hbm>>) target(%arg18 : memref<40xi32, #tpu.memory_space<vmem>>) target_semaphore(%arg27 : memref<!tpu.dma_semaphore, #tpu.memory_space<semaphore_mem>>)
    %dma_wait3A = arith.constant 0 : i32
    %dma_wait3A_109 = arith.constant 0 : i32
    %dma_wait3A_110 = tpu.memref_slice %arg2[%dma_wait3A, %dma_wait3A_109] : memref<8000x40xi32, #tpu.memory_space<hbm>> -> memref<1x40xi32, #tpu.memory_space<hbm>>
    %dma_wait3A_111 = tpu.memref_squeeze %dma_wait3A_110 : memref<1x40xi32, #tpu.memory_space<hbm>> -> memref<40xi32, #tpu.memory_space<hbm>>
    %dma_wait3A_112 = arith.constant 0 : i32
    %dma_wait3A_113 = tpu.memref_slice %arg2[%dma_wait3A, %dma_wait3A_112] : memref<8000x40xi32, #tpu.memory_space<hbm>> -> memref<1x40xi32, #tpu.memory_space<hbm>>
    %dma_wait3A_114 = tpu.memref_squeeze %dma_wait3A_113 : memref<1x40xi32, #tpu.memory_space<hbm>> -> memref<40xi32, #tpu.memory_space<hbm>>
    tpu.wait_dma2 semaphore(%arg22 : memref<!tpu.dma_semaphore, #tpu.memory_space<semaphore_mem>>) src(%dma_wait3A_114 : memref<40xi32, #tpu.memory_space<hbm>>) dst(%arg6 : memref<40xi32, #tpu.memory_space<vmem>>)
    %dma_wait3A_115 = arith.constant 0 : i32
    %dma_wait3A_116 = arith.constant 0 : i32
    %dma_wait3A_117 = tpu.memref_slice %arg3[%dma_wait3A_115, %dma_wait3A_116] : memref<8000x40xi32, #tpu.memory_space<hbm>> -> memref<1x40xi32, #tpu.memory_space<hbm>>
    %dma_wait3A_118 = tpu.memref_squeeze %dma_wait3A_117 : memref<1x40xi32, #tpu.memory_space<hbm>> -> memref<40xi32, #tpu.memory_space<hbm>>
    %dma_wait3A_119 = arith.constant 0 : i32
    %dma_wait3A_120 = tpu.memref_slice %arg3[%dma_wait3A_115, %dma_wait3A_119] : memref<8000x40xi32, #tpu.memory_space<hbm>> -> memref<1x40xi32, #tpu.memory_space<hbm>>
    %dma_wait3A_121 = tpu.memref_squeeze %dma_wait3A_120 : memref<1x40xi32, #tpu.memory_space<hbm>> -> memref<40xi32, #tpu.memory_space<hbm>>
    tpu.wait_dma2 semaphore(%arg22 : memref<!tpu.dma_semaphore, #tpu.memory_space<semaphore_mem>>) src(%dma_wait3A_121 : memref<40xi32, #tpu.memory_space<hbm>>) dst(%arg13 : memref<40xi32, #tpu.memory_space<vmem>>)
    %dma_start3A_122 = arith.constant 0 : i32
    %dma_start3A_123 = arith.constant 0 : i32
    %dma_start3A_124 = arith.constant 0 : i32
    %dma_start3A_125 = tpu.memref_slice %arg20[%dma_start3A_122, %dma_start3A_123, %dma_start3A_124] : memref<7x40x128xf32, #tpu.memory_space<vmem>> -> memref<1x40x128xf32, #tpu.memory_space<vmem>>
    %dma_start3A_126 = tpu.memref_squeeze %dma_start3A_125 : memref<1x40x128xf32, #tpu.memory_space<vmem>> -> memref<40x128xf32, #tpu.memory_space<vmem>>
    %dma_start3A_127 = arith.constant 0 : i32
    %dma_start3A_128 = arith.constant 0 : i32
    %dma_start3A_129 = tpu.memref_slice %arg4[%dma_start3A_127, %dma_start3A_128] : memref<10000x128xf32, #tpu.memory_space<hbm>> -> memref<10000x128xf32, #tpu.memory_space<hbm>>
    tpu.enqueue_indirect_dma source(%dma_start3A_129 : memref<10000x128xf32, #tpu.memory_space<hbm>>) target(%dma_start3A_126 : memref<40x128xf32, #tpu.memory_space<vmem>>) offsets(%arg6 : memref<40xi32, #tpu.memory_space<vmem>>) semaphore(%arg29 : memref<!tpu.dma_semaphore, #tpu.memory_space<semaphore_mem>>)
    %dma_wait3A_130 = arith.constant 0 : i32
    %dma_wait3A_131 = arith.constant 0 : i32
    %dma_wait3A_132 = tpu.memref_slice %arg2[%dma_wait3A_130, %dma_wait3A_131] : memref<8000x40xi32, #tpu.memory_space<hbm>> -> memref<1x40xi32, #tpu.memory_space<hbm>>
    %dma_wait3A_133 = tpu.memref_squeeze %dma_wait3A_132 : memref<1x40xi32, #tpu.memory_space<hbm>> -> memref<40xi32, #tpu.memory_space<hbm>>
    %dma_wait3A_134 = arith.constant 0 : i32
    %dma_wait3A_135 = tpu.memref_slice %arg2[%dma_wait3A_130, %dma_wait3A_134] : memref<8000x40xi32, #tpu.memory_space<hbm>> -> memref<1x40xi32, #tpu.memory_space<hbm>>
    %dma_wait3A_136 = tpu.memref_squeeze %dma_wait3A_135 : memref<1x40xi32, #tpu.memory_space<hbm>> -> memref<40xi32, #tpu.memory_space<hbm>>
    tpu.wait_dma2 semaphore(%arg23 : memref<!tpu.dma_semaphore, #tpu.memory_space<semaphore_mem>>) src(%dma_wait3A_136 : memref<40xi32, #tpu.memory_space<hbm>>) dst(%arg7 : memref<40xi32, #tpu.memory_space<vmem>>)
    %dma_wait3A_137 = arith.constant 0 : i32
    %dma_wait3A_138 = arith.constant 0 : i32
    %dma_wait3A_139 = tpu.memref_slice %arg3[%dma_wait3A_137, %dma_wait3A_138] : memref<8000x40xi32, #tpu.memory_space<hbm>> -> memref<1x40xi32, #tpu.memory_space<hbm>>
    %dma_wait3A_140 = tpu.memref_squeeze %dma_wait3A_139 : memref<1x40xi32, #tpu.memory_space<hbm>> -> memref<40xi32, #tpu.memory_space<hbm>>
    %dma_wait3A_141 = arith.constant 0 : i32
    %dma_wait3A_142 = tpu.memref_slice %arg3[%dma_wait3A_137, %dma_wait3A_141] : memref<8000x40xi32, #tpu.memory_space<hbm>> -> memref<1x40xi32, #tpu.memory_space<hbm>>
    %dma_wait3A_143 = tpu.memref_squeeze %dma_wait3A_142 : memref<1x40xi32, #tpu.memory_space<hbm>> -> memref<40xi32, #tpu.memory_space<hbm>>
    tpu.wait_dma2 semaphore(%arg23 : memref<!tpu.dma_semaphore, #tpu.memory_space<semaphore_mem>>) src(%dma_wait3A_143 : memref<40xi32, #tpu.memory_space<hbm>>) dst(%arg14 : memref<40xi32, #tpu.memory_space<vmem>>)
    %dma_start3A_144 = arith.constant 1 : i32
    %dma_start3A_145 = arith.constant 0 : i32
    %dma_start3A_146 = arith.constant 0 : i32
    %dma_start3A_147 = tpu.memref_slice %arg20[%dma_start3A_144, %dma_start3A_145, %dma_start3A_146] : memref<7x40x128xf32, #tpu.memory_space<vmem>> -> memref<1x40x128xf32, #tpu.memory_space<vmem>>
    %dma_start3A_148 = tpu.memref_squeeze %dma_start3A_147 : memref<1x40x128xf32, #tpu.memory_space<vmem>> -> memref<40x128xf32, #tpu.memory_space<vmem>>
    %dma_start3A_149 = arith.constant 0 : i32
    %dma_start3A_150 = arith.constant 0 : i32
    %dma_start3A_151 = tpu.memref_slice %arg4[%dma_start3A_149, %dma_start3A_150] : memref<10000x128xf32, #tpu.memory_space<hbm>> -> memref<10000x128xf32, #tpu.memory_space<hbm>>
    tpu.enqueue_indirect_dma source(%dma_start3A_151 : memref<10000x128xf32, #tpu.memory_space<hbm>>) target(%dma_start3A_148 : memref<40x128xf32, #tpu.memory_space<vmem>>) offsets(%arg7 : memref<40xi32, #tpu.memory_space<vmem>>) semaphore(%arg30 : memref<!tpu.dma_semaphore, #tpu.memory_space<semaphore_mem>>)
    %dma_wait3A_152 = arith.constant 0 : i32
    %dma_wait3A_153 = arith.constant 0 : i32
    %dma_wait3A_154 = tpu.memref_slice %arg2[%dma_wait3A_152, %dma_wait3A_153] : memref<8000x40xi32, #tpu.memory_space<hbm>> -> memref<1x40xi32, #tpu.memory_space<hbm>>
    %dma_wait3A_155 = tpu.memref_squeeze %dma_wait3A_154 : memref<1x40xi32, #tpu.memory_space<hbm>> -> memref<40xi32, #tpu.memory_space<hbm>>
    %dma_wait3A_156 = arith.constant 0 : i32
    %dma_wait3A_157 = tpu.memref_slice %arg2[%dma_wait3A_152, %dma_wait3A_156] : memref<8000x40xi32, #tpu.memory_space<hbm>> -> memref<1x40xi32, #tpu.memory_space<hbm>>
    %dma_wait3A_158 = tpu.memref_squeeze %dma_wait3A_157 : memref<1x40xi32, #tpu.memory_space<hbm>> -> memref<40xi32, #tpu.memory_space<hbm>>
    tpu.wait_dma2 semaphore(%arg24 : memref<!tpu.dma_semaphore, #tpu.memory_space<semaphore_mem>>) src(%dma_wait3A_158 : memref<40xi32, #tpu.memory_space<hbm>>) dst(%arg8 : memref<40xi32, #tpu.memory_space<vmem>>)
    %dma_wait3A_159 = arith.constant 0 : i32
    %dma_wait3A_160 = arith.constant 0 : i32
    %dma_wait3A_161 = tpu.memref_slice %arg3[%dma_wait3A_159, %dma_wait3A_160] : memref<8000x40xi32, #tpu.memory_space<hbm>> -> memref<1x40xi32, #tpu.memory_space<hbm>>
    %dma_wait3A_162 = tpu.memref_squeeze %dma_wait3A_161 : memref<1x40xi32, #tpu.memory_space<hbm>> -> memref<40xi32, #tpu.memory_space<hbm>>
    %dma_wait3A_163 = arith.constant 0 : i32
    %dma_wait3A_164 = tpu.memref_slice %arg3[%dma_wait3A_159, %dma_wait3A_163] : memref<8000x40xi32, #tpu.memory_space<hbm>> -> memref<1x40xi32, #tpu.memory_space<hbm>>
    %dma_wait3A_165 = tpu.memref_squeeze %dma_wait3A_164 : memref<1x40xi32, #tpu.memory_space<hbm>> -> memref<40xi32, #tpu.memory_space<hbm>>
    tpu.wait_dma2 semaphore(%arg24 : memref<!tpu.dma_semaphore, #tpu.memory_space<semaphore_mem>>) src(%dma_wait3A_165 : memref<40xi32, #tpu.memory_space<hbm>>) dst(%arg15 : memref<40xi32, #tpu.memory_space<vmem>>)
    %dma_start3A_166 = arith.constant 2 : i32
    %dma_start3A_167 = arith.constant 0 : i32
    %dma_start3A_168 = arith.constant 0 : i32
    %dma_start3A_169 = tpu.memref_slice %arg20[%dma_start3A_166, %dma_start3A_167, %dma_start3A_168] : memref<7x40x128xf32, #tpu.memory_space<vmem>> -> memref<1x40x128xf32, #tpu.memory_space<vmem>>
    %dma_start3A_170 = tpu.memref_squeeze %dma_start3A_169 : memref<1x40x128xf32, #tpu.memory_space<vmem>> -> memref<40x128xf32, #tpu.memory_space<vmem>>
    %dma_start3A_171 = arith.constant 0 : i32
    %dma_start3A_172 = arith.constant 0 : i32
    %dma_start3A_173 = tpu.memref_slice %arg4[%dma_start3A_171, %dma_start3A_172] : memref<10000x128xf32, #tpu.memory_space<hbm>> -> memref<10000x128xf32, #tpu.memory_space<hbm>>
    tpu.enqueue_indirect_dma source(%dma_start3A_173 : memref<10000x128xf32, #tpu.memory_space<hbm>>) target(%dma_start3A_170 : memref<40x128xf32, #tpu.memory_space<vmem>>) offsets(%arg8 : memref<40xi32, #tpu.memory_space<vmem>>) semaphore(%arg31 : memref<!tpu.dma_semaphore, #tpu.memory_space<semaphore_mem>>)
    %dma_wait3A_174 = arith.constant 0 : i32
    %dma_wait3A_175 = arith.constant 0 : i32
    %dma_wait3A_176 = tpu.memref_slice %arg2[%dma_wait3A_174, %dma_wait3A_175] : memref<8000x40xi32, #tpu.memory_space<hbm>> -> memref<1x40xi32, #tpu.memory_space<hbm>>
    %dma_wait3A_177 = tpu.memref_squeeze %dma_wait3A_176 : memref<1x40xi32, #tpu.memory_space<hbm>> -> memref<40xi32, #tpu.memory_space<hbm>>
    %dma_wait3A_178 = arith.constant 0 : i32
    %dma_wait3A_179 = tpu.memref_slice %arg2[%dma_wait3A_174, %dma_wait3A_178] : memref<8000x40xi32, #tpu.memory_space<hbm>> -> memref<1x40xi32, #tpu.memory_space<hbm>>
    %dma_wait3A_180 = tpu.memref_squeeze %dma_wait3A_179 : memref<1x40xi32, #tpu.memory_space<hbm>> -> memref<40xi32, #tpu.memory_space<hbm>>
    tpu.wait_dma2 semaphore(%arg25 : memref<!tpu.dma_semaphore, #tpu.memory_space<semaphore_mem>>) src(%dma_wait3A_180 : memref<40xi32, #tpu.memory_space<hbm>>) dst(%arg9 : memref<40xi32, #tpu.memory_space<vmem>>)
    %dma_wait3A_181 = arith.constant 0 : i32
    %dma_wait3A_182 = arith.constant 0 : i32
    %dma_wait3A_183 = tpu.memref_slice %arg3[%dma_wait3A_181, %dma_wait3A_182] : memref<8000x40xi32, #tpu.memory_space<hbm>> -> memref<1x40xi32, #tpu.memory_space<hbm>>
    %dma_wait3A_184 = tpu.memref_squeeze %dma_wait3A_183 : memref<1x40xi32, #tpu.memory_space<hbm>> -> memref<40xi32, #tpu.memory_space<hbm>>
    %dma_wait3A_185 = arith.constant 0 : i32
    %dma_wait3A_186 = tpu.memref_slice %arg3[%dma_wait3A_181, %dma_wait3A_185] : memref<8000x40xi32, #tpu.memory_space<hbm>> -> memref<1x40xi32, #tpu.memory_space<hbm>>
    %dma_wait3A_187 = tpu.memref_squeeze %dma_wait3A_186 : memref<1x40xi32, #tpu.memory_space<hbm>> -> memref<40xi32, #tpu.memory_space<hbm>>
    tpu.wait_dma2 semaphore(%arg25 : memref<!tpu.dma_semaphore, #tpu.memory_space<semaphore_mem>>) src(%dma_wait3A_187 : memref<40xi32, #tpu.memory_space<hbm>>) dst(%arg16 : memref<40xi32, #tpu.memory_space<vmem>>)
    %dma_start3A_188 = arith.constant 3 : i32
    %dma_start3A_189 = arith.constant 0 : i32
    %dma_start3A_190 = arith.constant 0 : i32
    %dma_start3A_191 = tpu.memref_slice %arg20[%dma_start3A_188, %dma_start3A_189, %dma_start3A_190] : memref<7x40x128xf32, #tpu.memory_space<vmem>> -> memref<1x40x128xf32, #tpu.memory_space<vmem>>
    %dma_start3A_192 = tpu.memref_squeeze %dma_start3A_191 : memref<1x40x128xf32, #tpu.memory_space<vmem>> -> memref<40x128xf32, #tpu.memory_space<vmem>>
    %dma_start3A_193 = arith.constant 0 : i32
    %dma_start3A_194 = arith.constant 0 : i32
    %dma_start3A_195 = tpu.memref_slice %arg4[%dma_start3A_193, %dma_start3A_194] : memref<10000x128xf32, #tpu.memory_space<hbm>> -> memref<10000x128xf32, #tpu.memory_space<hbm>>
    tpu.enqueue_indirect_dma source(%dma_start3A_195 : memref<10000x128xf32, #tpu.memory_space<hbm>>) target(%dma_start3A_192 : memref<40x128xf32, #tpu.memory_space<vmem>>) offsets(%arg9 : memref<40xi32, #tpu.memory_space<vmem>>) semaphore(%arg32 : memref<!tpu.dma_semaphore, #tpu.memory_space<semaphore_mem>>)
    %dma_wait3A_196 = arith.constant 0 : i32
    %dma_wait3A_197 = arith.constant 0 : i32
    %dma_wait3A_198 = tpu.memref_slice %arg2[%dma_wait3A_196, %dma_wait3A_197] : memref<8000x40xi32, #tpu.memory_space<hbm>> -> memref<1x40xi32, #tpu.memory_space<hbm>>
    %dma_wait3A_199 = tpu.memref_squeeze %dma_wait3A_198 : memref<1x40xi32, #tpu.memory_space<hbm>> -> memref<40xi32, #tpu.memory_space<hbm>>
    %dma_wait3A_200 = arith.constant 0 : i32
    %dma_wait3A_201 = tpu.memref_slice %arg2[%dma_wait3A_196, %dma_wait3A_200] : memref<8000x40xi32, #tpu.memory_space<hbm>> -> memref<1x40xi32, #tpu.memory_space<hbm>>
    %dma_wait3A_202 = tpu.memref_squeeze %dma_wait3A_201 : memref<1x40xi32, #tpu.memory_space<hbm>> -> memref<40xi32, #tpu.memory_space<hbm>>
    tpu.wait_dma2 semaphore(%arg26 : memref<!tpu.dma_semaphore, #tpu.memory_space<semaphore_mem>>) src(%dma_wait3A_202 : memref<40xi32, #tpu.memory_space<hbm>>) dst(%arg10 : memref<40xi32, #tpu.memory_space<vmem>>)
    %dma_wait3A_203 = arith.constant 0 : i32
    %dma_wait3A_204 = arith.constant 0 : i32
    %dma_wait3A_205 = tpu.memref_slice %arg3[%dma_wait3A_203, %dma_wait3A_204] : memref<8000x40xi32, #tpu.memory_space<hbm>> -> memref<1x40xi32, #tpu.memory_space<hbm>>
    %dma_wait3A_206 = tpu.memref_squeeze %dma_wait3A_205 : memref<1x40xi32, #tpu.memory_space<hbm>> -> memref<40xi32, #tpu.memory_space<hbm>>
    %dma_wait3A_207 = arith.constant 0 : i32
    %dma_wait3A_208 = tpu.memref_slice %arg3[%dma_wait3A_203, %dma_wait3A_207] : memref<8000x40xi32, #tpu.memory_space<hbm>> -> memref<1x40xi32, #tpu.memory_space<hbm>>
    %dma_wait3A_209 = tpu.memref_squeeze %dma_wait3A_208 : memref<1x40xi32, #tpu.memory_space<hbm>> -> memref<40xi32, #tpu.memory_space<hbm>>
    tpu.wait_dma2 semaphore(%arg26 : memref<!tpu.dma_semaphore, #tpu.memory_space<semaphore_mem>>) src(%dma_wait3A_209 : memref<40xi32, #tpu.memory_space<hbm>>) dst(%arg17 : memref<40xi32, #tpu.memory_space<vmem>>)
    %dma_start3A_210 = arith.constant 4 : i32
    %dma_start3A_211 = arith.constant 0 : i32
    %dma_start3A_212 = arith.constant 0 : i32
    %dma_start3A_213 = tpu.memref_slice %arg20[%dma_start3A_210, %dma_start3A_211, %dma_start3A_212] : memref<7x40x128xf32, #tpu.memory_space<vmem>> -> memref<1x40x128xf32, #tpu.memory_space<vmem>>
    %dma_start3A_214 = tpu.memref_squeeze %dma_start3A_213 : memref<1x40x128xf32, #tpu.memory_space<vmem>> -> memref<40x128xf32, #tpu.memory_space<vmem>>
    %dma_start3A_215 = arith.constant 0 : i32
    %dma_start3A_216 = arith.constant 0 : i32
    %dma_start3A_217 = tpu.memref_slice %arg4[%dma_start3A_215, %dma_start3A_216] : memref<10000x128xf32, #tpu.memory_space<hbm>> -> memref<10000x128xf32, #tpu.memory_space<hbm>>
    tpu.enqueue_indirect_dma source(%dma_start3A_217 : memref<10000x128xf32, #tpu.memory_space<hbm>>) target(%dma_start3A_214 : memref<40x128xf32, #tpu.memory_space<vmem>>) offsets(%arg10 : memref<40xi32, #tpu.memory_space<vmem>>) semaphore(%arg33 : memref<!tpu.dma_semaphore, #tpu.memory_space<semaphore_mem>>)
    %scan3A_218 = arith.constant 0 : i32
    %scan3A_219 = arith.constant 0 : i32
    %scan3A_220 = arith.constant 35 : i32
    %scan3A_221 = arith.addi %scan3A_219, %scan3A_220 : i32
    %scan3A_222 = arith.constant 1 : i32
    scf.for %scan3A_359 = %scan3A_219 to %scan3A_221 step %scan3A_222  : i32 {
      %mul3A_360 = arith.constant 7 : i32
      %mul3A_361 = arith.muli %scan3A_359, %mul3A_360 : i32
      %add3A_362 = arith.constant 0 : i32
      %add3A_363 = arith.addi %mul3A_361, %add3A_362 : i32
      %dma_wait3A_364 = arith.constant 0 : i32
      %dma_wait3A_365 = arith.constant 0 : i32
      %dma_wait3A_366 = arith.constant 0 : i32
      %dma_wait3A_367 = tpu.memref_slice %arg20[%dma_wait3A_364, %dma_wait3A_365, %dma_wait3A_366] : memref<7x40x128xf32, #tpu.memory_space<vmem>> -> memref<1x40x128xf32, #tpu.memory_space<vmem>>
      %dma_wait3A_368 = tpu.memref_squeeze %dma_wait3A_367 : memref<1x40x128xf32, #tpu.memory_space<vmem>> -> memref<40x128xf32, #tpu.memory_space<vmem>>
      %dma_wait3A_369 = arith.constant 0 : i32
      %dma_wait3A_370 = arith.constant 0 : i32
      %dma_wait3A_371 = tpu.memref_slice %arg4[%dma_wait3A_369, %dma_wait3A_370] : memref<10000x128xf32, #tpu.memory_space<hbm>> -> memref<10000x128xf32, #tpu.memory_space<hbm>>
      tpu.wait_indirect_dma semaphore(%arg29 : memref<!tpu.dma_semaphore, #tpu.memory_space<semaphore_mem>>) src(%dma_wait3A_371 : memref<10000x128xf32, #tpu.memory_space<hbm>>) dst(%dma_wait3A_368 : memref<40x128xf32, #tpu.memory_space<vmem>>)
      %dma_start3A_372 = arith.constant 0 : i32
      %dma_start3A_373 = arith.constant 0 : i32
      %dma_start3A_374 = arith.constant 0 : i32
      %dma_start3A_375 = tpu.memref_slice %arg20[%dma_start3A_372, %dma_start3A_373, %dma_start3A_374] : memref<7x40x128xf32, #tpu.memory_space<vmem>> -> memref<1x40x128xf32, #tpu.memory_space<vmem>>
      %dma_start3A_376 = tpu.memref_squeeze %dma_start3A_375 : memref<1x40x128xf32, #tpu.memory_space<vmem>> -> memref<40x128xf32, #tpu.memory_space<vmem>>
      %dma_start3A_377 = arith.constant 0 : i32
      %dma_start3A_378 = arith.constant 0 : i32
      %dma_start3A_379 = tpu.memref_slice %arg21[%dma_start3A_377, %dma_start3A_378] : memref<10240x128xf32, #tpu.memory_space<vmem_shared>> -> memref<10240x128xf32, #tpu.memory_space<vmem_shared>>
      tpu.enqueue_indirect_dma source(%dma_start3A_376 : memref<40x128xf32, #tpu.memory_space<vmem>>) target(%dma_start3A_379 : memref<10240x128xf32, #tpu.memory_space<vmem_shared>>) offsets(%arg13 : memref<40xi32, #tpu.memory_space<vmem>>) semaphore(%arg36 : memref<!tpu.dma_semaphore, #tpu.memory_space<semaphore_mem>>) {add = true}
      %ge3A = arith.constant 1 : i32
      %ge3A_380 = arith.cmpi sge, %add3A_363, %ge3A : i32
      %convert_element_type3A = arith.extui %ge3A_380 : i1 to i32
      %cond3A = arith.constant 0 : i32
      %cond3A_381 = arith.cmpi ne, %convert_element_type3A, %cond3A : i32
      scf.if %cond3A_381 {
        %dma_wait3A_643 = arith.constant 6 : i32
        %dma_wait3A_644 = arith.constant 0 : i32
        %dma_wait3A_645 = arith.constant 0 : i32
        %dma_wait3A_646 = tpu.memref_slice %arg20[%dma_wait3A_643, %dma_wait3A_644, %dma_wait3A_645] : memref<7x40x128xf32, #tpu.memory_space<vmem>> -> memref<1x40x128xf32, #tpu.memory_space<vmem>>
        %dma_wait3A_647 = tpu.memref_squeeze %dma_wait3A_646 : memref<1x40x128xf32, #tpu.memory_space<vmem>> -> memref<40x128xf32, #tpu.memory_space<vmem>>
        %dma_wait3A_648 = arith.constant 0 : i32
        %dma_wait3A_649 = arith.constant 0 : i32
        %dma_wait3A_650 = tpu.memref_slice %arg21[%dma_wait3A_648, %dma_wait3A_649] : memref<10240x128xf32, #tpu.memory_space<vmem_shared>> -> memref<10240x128xf32, #tpu.memory_space<vmem_shared>>
        tpu.wait_indirect_dma semaphore(%arg42 : memref<!tpu.dma_semaphore, #tpu.memory_space<semaphore_mem>>) src(%dma_wait3A_647 : memref<40x128xf32, #tpu.memory_space<vmem>>) dst(%dma_wait3A_650 : memref<10240x128xf32, #tpu.memory_space<vmem_shared>>)
      } else {
      }
      %add3A_382 = arith.constant 5 : i32
      %add3A_383 = arith.addi %add3A_363, %add3A_382 : i32
      %add3A_384 = arith.constant 1 : i32
      %add3A_385 = arith.addi %add3A_383, %add3A_384 : i32
      %le3A = arith.constant 249 : i32
      %le3A_386 = arith.cmpi sle, %add3A_385, %le3A : i32
      %convert_element_type3A_387 = arith.extui %le3A_386 : i1 to i32
      %cond3A_388 = arith.constant 0 : i32
      %cond3A_389 = arith.cmpi ne, %convert_element_type3A_387, %cond3A_388 : i32
      scf.if %cond3A_389 {
        %add3A_643 = arith.constant 5 : i32
        %add3A_644 = arith.addi %add3A_363, %add3A_643 : i32
        %add3A_645 = arith.constant 1 : i32
        %add3A_646 = arith.addi %add3A_644, %add3A_645 : i32
        %add3A_647 = arith.addi %mul3A_2, %add3A_646 : i32
        %dma_start3A_648 = arith.constant 0 : i32
        %dma_start3A_649 = tpu.memref_slice %arg2[%add3A_647, %dma_start3A_648] : memref<8000x40xi32, #tpu.memory_space<hbm>> -> memref<1x40xi32, #tpu.memory_space<hbm>>
        %dma_start3A_650 = tpu.memref_squeeze %dma_start3A_649 : memref<1x40xi32, #tpu.memory_space<hbm>> -> memref<40xi32, #tpu.memory_space<hbm>>
        %dma_start3A_651 = arith.constant 0 : i32
        %dma_start3A_652 = tpu.memref_slice %arg2[%add3A_647, %dma_start3A_651] : memref<8000x40xi32, #tpu.memory_space<hbm>> -> memref<1x40xi32, #tpu.memory_space<hbm>>
        %dma_start3A_653 = tpu.memref_squeeze %dma_start3A_652 : memref<1x40xi32, #tpu.memory_space<hbm>> -> memref<40xi32, #tpu.memory_space<hbm>>
        tpu.enqueue_dma source(%dma_start3A_653 : memref<40xi32, #tpu.memory_space<hbm>>) target(%arg12 : memref<40xi32, #tpu.memory_space<vmem>>) target_semaphore(%arg28 : memref<!tpu.dma_semaphore, #tpu.memory_space<semaphore_mem>>)
        %add3A_654 = arith.addi %mul3A_2, %add3A_646 : i32
        %dma_start3A_655 = arith.constant 0 : i32
        %dma_start3A_656 = tpu.memref_slice %arg3[%add3A_654, %dma_start3A_655] : memref<8000x40xi32, #tpu.memory_space<hbm>> -> memref<1x40xi32, #tpu.memory_space<hbm>>
        %dma_start3A_657 = tpu.memref_squeeze %dma_start3A_656 : memref<1x40xi32, #tpu.memory_space<hbm>> -> memref<40xi32, #tpu.memory_space<hbm>>
        %dma_start3A_658 = arith.constant 0 : i32
        %dma_start3A_659 = tpu.memref_slice %arg3[%add3A_654, %dma_start3A_658] : memref<8000x40xi32, #tpu.memory_space<hbm>> -> memref<1x40xi32, #tpu.memory_space<hbm>>
        %dma_start3A_660 = tpu.memref_squeeze %dma_start3A_659 : memref<1x40xi32, #tpu.memory_space<hbm>> -> memref<40xi32, #tpu.memory_space<hbm>>
        tpu.enqueue_dma source(%dma_start3A_660 : memref<40xi32, #tpu.memory_space<hbm>>) target(%arg19 : memref<40xi32, #tpu.memory_space<vmem>>) target_semaphore(%arg28 : memref<!tpu.dma_semaphore, #tpu.memory_space<semaphore_mem>>)
      } else {
      }
      %add3A_390 = arith.constant 5 : i32
      %add3A_391 = arith.addi %add3A_363, %add3A_390 : i32
      %le3A_392 = arith.constant 249 : i32
      %le3A_393 = arith.cmpi sle, %add3A_391, %le3A_392 : i32
      %convert_element_type3A_394 = arith.extui %le3A_393 : i1 to i32
      %cond3A_395 = arith.constant 0 : i32
      %cond3A_396 = arith.cmpi ne, %convert_element_type3A_394, %cond3A_395 : i32
      scf.if %cond3A_396 {
        %dma_wait3A_643 = arith.constant 0 : i32
        %dma_wait3A_644 = arith.constant 0 : i32
        %dma_wait3A_645 = tpu.memref_slice %arg2[%dma_wait3A_643, %dma_wait3A_644] : memref<8000x40xi32, #tpu.memory_space<hbm>> -> memref<1x40xi32, #tpu.memory_space<hbm>>
        %dma_wait3A_646 = tpu.memref_squeeze %dma_wait3A_645 : memref<1x40xi32, #tpu.memory_space<hbm>> -> memref<40xi32, #tpu.memory_space<hbm>>
        %dma_wait3A_647 = arith.constant 0 : i32
        %dma_wait3A_648 = tpu.memref_slice %arg2[%dma_wait3A_643, %dma_wait3A_647] : memref<8000x40xi32, #tpu.memory_space<hbm>> -> memref<1x40xi32, #tpu.memory_space<hbm>>
        %dma_wait3A_649 = tpu.memref_squeeze %dma_wait3A_648 : memref<1x40xi32, #tpu.memory_space<hbm>> -> memref<40xi32, #tpu.memory_space<hbm>>
        tpu.wait_dma2 semaphore(%arg27 : memref<!tpu.dma_semaphore, #tpu.memory_space<semaphore_mem>>) src(%dma_wait3A_649 : memref<40xi32, #tpu.memory_space<hbm>>) dst(%arg11 : memref<40xi32, #tpu.memory_space<vmem>>)
        %dma_wait3A_650 = arith.constant 0 : i32
        %dma_wait3A_651 = arith.constant 0 : i32
        %dma_wait3A_652 = tpu.memref_slice %arg3[%dma_wait3A_650, %dma_wait3A_651] : memref<8000x40xi32, #tpu.memory_space<hbm>> -> memref<1x40xi32, #tpu.memory_space<hbm>>
        %dma_wait3A_653 = tpu.memref_squeeze %dma_wait3A_652 : memref<1x40xi32, #tpu.memory_space<hbm>> -> memref<40xi32, #tpu.memory_space<hbm>>
        %dma_wait3A_654 = arith.constant 0 : i32
        %dma_wait3A_655 = tpu.memref_slice %arg3[%dma_wait3A_650, %dma_wait3A_654] : memref<8000x40xi32, #tpu.memory_space<hbm>> -> memref<1x40xi32, #tpu.memory_space<hbm>>
        %dma_wait3A_656 = tpu.memref_squeeze %dma_wait3A_655 : memref<1x40xi32, #tpu.memory_space<hbm>> -> memref<40xi32, #tpu.memory_space<hbm>>
        tpu.wait_dma2 semaphore(%arg27 : memref<!tpu.dma_semaphore, #tpu.memory_space<semaphore_mem>>) src(%dma_wait3A_656 : memref<40xi32, #tpu.memory_space<hbm>>) dst(%arg18 : memref<40xi32, #tpu.memory_space<vmem>>)
        %add3A_657 = arith.constant 5 : i32
        %add3A_658 = arith.addi %add3A_363, %add3A_657 : i32
        %dma_start3A_659 = arith.constant 5 : i32
        %dma_start3A_660 = arith.constant 0 : i32
        %dma_start3A_661 = arith.constant 0 : i32
        %dma_start3A_662 = tpu.memref_slice %arg20[%dma_start3A_659, %dma_start3A_660, %dma_start3A_661] : memref<7x40x128xf32, #tpu.memory_space<vmem>> -> memref<1x40x128xf32, #tpu.memory_space<vmem>>
        %dma_start3A_663 = tpu.memref_squeeze %dma_start3A_662 : memref<1x40x128xf32, #tpu.memory_space<vmem>> -> memref<40x128xf32, #tpu.memory_space<vmem>>
        %dma_start3A_664 = arith.constant 0 : i32
        %dma_start3A_665 = arith.constant 0 : i32
        %dma_start3A_666 = tpu.memref_slice %arg4[%dma_start3A_664, %dma_start3A_665] : memref<10000x128xf32, #tpu.memory_space<hbm>> -> memref<10000x128xf32, #tpu.memory_space<hbm>>
        tpu.enqueue_indirect_dma source(%dma_start3A_666 : memref<10000x128xf32, #tpu.memory_space<hbm>>) target(%dma_start3A_663 : memref<40x128xf32, #tpu.memory_space<vmem>>) offsets(%arg11 : memref<40xi32, #tpu.memory_space<vmem>>) semaphore(%arg34 : memref<!tpu.dma_semaphore, #tpu.memory_space<semaphore_mem>>)
      } else {
      }
      %mul3A_397 = arith.constant 7 : i32
      %mul3A_398 = arith.muli %scan3A_359, %mul3A_397 : i32
      %add3A_399 = arith.constant 1 : i32
      %add3A_400 = arith.addi %mul3A_398, %add3A_399 : i32
      %dma_wait3A_401 = arith.constant 1 : i32
      %dma_wait3A_402 = arith.constant 0 : i32
      %dma_wait3A_403 = arith.constant 0 : i32
      %dma_wait3A_404 = tpu.memref_slice %arg20[%dma_wait3A_401, %dma_wait3A_402, %dma_wait3A_403] : memref<7x40x128xf32, #tpu.memory_space<vmem>> -> memref<1x40x128xf32, #tpu.memory_space<vmem>>
      %dma_wait3A_405 = tpu.memref_squeeze %dma_wait3A_404 : memref<1x40x128xf32, #tpu.memory_space<vmem>> -> memref<40x128xf32, #tpu.memory_space<vmem>>
      %dma_wait3A_406 = arith.constant 0 : i32
      %dma_wait3A_407 = arith.constant 0 : i32
      %dma_wait3A_408 = tpu.memref_slice %arg4[%dma_wait3A_406, %dma_wait3A_407] : memref<10000x128xf32, #tpu.memory_space<hbm>> -> memref<10000x128xf32, #tpu.memory_space<hbm>>
      tpu.wait_indirect_dma semaphore(%arg30 : memref<!tpu.dma_semaphore, #tpu.memory_space<semaphore_mem>>) src(%dma_wait3A_408 : memref<10000x128xf32, #tpu.memory_space<hbm>>) dst(%dma_wait3A_405 : memref<40x128xf32, #tpu.memory_space<vmem>>)
      %dma_start3A_409 = arith.constant 1 : i32
      %dma_start3A_410 = arith.constant 0 : i32
      %dma_start3A_411 = arith.constant 0 : i32
      %dma_start3A_412 = tpu.memref_slice %arg20[%dma_start3A_409, %dma_start3A_410, %dma_start3A_411] : memref<7x40x128xf32, #tpu.memory_space<vmem>> -> memref<1x40x128xf32, #tpu.memory_space<vmem>>
      %dma_start3A_413 = tpu.memref_squeeze %dma_start3A_412 : memref<1x40x128xf32, #tpu.memory_space<vmem>> -> memref<40x128xf32, #tpu.memory_space<vmem>>
      %dma_start3A_414 = arith.constant 0 : i32
      %dma_start3A_415 = arith.constant 0 : i32
      %dma_start3A_416 = tpu.memref_slice %arg21[%dma_start3A_414, %dma_start3A_415] : memref<10240x128xf32, #tpu.memory_space<vmem_shared>> -> memref<10240x128xf32, #tpu.memory_space<vmem_shared>>
      tpu.enqueue_indirect_dma source(%dma_start3A_413 : memref<40x128xf32, #tpu.memory_space<vmem>>) target(%dma_start3A_416 : memref<10240x128xf32, #tpu.memory_space<vmem_shared>>) offsets(%arg14 : memref<40xi32, #tpu.memory_space<vmem>>) semaphore(%arg37 : memref<!tpu.dma_semaphore, #tpu.memory_space<semaphore_mem>>) {add = true}
      %ge3A_417 = arith.constant 1 : i32
      %ge3A_418 = arith.cmpi sge, %add3A_400, %ge3A_417 : i32
      %convert_element_type3A_419 = arith.extui %ge3A_418 : i1 to i32
      %cond3A_420 = arith.constant 0 : i32
      %cond3A_421 = arith.cmpi ne, %convert_element_type3A_419, %cond3A_420 : i32
      scf.if %cond3A_421 {
        %dma_wait3A_643 = arith.constant 0 : i32
        %dma_wait3A_644 = arith.constant 0 : i32
        %dma_wait3A_645 = arith.constant 0 : i32
        %dma_wait3A_646 = tpu.memref_slice %arg20[%dma_wait3A_643, %dma_wait3A_644, %dma_wait3A_645] : memref<7x40x128xf32, #tpu.memory_space<vmem>> -> memref<1x40x128xf32, #tpu.memory_space<vmem>>
        %dma_wait3A_647 = tpu.memref_squeeze %dma_wait3A_646 : memref<1x40x128xf32, #tpu.memory_space<vmem>> -> memref<40x128xf32, #tpu.memory_space<vmem>>
        %dma_wait3A_648 = arith.constant 0 : i32
        %dma_wait3A_649 = arith.constant 0 : i32
        %dma_wait3A_650 = tpu.memref_slice %arg21[%dma_wait3A_648, %dma_wait3A_649] : memref<10240x128xf32, #tpu.memory_space<vmem_shared>> -> memref<10240x128xf32, #tpu.memory_space<vmem_shared>>
        tpu.wait_indirect_dma semaphore(%arg36 : memref<!tpu.dma_semaphore, #tpu.memory_space<semaphore_mem>>) src(%dma_wait3A_647 : memref<40x128xf32, #tpu.memory_space<vmem>>) dst(%dma_wait3A_650 : memref<10240x128xf32, #tpu.memory_space<vmem_shared>>)
      } else {
      }
      %add3A_422 = arith.constant 5 : i32
      %add3A_423 = arith.addi %add3A_400, %add3A_422 : i32
      %add3A_424 = arith.constant 1 : i32
      %add3A_425 = arith.addi %add3A_423, %add3A_424 : i32
      %le3A_426 = arith.constant 249 : i32
      %le3A_427 = arith.cmpi sle, %add3A_425, %le3A_426 : i32
      %convert_element_type3A_428 = arith.extui %le3A_427 : i1 to i32
      %cond3A_429 = arith.constant 0 : i32
      %cond3A_430 = arith.cmpi ne, %convert_element_type3A_428, %cond3A_429 : i32
      scf.if %cond3A_430 {
        %add3A_643 = arith.constant 5 : i32
        %add3A_644 = arith.addi %add3A_400, %add3A_643 : i32
        %add3A_645 = arith.constant 1 : i32
        %add3A_646 = arith.addi %add3A_644, %add3A_645 : i32
        %add3A_647 = arith.addi %mul3A_2, %add3A_646 : i32
        %dma_start3A_648 = arith.constant 0 : i32
        %dma_start3A_649 = tpu.memref_slice %arg2[%add3A_647, %dma_start3A_648] : memref<8000x40xi32, #tpu.memory_space<hbm>> -> memref<1x40xi32, #tpu.memory_space<hbm>>
        %dma_start3A_650 = tpu.memref_squeeze %dma_start3A_649 : memref<1x40xi32, #tpu.memory_space<hbm>> -> memref<40xi32, #tpu.memory_space<hbm>>
        %dma_start3A_651 = arith.constant 0 : i32
        %dma_start3A_652 = tpu.memref_slice %arg2[%add3A_647, %dma_start3A_651] : memref<8000x40xi32, #tpu.memory_space<hbm>> -> memref<1x40xi32, #tpu.memory_space<hbm>>
        %dma_start3A_653 = tpu.memref_squeeze %dma_start3A_652 : memref<1x40xi32, #tpu.memory_space<hbm>> -> memref<40xi32, #tpu.memory_space<hbm>>
        tpu.enqueue_dma source(%dma_start3A_653 : memref<40xi32, #tpu.memory_space<hbm>>) target(%arg6 : memref<40xi32, #tpu.memory_space<vmem>>) target_semaphore(%arg22 : memref<!tpu.dma_semaphore, #tpu.memory_space<semaphore_mem>>)
        %add3A_654 = arith.addi %mul3A_2, %add3A_646 : i32
        %dma_start3A_655 = arith.constant 0 : i32
        %dma_start3A_656 = tpu.memref_slice %arg3[%add3A_654, %dma_start3A_655] : memref<8000x40xi32, #tpu.memory_space<hbm>> -> memref<1x40xi32, #tpu.memory_space<hbm>>
        %dma_start3A_657 = tpu.memref_squeeze %dma_start3A_656 : memref<1x40xi32, #tpu.memory_space<hbm>> -> memref<40xi32, #tpu.memory_space<hbm>>
        %dma_start3A_658 = arith.constant 0 : i32
        %dma_start3A_659 = tpu.memref_slice %arg3[%add3A_654, %dma_start3A_658] : memref<8000x40xi32, #tpu.memory_space<hbm>> -> memref<1x40xi32, #tpu.memory_space<hbm>>
        %dma_start3A_660 = tpu.memref_squeeze %dma_start3A_659 : memref<1x40xi32, #tpu.memory_space<hbm>> -> memref<40xi32, #tpu.memory_space<hbm>>
        tpu.enqueue_dma source(%dma_start3A_660 : memref<40xi32, #tpu.memory_space<hbm>>) target(%arg13 : memref<40xi32, #tpu.memory_space<vmem>>) target_semaphore(%arg22 : memref<!tpu.dma_semaphore, #tpu.memory_space<semaphore_mem>>)
      } else {
      }
      %add3A_431 = arith.constant 5 : i32
      %add3A_432 = arith.addi %add3A_400, %add3A_431 : i32
      %le3A_433 = arith.constant 249 : i32
      %le3A_434 = arith.cmpi sle, %add3A_432, %le3A_433 : i32
      %convert_element_type3A_435 = arith.extui %le3A_434 : i1 to i32
      %cond3A_436 = arith.constant 0 : i32
      %cond3A_437 = arith.cmpi ne, %convert_element_type3A_435, %cond3A_436 : i32
      scf.if %cond3A_437 {
        %dma_wait3A_643 = arith.constant 0 : i32
        %dma_wait3A_644 = arith.constant 0 : i32
        %dma_wait3A_645 = tpu.memref_slice %arg2[%dma_wait3A_643, %dma_wait3A_644] : memref<8000x40xi32, #tpu.memory_space<hbm>> -> memref<1x40xi32, #tpu.memory_space<hbm>>
        %dma_wait3A_646 = tpu.memref_squeeze %dma_wait3A_645 : memref<1x40xi32, #tpu.memory_space<hbm>> -> memref<40xi32, #tpu.memory_space<hbm>>
        %dma_wait3A_647 = arith.constant 0 : i32
        %dma_wait3A_648 = tpu.memref_slice %arg2[%dma_wait3A_643, %dma_wait3A_647] : memref<8000x40xi32, #tpu.memory_space<hbm>> -> memref<1x40xi32, #tpu.memory_space<hbm>>
        %dma_wait3A_649 = tpu.memref_squeeze %dma_wait3A_648 : memref<1x40xi32, #tpu.memory_space<hbm>> -> memref<40xi32, #tpu.memory_space<hbm>>
        tpu.wait_dma2 semaphore(%arg28 : memref<!tpu.dma_semaphore, #tpu.memory_space<semaphore_mem>>) src(%dma_wait3A_649 : memref<40xi32, #tpu.memory_space<hbm>>) dst(%arg12 : memref<40xi32, #tpu.memory_space<vmem>>)
        %dma_wait3A_650 = arith.constant 0 : i32
        %dma_wait3A_651 = arith.constant 0 : i32
        %dma_wait3A_652 = tpu.memref_slice %arg3[%dma_wait3A_650, %dma_wait3A_651] : memref<8000x40xi32, #tpu.memory_space<hbm>> -> memref<1x40xi32, #tpu.memory_space<hbm>>
        %dma_wait3A_653 = tpu.memref_squeeze %dma_wait3A_652 : memref<1x40xi32, #tpu.memory_space<hbm>> -> memref<40xi32, #tpu.memory_space<hbm>>
        %dma_wait3A_654 = arith.constant 0 : i32
        %dma_wait3A_655 = tpu.memref_slice %arg3[%dma_wait3A_650, %dma_wait3A_654] : memref<8000x40xi32, #tpu.memory_space<hbm>> -> memref<1x40xi32, #tpu.memory_space<hbm>>
        %dma_wait3A_656 = tpu.memref_squeeze %dma_wait3A_655 : memref<1x40xi32, #tpu.memory_space<hbm>> -> memref<40xi32, #tpu.memory_space<hbm>>
        tpu.wait_dma2 semaphore(%arg28 : memref<!tpu.dma_semaphore, #tpu.memory_space<semaphore_mem>>) src(%dma_wait3A_656 : memref<40xi32, #tpu.memory_space<hbm>>) dst(%arg19 : memref<40xi32, #tpu.memory_space<vmem>>)
        %add3A_657 = arith.constant 5 : i32
        %add3A_658 = arith.addi %add3A_400, %add3A_657 : i32
        %dma_start3A_659 = arith.constant 6 : i32
        %dma_start3A_660 = arith.constant 0 : i32
        %dma_start3A_661 = arith.constant 0 : i32
        %dma_start3A_662 = tpu.memref_slice %arg20[%dma_start3A_659, %dma_start3A_660, %dma_start3A_661] : memref<7x40x128xf32, #tpu.memory_space<vmem>> -> memref<1x40x128xf32, #tpu.memory_space<vmem>>
        %dma_start3A_663 = tpu.memref_squeeze %dma_start3A_662 : memref<1x40x128xf32, #tpu.memory_space<vmem>> -> memref<40x128xf32, #tpu.memory_space<vmem>>
        %dma_start3A_664 = arith.constant 0 : i32
        %dma_start3A_665 = arith.constant 0 : i32
        %dma_start3A_666 = tpu.memref_slice %arg4[%dma_start3A_664, %dma_start3A_665] : memref<10000x128xf32, #tpu.memory_space<hbm>> -> memref<10000x128xf32, #tpu.memory_space<hbm>>
        tpu.enqueue_indirect_dma source(%dma_start3A_666 : memref<10000x128xf32, #tpu.memory_space<hbm>>) target(%dma_start3A_663 : memref<40x128xf32, #tpu.memory_space<vmem>>) offsets(%arg12 : memref<40xi32, #tpu.memory_space<vmem>>) semaphore(%arg35 : memref<!tpu.dma_semaphore, #tpu.memory_space<semaphore_mem>>)
      } else {
      }
      %mul3A_438 = arith.constant 7 : i32
      %mul3A_439 = arith.muli %scan3A_359, %mul3A_438 : i32
      %add3A_440 = arith.constant 2 : i32
      %add3A_441 = arith.addi %mul3A_439, %add3A_440 : i32
      %dma_wait3A_442 = arith.constant 2 : i32
      %dma_wait3A_443 = arith.constant 0 : i32
      %dma_wait3A_444 = arith.constant 0 : i32
      %dma_wait3A_445 = tpu.memref_slice %arg20[%dma_wait3A_442, %dma_wait3A_443, %dma_wait3A_444] : memref<7x40x128xf32, #tpu.memory_space<vmem>> -> memref<1x40x128xf32, #tpu.memory_space<vmem>>
      %dma_wait3A_446 = tpu.memref_squeeze %dma_wait3A_445 : memref<1x40x128xf32, #tpu.memory_space<vmem>> -> memref<40x128xf32, #tpu.memory_space<vmem>>
      %dma_wait3A_447 = arith.constant 0 : i32
      %dma_wait3A_448 = arith.constant 0 : i32
      %dma_wait3A_449 = tpu.memref_slice %arg4[%dma_wait3A_447, %dma_wait3A_448] : memref<10000x128xf32, #tpu.memory_space<hbm>> -> memref<10000x128xf32, #tpu.memory_space<hbm>>
      tpu.wait_indirect_dma semaphore(%arg31 : memref<!tpu.dma_semaphore, #tpu.memory_space<semaphore_mem>>) src(%dma_wait3A_449 : memref<10000x128xf32, #tpu.memory_space<hbm>>) dst(%dma_wait3A_446 : memref<40x128xf32, #tpu.memory_space<vmem>>)
      %dma_start3A_450 = arith.constant 2 : i32
      %dma_start3A_451 = arith.constant 0 : i32
      %dma_start3A_452 = arith.constant 0 : i32
      %dma_start3A_453 = tpu.memref_slice %arg20[%dma_start3A_450, %dma_start3A_451, %dma_start3A_452] : memref<7x40x128xf32, #tpu.memory_space<vmem>> -> memref<1x40x128xf32, #tpu.memory_space<vmem>>
      %dma_start3A_454 = tpu.memref_squeeze %dma_start3A_453 : memref<1x40x128xf32, #tpu.memory_space<vmem>> -> memref<40x128xf32, #tpu.memory_space<vmem>>
      %dma_start3A_455 = arith.constant 0 : i32
      %dma_start3A_456 = arith.constant 0 : i32
      %dma_start3A_457 = tpu.memref_slice %arg21[%dma_start3A_455, %dma_start3A_456] : memref<10240x128xf32, #tpu.memory_space<vmem_shared>> -> memref<10240x128xf32, #tpu.memory_space<vmem_shared>>
      tpu.enqueue_indirect_dma source(%dma_start3A_454 : memref<40x128xf32, #tpu.memory_space<vmem>>) target(%dma_start3A_457 : memref<10240x128xf32, #tpu.memory_space<vmem_shared>>) offsets(%arg15 : memref<40xi32, #tpu.memory_space<vmem>>) semaphore(%arg38 : memref<!tpu.dma_semaphore, #tpu.memory_space<semaphore_mem>>) {add = true}
      %ge3A_458 = arith.constant 1 : i32
      %ge3A_459 = arith.cmpi sge, %add3A_441, %ge3A_458 : i32
      %convert_element_type3A_460 = arith.extui %ge3A_459 : i1 to i32
      %cond3A_461 = arith.constant 0 : i32
      %cond3A_462 = arith.cmpi ne, %convert_element_type3A_460, %cond3A_461 : i32
      scf.if %cond3A_462 {
        %dma_wait3A_643 = arith.constant 1 : i32
        %dma_wait3A_644 = arith.constant 0 : i32
        %dma_wait3A_645 = arith.constant 0 : i32
        %dma_wait3A_646 = tpu.memref_slice %arg20[%dma_wait3A_643, %dma_wait3A_644, %dma_wait3A_645] : memref<7x40x128xf32, #tpu.memory_space<vmem>> -> memref<1x40x128xf32, #tpu.memory_space<vmem>>
        %dma_wait3A_647 = tpu.memref_squeeze %dma_wait3A_646 : memref<1x40x128xf32, #tpu.memory_space<vmem>> -> memref<40x128xf32, #tpu.memory_space<vmem>>
        %dma_wait3A_648 = arith.constant 0 : i32
        %dma_wait3A_649 = arith.constant 0 : i32
        %dma_wait3A_650 = tpu.memref_slice %arg21[%dma_wait3A_648, %dma_wait3A_649] : memref<10240x128xf32, #tpu.memory_space<vmem_shared>> -> memref<10240x128xf32, #tpu.memory_space<vmem_shared>>
        tpu.wait_indirect_dma semaphore(%arg37 : memref<!tpu.dma_semaphore, #tpu.memory_space<semaphore_mem>>) src(%dma_wait3A_647 : memref<40x128xf32, #tpu.memory_space<vmem>>) dst(%dma_wait3A_650 : memref<10240x128xf32, #tpu.memory_space<vmem_shared>>)
      } else {
      }
      %add3A_463 = arith.constant 5 : i32
      %add3A_464 = arith.addi %add3A_441, %add3A_463 : i32
      %add3A_465 = arith.constant 1 : i32
      %add3A_466 = arith.addi %add3A_464, %add3A_465 : i32
      %le3A_467 = arith.constant 249 : i32
      %le3A_468 = arith.cmpi sle, %add3A_466, %le3A_467 : i32
      %convert_element_type3A_469 = arith.extui %le3A_468 : i1 to i32
      %cond3A_470 = arith.constant 0 : i32
      %cond3A_471 = arith.cmpi ne, %convert_element_type3A_469, %cond3A_470 : i32
      scf.if %cond3A_471 {
        %add3A_643 = arith.constant 5 : i32
        %add3A_644 = arith.addi %add3A_441, %add3A_643 : i32
        %add3A_645 = arith.constant 1 : i32
        %add3A_646 = arith.addi %add3A_644, %add3A_645 : i32
        %add3A_647 = arith.addi %mul3A_2, %add3A_646 : i32
        %dma_start3A_648 = arith.constant 0 : i32
        %dma_start3A_649 = tpu.memref_slice %arg2[%add3A_647, %dma_start3A_648] : memref<8000x40xi32, #tpu.memory_space<hbm>> -> memref<1x40xi32, #tpu.memory_space<hbm>>
        %dma_start3A_650 = tpu.memref_squeeze %dma_start3A_649 : memref<1x40xi32, #tpu.memory_space<hbm>> -> memref<40xi32, #tpu.memory_space<hbm>>
        %dma_start3A_651 = arith.constant 0 : i32
        %dma_start3A_652 = tpu.memref_slice %arg2[%add3A_647, %dma_start3A_651] : memref<8000x40xi32, #tpu.memory_space<hbm>> -> memref<1x40xi32, #tpu.memory_space<hbm>>
        %dma_start3A_653 = tpu.memref_squeeze %dma_start3A_652 : memref<1x40xi32, #tpu.memory_space<hbm>> -> memref<40xi32, #tpu.memory_space<hbm>>
        tpu.enqueue_dma source(%dma_start3A_653 : memref<40xi32, #tpu.memory_space<hbm>>) target(%arg7 : memref<40xi32, #tpu.memory_space<vmem>>) target_semaphore(%arg23 : memref<!tpu.dma_semaphore, #tpu.memory_space<semaphore_mem>>)
        %add3A_654 = arith.addi %mul3A_2, %add3A_646 : i32
        %dma_start3A_655 = arith.constant 0 : i32
        %dma_start3A_656 = tpu.memref_slice %arg3[%add3A_654, %dma_start3A_655] : memref<8000x40xi32, #tpu.memory_space<hbm>> -> memref<1x40xi32, #tpu.memory_space<hbm>>
        %dma_start3A_657 = tpu.memref_squeeze %dma_start3A_656 : memref<1x40xi32, #tpu.memory_space<hbm>> -> memref<40xi32, #tpu.memory_space<hbm>>
        %dma_start3A_658 = arith.constant 0 : i32
        %dma_start3A_659 = tpu.memref_slice %arg3[%add3A_654, %dma_start3A_658] : memref<8000x40xi32, #tpu.memory_space<hbm>> -> memref<1x40xi32, #tpu.memory_space<hbm>>
        %dma_start3A_660 = tpu.memref_squeeze %dma_start3A_659 : memref<1x40xi32, #tpu.memory_space<hbm>> -> memref<40xi32, #tpu.memory_space<hbm>>
        tpu.enqueue_dma source(%dma_start3A_660 : memref<40xi32, #tpu.memory_space<hbm>>) target(%arg14 : memref<40xi32, #tpu.memory_space<vmem>>) target_semaphore(%arg23 : memref<!tpu.dma_semaphore, #tpu.memory_space<semaphore_mem>>)
      } else {
      }
      %add3A_472 = arith.constant 5 : i32
      %add3A_473 = arith.addi %add3A_441, %add3A_472 : i32
      %le3A_474 = arith.constant 249 : i32
      %le3A_475 = arith.cmpi sle, %add3A_473, %le3A_474 : i32
      %convert_element_type3A_476 = arith.extui %le3A_475 : i1 to i32
      %cond3A_477 = arith.constant 0 : i32
      %cond3A_478 = arith.cmpi ne, %convert_element_type3A_476, %cond3A_477 : i32
      scf.if %cond3A_478 {
        %dma_wait3A_643 = arith.constant 0 : i32
        %dma_wait3A_644 = arith.constant 0 : i32
        %dma_wait3A_645 = tpu.memref_slice %arg2[%dma_wait3A_643, %dma_wait3A_644] : memref<8000x40xi32, #tpu.memory_space<hbm>> -> memref<1x40xi32, #tpu.memory_space<hbm>>
        %dma_wait3A_646 = tpu.memref_squeeze %dma_wait3A_645 : memref<1x40xi32, #tpu.memory_space<hbm>> -> memref<40xi32, #tpu.memory_space<hbm>>
        %dma_wait3A_647 = arith.constant 0 : i32
        %dma_wait3A_648 = tpu.memref_slice %arg2[%dma_wait3A_643, %dma_wait3A_647] : memref<8000x40xi32, #tpu.memory_space<hbm>> -> memref<1x40xi32, #tpu.memory_space<hbm>>
        %dma_wait3A_649 = tpu.memref_squeeze %dma_wait3A_648 : memref<1x40xi32, #tpu.memory_space<hbm>> -> memref<40xi32, #tpu.memory_space<hbm>>
        tpu.wait_dma2 semaphore(%arg22 : memref<!tpu.dma_semaphore, #tpu.memory_space<semaphore_mem>>) src(%dma_wait3A_649 : memref<40xi32, #tpu.memory_space<hbm>>) dst(%arg6 : memref<40xi32, #tpu.memory_space<vmem>>)
        %dma_wait3A_650 = arith.constant 0 : i32
        %dma_wait3A_651 = arith.constant 0 : i32
        %dma_wait3A_652 = tpu.memref_slice %arg3[%dma_wait3A_650, %dma_wait3A_651] : memref<8000x40xi32, #tpu.memory_space<hbm>> -> memref<1x40xi32, #tpu.memory_space<hbm>>
        %dma_wait3A_653 = tpu.memref_squeeze %dma_wait3A_652 : memref<1x40xi32, #tpu.memory_space<hbm>> -> memref<40xi32, #tpu.memory_space<hbm>>
        %dma_wait3A_654 = arith.constant 0 : i32
        %dma_wait3A_655 = tpu.memref_slice %arg3[%dma_wait3A_650, %dma_wait3A_654] : memref<8000x40xi32, #tpu.memory_space<hbm>> -> memref<1x40xi32, #tpu.memory_space<hbm>>
        %dma_wait3A_656 = tpu.memref_squeeze %dma_wait3A_655 : memref<1x40xi32, #tpu.memory_space<hbm>> -> memref<40xi32, #tpu.memory_space<hbm>>
        tpu.wait_dma2 semaphore(%arg22 : memref<!tpu.dma_semaphore, #tpu.memory_space<semaphore_mem>>) src(%dma_wait3A_656 : memref<40xi32, #tpu.memory_space<hbm>>) dst(%arg13 : memref<40xi32, #tpu.memory_space<vmem>>)
        %add3A_657 = arith.constant 5 : i32
        %add3A_658 = arith.addi %add3A_441, %add3A_657 : i32
        %dma_start3A_659 = arith.constant 0 : i32
        %dma_start3A_660 = arith.constant 0 : i32
        %dma_start3A_661 = arith.constant 0 : i32
        %dma_start3A_662 = tpu.memref_slice %arg20[%dma_start3A_659, %dma_start3A_660, %dma_start3A_661] : memref<7x40x128xf32, #tpu.memory_space<vmem>> -> memref<1x40x128xf32, #tpu.memory_space<vmem>>
        %dma_start3A_663 = tpu.memref_squeeze %dma_start3A_662 : memref<1x40x128xf32, #tpu.memory_space<vmem>> -> memref<40x128xf32, #tpu.memory_space<vmem>>
        %dma_start3A_664 = arith.constant 0 : i32
        %dma_start3A_665 = arith.constant 0 : i32
        %dma_start3A_666 = tpu.memref_slice %arg4[%dma_start3A_664, %dma_start3A_665] : memref<10000x128xf32, #tpu.memory_space<hbm>> -> memref<10000x128xf32, #tpu.memory_space<hbm>>
        tpu.enqueue_indirect_dma source(%dma_start3A_666 : memref<10000x128xf32, #tpu.memory_space<hbm>>) target(%dma_start3A_663 : memref<40x128xf32, #tpu.memory_space<vmem>>) offsets(%arg6 : memref<40xi32, #tpu.memory_space<vmem>>) semaphore(%arg29 : memref<!tpu.dma_semaphore, #tpu.memory_space<semaphore_mem>>)
      } else {
      }
      %mul3A_479 = arith.constant 7 : i32
      %mul3A_480 = arith.muli %scan3A_359, %mul3A_479 : i32
      %add3A_481 = arith.constant 3 : i32
      %add3A_482 = arith.addi %mul3A_480, %add3A_481 : i32
      %dma_wait3A_483 = arith.constant 3 : i32
      %dma_wait3A_484 = arith.constant 0 : i32
      %dma_wait3A_485 = arith.constant 0 : i32
      %dma_wait3A_486 = tpu.memref_slice %arg20[%dma_wait3A_483, %dma_wait3A_484, %dma_wait3A_485] : memref<7x40x128xf32, #tpu.memory_space<vmem>> -> memref<1x40x128xf32, #tpu.memory_space<vmem>>
      %dma_wait3A_487 = tpu.memref_squeeze %dma_wait3A_486 : memref<1x40x128xf32, #tpu.memory_space<vmem>> -> memref<40x128xf32, #tpu.memory_space<vmem>>
      %dma_wait3A_488 = arith.constant 0 : i32
      %dma_wait3A_489 = arith.constant 0 : i32
      %dma_wait3A_490 = tpu.memref_slice %arg4[%dma_wait3A_488, %dma_wait3A_489] : memref<10000x128xf32, #tpu.memory_space<hbm>> -> memref<10000x128xf32, #tpu.memory_space<hbm>>
      tpu.wait_indirect_dma semaphore(%arg32 : memref<!tpu.dma_semaphore, #tpu.memory_space<semaphore_mem>>) src(%dma_wait3A_490 : memref<10000x128xf32, #tpu.memory_space<hbm>>) dst(%dma_wait3A_487 : memref<40x128xf32, #tpu.memory_space<vmem>>)
      %dma_start3A_491 = arith.constant 3 : i32
      %dma_start3A_492 = arith.constant 0 : i32
      %dma_start3A_493 = arith.constant 0 : i32
      %dma_start3A_494 = tpu.memref_slice %arg20[%dma_start3A_491, %dma_start3A_492, %dma_start3A_493] : memref<7x40x128xf32, #tpu.memory_space<vmem>> -> memref<1x40x128xf32, #tpu.memory_space<vmem>>
      %dma_start3A_495 = tpu.memref_squeeze %dma_start3A_494 : memref<1x40x128xf32, #tpu.memory_space<vmem>> -> memref<40x128xf32, #tpu.memory_space<vmem>>
      %dma_start3A_496 = arith.constant 0 : i32
      %dma_start3A_497 = arith.constant 0 : i32
      %dma_start3A_498 = tpu.memref_slice %arg21[%dma_start3A_496, %dma_start3A_497] : memref<10240x128xf32, #tpu.memory_space<vmem_shared>> -> memref<10240x128xf32, #tpu.memory_space<vmem_shared>>
      tpu.enqueue_indirect_dma source(%dma_start3A_495 : memref<40x128xf32, #tpu.memory_space<vmem>>) target(%dma_start3A_498 : memref<10240x128xf32, #tpu.memory_space<vmem_shared>>) offsets(%arg16 : memref<40xi32, #tpu.memory_space<vmem>>) semaphore(%arg39 : memref<!tpu.dma_semaphore, #tpu.memory_space<semaphore_mem>>) {add = true}
      %ge3A_499 = arith.constant 1 : i32
      %ge3A_500 = arith.cmpi sge, %add3A_482, %ge3A_499 : i32
      %convert_element_type3A_501 = arith.extui %ge3A_500 : i1 to i32
      %cond3A_502 = arith.constant 0 : i32
      %cond3A_503 = arith.cmpi ne, %convert_element_type3A_501, %cond3A_502 : i32
      scf.if %cond3A_503 {
        %dma_wait3A_643 = arith.constant 2 : i32
        %dma_wait3A_644 = arith.constant 0 : i32
        %dma_wait3A_645 = arith.constant 0 : i32
        %dma_wait3A_646 = tpu.memref_slice %arg20[%dma_wait3A_643, %dma_wait3A_644, %dma_wait3A_645] : memref<7x40x128xf32, #tpu.memory_space<vmem>> -> memref<1x40x128xf32, #tpu.memory_space<vmem>>
        %dma_wait3A_647 = tpu.memref_squeeze %dma_wait3A_646 : memref<1x40x128xf32, #tpu.memory_space<vmem>> -> memref<40x128xf32, #tpu.memory_space<vmem>>
        %dma_wait3A_648 = arith.constant 0 : i32
        %dma_wait3A_649 = arith.constant 0 : i32
        %dma_wait3A_650 = tpu.memref_slice %arg21[%dma_wait3A_648, %dma_wait3A_649] : memref<10240x128xf32, #tpu.memory_space<vmem_shared>> -> memref<10240x128xf32, #tpu.memory_space<vmem_shared>>
        tpu.wait_indirect_dma semaphore(%arg38 : memref<!tpu.dma_semaphore, #tpu.memory_space<semaphore_mem>>) src(%dma_wait3A_647 : memref<40x128xf32, #tpu.memory_space<vmem>>) dst(%dma_wait3A_650 : memref<10240x128xf32, #tpu.memory_space<vmem_shared>>)
      } else {
      }
      %add3A_504 = arith.constant 5 : i32
      %add3A_505 = arith.addi %add3A_482, %add3A_504 : i32
      %add3A_506 = arith.constant 1 : i32
      %add3A_507 = arith.addi %add3A_505, %add3A_506 : i32
      %le3A_508 = arith.constant 249 : i32
      %le3A_509 = arith.cmpi sle, %add3A_507, %le3A_508 : i32
      %convert_element_type3A_510 = arith.extui %le3A_509 : i1 to i32
      %cond3A_511 = arith.constant 0 : i32
      %cond3A_512 = arith.cmpi ne, %convert_element_type3A_510, %cond3A_511 : i32
      scf.if %cond3A_512 {
        %add3A_643 = arith.constant 5 : i32
        %add3A_644 = arith.addi %add3A_482, %add3A_643 : i32
        %add3A_645 = arith.constant 1 : i32
        %add3A_646 = arith.addi %add3A_644, %add3A_645 : i32
        %add3A_647 = arith.addi %mul3A_2, %add3A_646 : i32
        %dma_start3A_648 = arith.constant 0 : i32
        %dma_start3A_649 = tpu.memref_slice %arg2[%add3A_647, %dma_start3A_648] : memref<8000x40xi32, #tpu.memory_space<hbm>> -> memref<1x40xi32, #tpu.memory_space<hbm>>
        %dma_start3A_650 = tpu.memref_squeeze %dma_start3A_649 : memref<1x40xi32, #tpu.memory_space<hbm>> -> memref<40xi32, #tpu.memory_space<hbm>>
        %dma_start3A_651 = arith.constant 0 : i32
        %dma_start3A_652 = tpu.memref_slice %arg2[%add3A_647, %dma_start3A_651] : memref<8000x40xi32, #tpu.memory_space<hbm>> -> memref<1x40xi32, #tpu.memory_space<hbm>>
        %dma_start3A_653 = tpu.memref_squeeze %dma_start3A_652 : memref<1x40xi32, #tpu.memory_space<hbm>> -> memref<40xi32, #tpu.memory_space<hbm>>
        tpu.enqueue_dma source(%dma_start3A_653 : memref<40xi32, #tpu.memory_space<hbm>>) target(%arg8 : memref<40xi32, #tpu.memory_space<vmem>>) target_semaphore(%arg24 : memref<!tpu.dma_semaphore, #tpu.memory_space<semaphore_mem>>)
        %add3A_654 = arith.addi %mul3A_2, %add3A_646 : i32
        %dma_start3A_655 = arith.constant 0 : i32
        %dma_start3A_656 = tpu.memref_slice %arg3[%add3A_654, %dma_start3A_655] : memref<8000x40xi32, #tpu.memory_space<hbm>> -> memref<1x40xi32, #tpu.memory_space<hbm>>
        %dma_start3A_657 = tpu.memref_squeeze %dma_start3A_656 : memref<1x40xi32, #tpu.memory_space<hbm>> -> memref<40xi32, #tpu.memory_space<hbm>>
        %dma_start3A_658 = arith.constant 0 : i32
        %dma_start3A_659 = tpu.memref_slice %arg3[%add3A_654, %dma_start3A_658] : memref<8000x40xi32, #tpu.memory_space<hbm>> -> memref<1x40xi32, #tpu.memory_space<hbm>>
        %dma_start3A_660 = tpu.memref_squeeze %dma_start3A_659 : memref<1x40xi32, #tpu.memory_space<hbm>> -> memref<40xi32, #tpu.memory_space<hbm>>
        tpu.enqueue_dma source(%dma_start3A_660 : memref<40xi32, #tpu.memory_space<hbm>>) target(%arg15 : memref<40xi32, #tpu.memory_space<vmem>>) target_semaphore(%arg24 : memref<!tpu.dma_semaphore, #tpu.memory_space<semaphore_mem>>)
      } else {
      }
      %add3A_513 = arith.constant 5 : i32
      %add3A_514 = arith.addi %add3A_482, %add3A_513 : i32
      %le3A_515 = arith.constant 249 : i32
      %le3A_516 = arith.cmpi sle, %add3A_514, %le3A_515 : i32
      %convert_element_type3A_517 = arith.extui %le3A_516 : i1 to i32
      %cond3A_518 = arith.constant 0 : i32
      %cond3A_519 = arith.cmpi ne, %convert_element_type3A_517, %cond3A_518 : i32
      scf.if %cond3A_519 {
        %dma_wait3A_643 = arith.constant 0 : i32
        %dma_wait3A_644 = arith.constant 0 : i32
        %dma_wait3A_645 = tpu.memref_slice %arg2[%dma_wait3A_643, %dma_wait3A_644] : memref<8000x40xi32, #tpu.memory_space<hbm>> -> memref<1x40xi32, #tpu.memory_space<hbm>>
        %dma_wait3A_646 = tpu.memref_squeeze %dma_wait3A_645 : memref<1x40xi32, #tpu.memory_space<hbm>> -> memref<40xi32, #tpu.memory_space<hbm>>
        %dma_wait3A_647 = arith.constant 0 : i32
        %dma_wait3A_648 = tpu.memref_slice %arg2[%dma_wait3A_643, %dma_wait3A_647] : memref<8000x40xi32, #tpu.memory_space<hbm>> -> memref<1x40xi32, #tpu.memory_space<hbm>>
        %dma_wait3A_649 = tpu.memref_squeeze %dma_wait3A_648 : memref<1x40xi32, #tpu.memory_space<hbm>> -> memref<40xi32, #tpu.memory_space<hbm>>
        tpu.wait_dma2 semaphore(%arg23 : memref<!tpu.dma_semaphore, #tpu.memory_space<semaphore_mem>>) src(%dma_wait3A_649 : memref<40xi32, #tpu.memory_space<hbm>>) dst(%arg7 : memref<40xi32, #tpu.memory_space<vmem>>)
        %dma_wait3A_650 = arith.constant 0 : i32
        %dma_wait3A_651 = arith.constant 0 : i32
        %dma_wait3A_652 = tpu.memref_slice %arg3[%dma_wait3A_650, %dma_wait3A_651] : memref<8000x40xi32, #tpu.memory_space<hbm>> -> memref<1x40xi32, #tpu.memory_space<hbm>>
        %dma_wait3A_653 = tpu.memref_squeeze %dma_wait3A_652 : memref<1x40xi32, #tpu.memory_space<hbm>> -> memref<40xi32, #tpu.memory_space<hbm>>
        %dma_wait3A_654 = arith.constant 0 : i32
        %dma_wait3A_655 = tpu.memref_slice %arg3[%dma_wait3A_650, %dma_wait3A_654] : memref<8000x40xi32, #tpu.memory_space<hbm>> -> memref<1x40xi32, #tpu.memory_space<hbm>>
        %dma_wait3A_656 = tpu.memref_squeeze %dma_wait3A_655 : memref<1x40xi32, #tpu.memory_space<hbm>> -> memref<40xi32, #tpu.memory_space<hbm>>
        tpu.wait_dma2 semaphore(%arg23 : memref<!tpu.dma_semaphore, #tpu.memory_space<semaphore_mem>>) src(%dma_wait3A_656 : memref<40xi32, #tpu.memory_space<hbm>>) dst(%arg14 : memref<40xi32, #tpu.memory_space<vmem>>)
        %add3A_657 = arith.constant 5 : i32
        %add3A_658 = arith.addi %add3A_482, %add3A_657 : i32
        %dma_start3A_659 = arith.constant 1 : i32
        %dma_start3A_660 = arith.constant 0 : i32
        %dma_start3A_661 = arith.constant 0 : i32
        %dma_start3A_662 = tpu.memref_slice %arg20[%dma_start3A_659, %dma_start3A_660, %dma_start3A_661] : memref<7x40x128xf32, #tpu.memory_space<vmem>> -> memref<1x40x128xf32, #tpu.memory_space<vmem>>
        %dma_start3A_663 = tpu.memref_squeeze %dma_start3A_662 : memref<1x40x128xf32, #tpu.memory_space<vmem>> -> memref<40x128xf32, #tpu.memory_space<vmem>>
        %dma_start3A_664 = arith.constant 0 : i32
        %dma_start3A_665 = arith.constant 0 : i32
        %dma_start3A_666 = tpu.memref_slice %arg4[%dma_start3A_664, %dma_start3A_665] : memref<10000x128xf32, #tpu.memory_space<hbm>> -> memref<10000x128xf32, #tpu.memory_space<hbm>>
        tpu.enqueue_indirect_dma source(%dma_start3A_666 : memref<10000x128xf32, #tpu.memory_space<hbm>>) target(%dma_start3A_663 : memref<40x128xf32, #tpu.memory_space<vmem>>) offsets(%arg7 : memref<40xi32, #tpu.memory_space<vmem>>) semaphore(%arg30 : memref<!tpu.dma_semaphore, #tpu.memory_space<semaphore_mem>>)
      } else {
      }
      %mul3A_520 = arith.constant 7 : i32
      %mul3A_521 = arith.muli %scan3A_359, %mul3A_520 : i32
      %add3A_522 = arith.constant 4 : i32
      %add3A_523 = arith.addi %mul3A_521, %add3A_522 : i32
      %dma_wait3A_524 = arith.constant 4 : i32
      %dma_wait3A_525 = arith.constant 0 : i32
      %dma_wait3A_526 = arith.constant 0 : i32
      %dma_wait3A_527 = tpu.memref_slice %arg20[%dma_wait3A_524, %dma_wait3A_525, %dma_wait3A_526] : memref<7x40x128xf32, #tpu.memory_space<vmem>> -> memref<1x40x128xf32, #tpu.memory_space<vmem>>
      %dma_wait3A_528 = tpu.memref_squeeze %dma_wait3A_527 : memref<1x40x128xf32, #tpu.memory_space<vmem>> -> memref<40x128xf32, #tpu.memory_space<vmem>>
      %dma_wait3A_529 = arith.constant 0 : i32
      %dma_wait3A_530 = arith.constant 0 : i32
      %dma_wait3A_531 = tpu.memref_slice %arg4[%dma_wait3A_529, %dma_wait3A_530] : memref<10000x128xf32, #tpu.memory_space<hbm>> -> memref<10000x128xf32, #tpu.memory_space<hbm>>
      tpu.wait_indirect_dma semaphore(%arg33 : memref<!tpu.dma_semaphore, #tpu.memory_space<semaphore_mem>>) src(%dma_wait3A_531 : memref<10000x128xf32, #tpu.memory_space<hbm>>) dst(%dma_wait3A_528 : memref<40x128xf32, #tpu.memory_space<vmem>>)
      %dma_start3A_532 = arith.constant 4 : i32
      %dma_start3A_533 = arith.constant 0 : i32
      %dma_start3A_534 = arith.constant 0 : i32
      %dma_start3A_535 = tpu.memref_slice %arg20[%dma_start3A_532, %dma_start3A_533, %dma_start3A_534] : memref<7x40x128xf32, #tpu.memory_space<vmem>> -> memref<1x40x128xf32, #tpu.memory_space<vmem>>
      %dma_start3A_536 = tpu.memref_squeeze %dma_start3A_535 : memref<1x40x128xf32, #tpu.memory_space<vmem>> -> memref<40x128xf32, #tpu.memory_space<vmem>>
      %dma_start3A_537 = arith.constant 0 : i32
      %dma_start3A_538 = arith.constant 0 : i32
      %dma_start3A_539 = tpu.memref_slice %arg21[%dma_start3A_537, %dma_start3A_538] : memref<10240x128xf32, #tpu.memory_space<vmem_shared>> -> memref<10240x128xf32, #tpu.memory_space<vmem_shared>>
      tpu.enqueue_indirect_dma source(%dma_start3A_536 : memref<40x128xf32, #tpu.memory_space<vmem>>) target(%dma_start3A_539 : memref<10240x128xf32, #tpu.memory_space<vmem_shared>>) offsets(%arg17 : memref<40xi32, #tpu.memory_space<vmem>>) semaphore(%arg40 : memref<!tpu.dma_semaphore, #tpu.memory_space<semaphore_mem>>) {add = true}
      %ge3A_540 = arith.constant 1 : i32
      %ge3A_541 = arith.cmpi sge, %add3A_523, %ge3A_540 : i32
      %convert_element_type3A_542 = arith.extui %ge3A_541 : i1 to i32
      %cond3A_543 = arith.constant 0 : i32
      %cond3A_544 = arith.cmpi ne, %convert_element_type3A_542, %cond3A_543 : i32
      scf.if %cond3A_544 {
        %dma_wait3A_643 = arith.constant 3 : i32
        %dma_wait3A_644 = arith.constant 0 : i32
        %dma_wait3A_645 = arith.constant 0 : i32
        %dma_wait3A_646 = tpu.memref_slice %arg20[%dma_wait3A_643, %dma_wait3A_644, %dma_wait3A_645] : memref<7x40x128xf32, #tpu.memory_space<vmem>> -> memref<1x40x128xf32, #tpu.memory_space<vmem>>
        %dma_wait3A_647 = tpu.memref_squeeze %dma_wait3A_646 : memref<1x40x128xf32, #tpu.memory_space<vmem>> -> memref<40x128xf32, #tpu.memory_space<vmem>>
        %dma_wait3A_648 = arith.constant 0 : i32
        %dma_wait3A_649 = arith.constant 0 : i32
        %dma_wait3A_650 = tpu.memref_slice %arg21[%dma_wait3A_648, %dma_wait3A_649] : memref<10240x128xf32, #tpu.memory_space<vmem_shared>> -> memref<10240x128xf32, #tpu.memory_space<vmem_shared>>
        tpu.wait_indirect_dma semaphore(%arg39 : memref<!tpu.dma_semaphore, #tpu.memory_space<semaphore_mem>>) src(%dma_wait3A_647 : memref<40x128xf32, #tpu.memory_space<vmem>>) dst(%dma_wait3A_650 : memref<10240x128xf32, #tpu.memory_space<vmem_shared>>)
      } else {
      }
      %add3A_545 = arith.constant 5 : i32
      %add3A_546 = arith.addi %add3A_523, %add3A_545 : i32
      %add3A_547 = arith.constant 1 : i32
      %add3A_548 = arith.addi %add3A_546, %add3A_547 : i32
      %le3A_549 = arith.constant 249 : i32
      %le3A_550 = arith.cmpi sle, %add3A_548, %le3A_549 : i32
      %convert_element_type3A_551 = arith.extui %le3A_550 : i1 to i32
      %cond3A_552 = arith.constant 0 : i32
      %cond3A_553 = arith.cmpi ne, %convert_element_type3A_551, %cond3A_552 : i32
      scf.if %cond3A_553 {
        %add3A_643 = arith.constant 5 : i32
        %add3A_644 = arith.addi %add3A_523, %add3A_643 : i32
        %add3A_645 = arith.constant 1 : i32
        %add3A_646 = arith.addi %add3A_644, %add3A_645 : i32
        %add3A_647 = arith.addi %mul3A_2, %add3A_646 : i32
        %dma_start3A_648 = arith.constant 0 : i32
        %dma_start3A_649 = tpu.memref_slice %arg2[%add3A_647, %dma_start3A_648] : memref<8000x40xi32, #tpu.memory_space<hbm>> -> memref<1x40xi32, #tpu.memory_space<hbm>>
        %dma_start3A_650 = tpu.memref_squeeze %dma_start3A_649 : memref<1x40xi32, #tpu.memory_space<hbm>> -> memref<40xi32, #tpu.memory_space<hbm>>
        %dma_start3A_651 = arith.constant 0 : i32
        %dma_start3A_652 = tpu.memref_slice %arg2[%add3A_647, %dma_start3A_651] : memref<8000x40xi32, #tpu.memory_space<hbm>> -> memref<1x40xi32, #tpu.memory_space<hbm>>
        %dma_start3A_653 = tpu.memref_squeeze %dma_start3A_652 : memref<1x40xi32, #tpu.memory_space<hbm>> -> memref<40xi32, #tpu.memory_space<hbm>>
        tpu.enqueue_dma source(%dma_start3A_653 : memref<40xi32, #tpu.memory_space<hbm>>) target(%arg9 : memref<40xi32, #tpu.memory_space<vmem>>) target_semaphore(%arg25 : memref<!tpu.dma_semaphore, #tpu.memory_space<semaphore_mem>>)
        %add3A_654 = arith.addi %mul3A_2, %add3A_646 : i32
        %dma_start3A_655 = arith.constant 0 : i32
        %dma_start3A_656 = tpu.memref_slice %arg3[%add3A_654, %dma_start3A_655] : memref<8000x40xi32, #tpu.memory_space<hbm>> -> memref<1x40xi32, #tpu.memory_space<hbm>>
        %dma_start3A_657 = tpu.memref_squeeze %dma_start3A_656 : memref<1x40xi32, #tpu.memory_space<hbm>> -> memref<40xi32, #tpu.memory_space<hbm>>
        %dma_start3A_658 = arith.constant 0 : i32
        %dma_start3A_659 = tpu.memref_slice %arg3[%add3A_654, %dma_start3A_658] : memref<8000x40xi32, #tpu.memory_space<hbm>> -> memref<1x40xi32, #tpu.memory_space<hbm>>
        %dma_start3A_660 = tpu.memref_squeeze %dma_start3A_659 : memref<1x40xi32, #tpu.memory_space<hbm>> -> memref<40xi32, #tpu.memory_space<hbm>>
        tpu.enqueue_dma source(%dma_start3A_660 : memref<40xi32, #tpu.memory_space<hbm>>) target(%arg16 : memref<40xi32, #tpu.memory_space<vmem>>) target_semaphore(%arg25 : memref<!tpu.dma_semaphore, #tpu.memory_space<semaphore_mem>>)
      } else {
      }
      %add3A_554 = arith.constant 5 : i32
      %add3A_555 = arith.addi %add3A_523, %add3A_554 : i32
      %le3A_556 = arith.constant 249 : i32
      %le3A_557 = arith.cmpi sle, %add3A_555, %le3A_556 : i32
      %convert_element_type3A_558 = arith.extui %le3A_557 : i1 to i32
      %cond3A_559 = arith.constant 0 : i32
      %cond3A_560 = arith.cmpi ne, %convert_element_type3A_558, %cond3A_559 : i32
      scf.if %cond3A_560 {
        %dma_wait3A_643 = arith.constant 0 : i32
        %dma_wait3A_644 = arith.constant 0 : i32
        %dma_wait3A_645 = tpu.memref_slice %arg2[%dma_wait3A_643, %dma_wait3A_644] : memref<8000x40xi32, #tpu.memory_space<hbm>> -> memref<1x40xi32, #tpu.memory_space<hbm>>
        %dma_wait3A_646 = tpu.memref_squeeze %dma_wait3A_645 : memref<1x40xi32, #tpu.memory_space<hbm>> -> memref<40xi32, #tpu.memory_space<hbm>>
        %dma_wait3A_647 = arith.constant 0 : i32
        %dma_wait3A_648 = tpu.memref_slice %arg2[%dma_wait3A_643, %dma_wait3A_647] : memref<8000x40xi32, #tpu.memory_space<hbm>> -> memref<1x40xi32, #tpu.memory_space<hbm>>
        %dma_wait3A_649 = tpu.memref_squeeze %dma_wait3A_648 : memref<1x40xi32, #tpu.memory_space<hbm>> -> memref<40xi32, #tpu.memory_space<hbm>>
        tpu.wait_dma2 semaphore(%arg24 : memref<!tpu.dma_semaphore, #tpu.memory_space<semaphore_mem>>) src(%dma_wait3A_649 : memref<40xi32, #tpu.memory_space<hbm>>) dst(%arg8 : memref<40xi32, #tpu.memory_space<vmem>>)
        %dma_wait3A_650 = arith.constant 0 : i32
        %dma_wait3A_651 = arith.constant 0 : i32
        %dma_wait3A_652 = tpu.memref_slice %arg3[%dma_wait3A_650, %dma_wait3A_651] : memref<8000x40xi32, #tpu.memory_space<hbm>> -> memref<1x40xi32, #tpu.memory_space<hbm>>
        %dma_wait3A_653 = tpu.memref_squeeze %dma_wait3A_652 : memref<1x40xi32, #tpu.memory_space<hbm>> -> memref<40xi32, #tpu.memory_space<hbm>>
        %dma_wait3A_654 = arith.constant 0 : i32
        %dma_wait3A_655 = tpu.memref_slice %arg3[%dma_wait3A_650, %dma_wait3A_654] : memref<8000x40xi32, #tpu.memory_space<hbm>> -> memref<1x40xi32, #tpu.memory_space<hbm>>
        %dma_wait3A_656 = tpu.memref_squeeze %dma_wait3A_655 : memref<1x40xi32, #tpu.memory_space<hbm>> -> memref<40xi32, #tpu.memory_space<hbm>>
        tpu.wait_dma2 semaphore(%arg24 : memref<!tpu.dma_semaphore, #tpu.memory_space<semaphore_mem>>) src(%dma_wait3A_656 : memref<40xi32, #tpu.memory_space<hbm>>) dst(%arg15 : memref<40xi32, #tpu.memory_space<vmem>>)
        %add3A_657 = arith.constant 5 : i32
        %add3A_658 = arith.addi %add3A_523, %add3A_657 : i32
        %dma_start3A_659 = arith.constant 2 : i32
        %dma_start3A_660 = arith.constant 0 : i32
        %dma_start3A_661 = arith.constant 0 : i32
        %dma_start3A_662 = tpu.memref_slice %arg20[%dma_start3A_659, %dma_start3A_660, %dma_start3A_661] : memref<7x40x128xf32, #tpu.memory_space<vmem>> -> memref<1x40x128xf32, #tpu.memory_space<vmem>>
        %dma_start3A_663 = tpu.memref_squeeze %dma_start3A_662 : memref<1x40x128xf32, #tpu.memory_space<vmem>> -> memref<40x128xf32, #tpu.memory_space<vmem>>
        %dma_start3A_664 = arith.constant 0 : i32
        %dma_start3A_665 = arith.constant 0 : i32
        %dma_start3A_666 = tpu.memref_slice %arg4[%dma_start3A_664, %dma_start3A_665] : memref<10000x128xf32, #tpu.memory_space<hbm>> -> memref<10000x128xf32, #tpu.memory_space<hbm>>
        tpu.enqueue_indirect_dma source(%dma_start3A_666 : memref<10000x128xf32, #tpu.memory_space<hbm>>) target(%dma_start3A_663 : memref<40x128xf32, #tpu.memory_space<vmem>>) offsets(%arg8 : memref<40xi32, #tpu.memory_space<vmem>>) semaphore(%arg31 : memref<!tpu.dma_semaphore, #tpu.memory_space<semaphore_mem>>)
      } else {
      }
      %mul3A_561 = arith.constant 7 : i32
      %mul3A_562 = arith.muli %scan3A_359, %mul3A_561 : i32
      %add3A_563 = arith.constant 5 : i32
      %add3A_564 = arith.addi %mul3A_562, %add3A_563 : i32
      %dma_wait3A_565 = arith.constant 5 : i32
      %dma_wait3A_566 = arith.constant 0 : i32
      %dma_wait3A_567 = arith.constant 0 : i32
      %dma_wait3A_568 = tpu.memref_slice %arg20[%dma_wait3A_565, %dma_wait3A_566, %dma_wait3A_567] : memref<7x40x128xf32, #tpu.memory_space<vmem>> -> memref<1x40x128xf32, #tpu.memory_space<vmem>>
      %dma_wait3A_569 = tpu.memref_squeeze %dma_wait3A_568 : memref<1x40x128xf32, #tpu.memory_space<vmem>> -> memref<40x128xf32, #tpu.memory_space<vmem>>
      %dma_wait3A_570 = arith.constant 0 : i32
      %dma_wait3A_571 = arith.constant 0 : i32
      %dma_wait3A_572 = tpu.memref_slice %arg4[%dma_wait3A_570, %dma_wait3A_571] : memref<10000x128xf32, #tpu.memory_space<hbm>> -> memref<10000x128xf32, #tpu.memory_space<hbm>>
      tpu.wait_indirect_dma semaphore(%arg34 : memref<!tpu.dma_semaphore, #tpu.memory_space<semaphore_mem>>) src(%dma_wait3A_572 : memref<10000x128xf32, #tpu.memory_space<hbm>>) dst(%dma_wait3A_569 : memref<40x128xf32, #tpu.memory_space<vmem>>)
      %dma_start3A_573 = arith.constant 5 : i32
      %dma_start3A_574 = arith.constant 0 : i32
      %dma_start3A_575 = arith.constant 0 : i32
      %dma_start3A_576 = tpu.memref_slice %arg20[%dma_start3A_573, %dma_start3A_574, %dma_start3A_575] : memref<7x40x128xf32, #tpu.memory_space<vmem>> -> memref<1x40x128xf32, #tpu.memory_space<vmem>>
      %dma_start3A_577 = tpu.memref_squeeze %dma_start3A_576 : memref<1x40x128xf32, #tpu.memory_space<vmem>> -> memref<40x128xf32, #tpu.memory_space<vmem>>
      %dma_start3A_578 = arith.constant 0 : i32
      %dma_start3A_579 = arith.constant 0 : i32
      %dma_start3A_580 = tpu.memref_slice %arg21[%dma_start3A_578, %dma_start3A_579] : memref<10240x128xf32, #tpu.memory_space<vmem_shared>> -> memref<10240x128xf32, #tpu.memory_space<vmem_shared>>
      tpu.enqueue_indirect_dma source(%dma_start3A_577 : memref<40x128xf32, #tpu.memory_space<vmem>>) target(%dma_start3A_580 : memref<10240x128xf32, #tpu.memory_space<vmem_shared>>) offsets(%arg18 : memref<40xi32, #tpu.memory_space<vmem>>) semaphore(%arg41 : memref<!tpu.dma_semaphore, #tpu.memory_space<semaphore_mem>>) {add = true}
      %ge3A_581 = arith.constant 1 : i32
      %ge3A_582 = arith.cmpi sge, %add3A_564, %ge3A_581 : i32
      %convert_element_type3A_583 = arith.extui %ge3A_582 : i1 to i32
      %cond3A_584 = arith.constant 0 : i32
      %cond3A_585 = arith.cmpi ne, %convert_element_type3A_583, %cond3A_584 : i32
      scf.if %cond3A_585 {
        %dma_wait3A_643 = arith.constant 4 : i32
        %dma_wait3A_644 = arith.constant 0 : i32
        %dma_wait3A_645 = arith.constant 0 : i32
        %dma_wait3A_646 = tpu.memref_slice %arg20[%dma_wait3A_643, %dma_wait3A_644, %dma_wait3A_645] : memref<7x40x128xf32, #tpu.memory_space<vmem>> -> memref<1x40x128xf32, #tpu.memory_space<vmem>>
        %dma_wait3A_647 = tpu.memref_squeeze %dma_wait3A_646 : memref<1x40x128xf32, #tpu.memory_space<vmem>> -> memref<40x128xf32, #tpu.memory_space<vmem>>
        %dma_wait3A_648 = arith.constant 0 : i32
        %dma_wait3A_649 = arith.constant 0 : i32
        %dma_wait3A_650 = tpu.memref_slice %arg21[%dma_wait3A_648, %dma_wait3A_649] : memref<10240x128xf32, #tpu.memory_space<vmem_shared>> -> memref<10240x128xf32, #tpu.memory_space<vmem_shared>>
        tpu.wait_indirect_dma semaphore(%arg40 : memref<!tpu.dma_semaphore, #tpu.memory_space<semaphore_mem>>) src(%dma_wait3A_647 : memref<40x128xf32, #tpu.memory_space<vmem>>) dst(%dma_wait3A_650 : memref<10240x128xf32, #tpu.memory_space<vmem_shared>>)
      } else {
      }
      %add3A_586 = arith.constant 5 : i32
      %add3A_587 = arith.addi %add3A_564, %add3A_586 : i32
      %add3A_588 = arith.constant 1 : i32
      %add3A_589 = arith.addi %add3A_587, %add3A_588 : i32
      %le3A_590 = arith.constant 249 : i32
      %le3A_591 = arith.cmpi sle, %add3A_589, %le3A_590 : i32
      %convert_element_type3A_592 = arith.extui %le3A_591 : i1 to i32
      %cond3A_593 = arith.constant 0 : i32
      %cond3A_594 = arith.cmpi ne, %convert_element_type3A_592, %cond3A_593 : i32
      scf.if %cond3A_594 {
        %add3A_643 = arith.constant 5 : i32
        %add3A_644 = arith.addi %add3A_564, %add3A_643 : i32
        %add3A_645 = arith.constant 1 : i32
        %add3A_646 = arith.addi %add3A_644, %add3A_645 : i32
        %add3A_647 = arith.addi %mul3A_2, %add3A_646 : i32
        %dma_start3A_648 = arith.constant 0 : i32
        %dma_start3A_649 = tpu.memref_slice %arg2[%add3A_647, %dma_start3A_648] : memref<8000x40xi32, #tpu.memory_space<hbm>> -> memref<1x40xi32, #tpu.memory_space<hbm>>
        %dma_start3A_650 = tpu.memref_squeeze %dma_start3A_649 : memref<1x40xi32, #tpu.memory_space<hbm>> -> memref<40xi32, #tpu.memory_space<hbm>>
        %dma_start3A_651 = arith.constant 0 : i32
        %dma_start3A_652 = tpu.memref_slice %arg2[%add3A_647, %dma_start3A_651] : memref<8000x40xi32, #tpu.memory_space<hbm>> -> memref<1x40xi32, #tpu.memory_space<hbm>>
        %dma_start3A_653 = tpu.memref_squeeze %dma_start3A_652 : memref<1x40xi32, #tpu.memory_space<hbm>> -> memref<40xi32, #tpu.memory_space<hbm>>
        tpu.enqueue_dma source(%dma_start3A_653 : memref<40xi32, #tpu.memory_space<hbm>>) target(%arg10 : memref<40xi32, #tpu.memory_space<vmem>>) target_semaphore(%arg26 : memref<!tpu.dma_semaphore, #tpu.memory_space<semaphore_mem>>)
        %add3A_654 = arith.addi %mul3A_2, %add3A_646 : i32
        %dma_start3A_655 = arith.constant 0 : i32
        %dma_start3A_656 = tpu.memref_slice %arg3[%add3A_654, %dma_start3A_655] : memref<8000x40xi32, #tpu.memory_space<hbm>> -> memref<1x40xi32, #tpu.memory_space<hbm>>
        %dma_start3A_657 = tpu.memref_squeeze %dma_start3A_656 : memref<1x40xi32, #tpu.memory_space<hbm>> -> memref<40xi32, #tpu.memory_space<hbm>>
        %dma_start3A_658 = arith.constant 0 : i32
        %dma_start3A_659 = tpu.memref_slice %arg3[%add3A_654, %dma_start3A_658] : memref<8000x40xi32, #tpu.memory_space<hbm>> -> memref<1x40xi32, #tpu.memory_space<hbm>>
        %dma_start3A_660 = tpu.memref_squeeze %dma_start3A_659 : memref<1x40xi32, #tpu.memory_space<hbm>> -> memref<40xi32, #tpu.memory_space<hbm>>
        tpu.enqueue_dma source(%dma_start3A_660 : memref<40xi32, #tpu.memory_space<hbm>>) target(%arg17 : memref<40xi32, #tpu.memory_space<vmem>>) target_semaphore(%arg26 : memref<!tpu.dma_semaphore, #tpu.memory_space<semaphore_mem>>)
      } else {
      }
      %add3A_595 = arith.constant 5 : i32
      %add3A_596 = arith.addi %add3A_564, %add3A_595 : i32
      %le3A_597 = arith.constant 249 : i32
      %le3A_598 = arith.cmpi sle, %add3A_596, %le3A_597 : i32
      %convert_element_type3A_599 = arith.extui %le3A_598 : i1 to i32
      %cond3A_600 = arith.constant 0 : i32
      %cond3A_601 = arith.cmpi ne, %convert_element_type3A_599, %cond3A_600 : i32
      scf.if %cond3A_601 {
        %dma_wait3A_643 = arith.constant 0 : i32
        %dma_wait3A_644 = arith.constant 0 : i32
        %dma_wait3A_645 = tpu.memref_slice %arg2[%dma_wait3A_643, %dma_wait3A_644] : memref<8000x40xi32, #tpu.memory_space<hbm>> -> memref<1x40xi32, #tpu.memory_space<hbm>>
        %dma_wait3A_646 = tpu.memref_squeeze %dma_wait3A_645 : memref<1x40xi32, #tpu.memory_space<hbm>> -> memref<40xi32, #tpu.memory_space<hbm>>
        %dma_wait3A_647 = arith.constant 0 : i32
        %dma_wait3A_648 = tpu.memref_slice %arg2[%dma_wait3A_643, %dma_wait3A_647] : memref<8000x40xi32, #tpu.memory_space<hbm>> -> memref<1x40xi32, #tpu.memory_space<hbm>>
        %dma_wait3A_649 = tpu.memref_squeeze %dma_wait3A_648 : memref<1x40xi32, #tpu.memory_space<hbm>> -> memref<40xi32, #tpu.memory_space<hbm>>
        tpu.wait_dma2 semaphore(%arg25 : memref<!tpu.dma_semaphore, #tpu.memory_space<semaphore_mem>>) src(%dma_wait3A_649 : memref<40xi32, #tpu.memory_space<hbm>>) dst(%arg9 : memref<40xi32, #tpu.memory_space<vmem>>)
        %dma_wait3A_650 = arith.constant 0 : i32
        %dma_wait3A_651 = arith.constant 0 : i32
        %dma_wait3A_652 = tpu.memref_slice %arg3[%dma_wait3A_650, %dma_wait3A_651] : memref<8000x40xi32, #tpu.memory_space<hbm>> -> memref<1x40xi32, #tpu.memory_space<hbm>>
        %dma_wait3A_653 = tpu.memref_squeeze %dma_wait3A_652 : memref<1x40xi32, #tpu.memory_space<hbm>> -> memref<40xi32, #tpu.memory_space<hbm>>
        %dma_wait3A_654 = arith.constant 0 : i32
        %dma_wait3A_655 = tpu.memref_slice %arg3[%dma_wait3A_650, %dma_wait3A_654] : memref<8000x40xi32, #tpu.memory_space<hbm>> -> memref<1x40xi32, #tpu.memory_space<hbm>>
        %dma_wait3A_656 = tpu.memref_squeeze %dma_wait3A_655 : memref<1x40xi32, #tpu.memory_space<hbm>> -> memref<40xi32, #tpu.memory_space<hbm>>
        tpu.wait_dma2 semaphore(%arg25 : memref<!tpu.dma_semaphore, #tpu.memory_space<semaphore_mem>>) src(%dma_wait3A_656 : memref<40xi32, #tpu.memory_space<hbm>>) dst(%arg16 : memref<40xi32, #tpu.memory_space<vmem>>)
        %add3A_657 = arith.constant 5 : i32
        %add3A_658 = arith.addi %add3A_564, %add3A_657 : i32
        %dma_start3A_659 = arith.constant 3 : i32
        %dma_start3A_660 = arith.constant 0 : i32
        %dma_start3A_661 = arith.constant 0 : i32
        %dma_start3A_662 = tpu.memref_slice %arg20[%dma_start3A_659, %dma_start3A_660, %dma_start3A_661] : memref<7x40x128xf32, #tpu.memory_space<vmem>> -> memref<1x40x128xf32, #tpu.memory_space<vmem>>
        %dma_start3A_663 = tpu.memref_squeeze %dma_start3A_662 : memref<1x40x128xf32, #tpu.memory_space<vmem>> -> memref<40x128xf32, #tpu.memory_space<vmem>>
        %dma_start3A_664 = arith.constant 0 : i32
        %dma_start3A_665 = arith.constant 0 : i32
        %dma_start3A_666 = tpu.memref_slice %arg4[%dma_start3A_664, %dma_start3A_665] : memref<10000x128xf32, #tpu.memory_space<hbm>> -> memref<10000x128xf32, #tpu.memory_space<hbm>>
        tpu.enqueue_indirect_dma source(%dma_start3A_666 : memref<10000x128xf32, #tpu.memory_space<hbm>>) target(%dma_start3A_663 : memref<40x128xf32, #tpu.memory_space<vmem>>) offsets(%arg9 : memref<40xi32, #tpu.memory_space<vmem>>) semaphore(%arg32 : memref<!tpu.dma_semaphore, #tpu.memory_space<semaphore_mem>>)
      } else {
      }
      %mul3A_602 = arith.constant 7 : i32
      %mul3A_603 = arith.muli %scan3A_359, %mul3A_602 : i32
      %add3A_604 = arith.constant 6 : i32
      %add3A_605 = arith.addi %mul3A_603, %add3A_604 : i32
      %dma_wait3A_606 = arith.constant 6 : i32
      %dma_wait3A_607 = arith.constant 0 : i32
      %dma_wait3A_608 = arith.constant 0 : i32
      %dma_wait3A_609 = tpu.memref_slice %arg20[%dma_wait3A_606, %dma_wait3A_607, %dma_wait3A_608] : memref<7x40x128xf32, #tpu.memory_space<vmem>> -> memref<1x40x128xf32, #tpu.memory_space<vmem>>
      %dma_wait3A_610 = tpu.memref_squeeze %dma_wait3A_609 : memref<1x40x128xf32, #tpu.memory_space<vmem>> -> memref<40x128xf32, #tpu.memory_space<vmem>>
      %dma_wait3A_611 = arith.constant 0 : i32
      %dma_wait3A_612 = arith.constant 0 : i32
      %dma_wait3A_613 = tpu.memref_slice %arg4[%dma_wait3A_611, %dma_wait3A_612] : memref<10000x128xf32, #tpu.memory_space<hbm>> -> memref<10000x128xf32, #tpu.memory_space<hbm>>
      tpu.wait_indirect_dma semaphore(%arg35 : memref<!tpu.dma_semaphore, #tpu.memory_space<semaphore_mem>>) src(%dma_wait3A_613 : memref<10000x128xf32, #tpu.memory_space<hbm>>) dst(%dma_wait3A_610 : memref<40x128xf32, #tpu.memory_space<vmem>>)
      %dma_start3A_614 = arith.constant 6 : i32
      %dma_start3A_615 = arith.constant 0 : i32
      %dma_start3A_616 = arith.constant 0 : i32
      %dma_start3A_617 = tpu.memref_slice %arg20[%dma_start3A_614, %dma_start3A_615, %dma_start3A_616] : memref<7x40x128xf32, #tpu.memory_space<vmem>> -> memref<1x40x128xf32, #tpu.memory_space<vmem>>
      %dma_start3A_618 = tpu.memref_squeeze %dma_start3A_617 : memref<1x40x128xf32, #tpu.memory_space<vmem>> -> memref<40x128xf32, #tpu.memory_space<vmem>>
      %dma_start3A_619 = arith.constant 0 : i32
      %dma_start3A_620 = arith.constant 0 : i32
      %dma_start3A_621 = tpu.memref_slice %arg21[%dma_start3A_619, %dma_start3A_620] : memref<10240x128xf32, #tpu.memory_space<vmem_shared>> -> memref<10240x128xf32, #tpu.memory_space<vmem_shared>>
      tpu.enqueue_indirect_dma source(%dma_start3A_618 : memref<40x128xf32, #tpu.memory_space<vmem>>) target(%dma_start3A_621 : memref<10240x128xf32, #tpu.memory_space<vmem_shared>>) offsets(%arg19 : memref<40xi32, #tpu.memory_space<vmem>>) semaphore(%arg42 : memref<!tpu.dma_semaphore, #tpu.memory_space<semaphore_mem>>) {add = true}
      %ge3A_622 = arith.constant 1 : i32
      %ge3A_623 = arith.cmpi sge, %add3A_605, %ge3A_622 : i32
      %convert_element_type3A_624 = arith.extui %ge3A_623 : i1 to i32
      %cond3A_625 = arith.constant 0 : i32
      %cond3A_626 = arith.cmpi ne, %convert_element_type3A_624, %cond3A_625 : i32
      scf.if %cond3A_626 {
        %dma_wait3A_643 = arith.constant 5 : i32
        %dma_wait3A_644 = arith.constant 0 : i32
        %dma_wait3A_645 = arith.constant 0 : i32
        %dma_wait3A_646 = tpu.memref_slice %arg20[%dma_wait3A_643, %dma_wait3A_644, %dma_wait3A_645] : memref<7x40x128xf32, #tpu.memory_space<vmem>> -> memref<1x40x128xf32, #tpu.memory_space<vmem>>
        %dma_wait3A_647 = tpu.memref_squeeze %dma_wait3A_646 : memref<1x40x128xf32, #tpu.memory_space<vmem>> -> memref<40x128xf32, #tpu.memory_space<vmem>>
        %dma_wait3A_648 = arith.constant 0 : i32
        %dma_wait3A_649 = arith.constant 0 : i32
        %dma_wait3A_650 = tpu.memref_slice %arg21[%dma_wait3A_648, %dma_wait3A_649] : memref<10240x128xf32, #tpu.memory_space<vmem_shared>> -> memref<10240x128xf32, #tpu.memory_space<vmem_shared>>
        tpu.wait_indirect_dma semaphore(%arg41 : memref<!tpu.dma_semaphore, #tpu.memory_space<semaphore_mem>>) src(%dma_wait3A_647 : memref<40x128xf32, #tpu.memory_space<vmem>>) dst(%dma_wait3A_650 : memref<10240x128xf32, #tpu.memory_space<vmem_shared>>)
      } else {
      }
      %add3A_627 = arith.constant 5 : i32
      %add3A_628 = arith.addi %add3A_605, %add3A_627 : i32
      %add3A_629 = arith.constant 1 : i32
      %add3A_630 = arith.addi %add3A_628, %add3A_629 : i32
      %le3A_631 = arith.constant 249 : i32
      %le3A_632 = arith.cmpi sle, %add3A_630, %le3A_631 : i32
      %convert_element_type3A_633 = arith.extui %le3A_632 : i1 to i32
      %cond3A_634 = arith.constant 0 : i32
      %cond3A_635 = arith.cmpi ne, %convert_element_type3A_633, %cond3A_634 : i32
      scf.if %cond3A_635 {
        %add3A_643 = arith.constant 5 : i32
        %add3A_644 = arith.addi %add3A_605, %add3A_643 : i32
        %add3A_645 = arith.constant 1 : i32
        %add3A_646 = arith.addi %add3A_644, %add3A_645 : i32
        %add3A_647 = arith.addi %mul3A_2, %add3A_646 : i32
        %dma_start3A_648 = arith.constant 0 : i32
        %dma_start3A_649 = tpu.memref_slice %arg2[%add3A_647, %dma_start3A_648] : memref<8000x40xi32, #tpu.memory_space<hbm>> -> memref<1x40xi32, #tpu.memory_space<hbm>>
        %dma_start3A_650 = tpu.memref_squeeze %dma_start3A_649 : memref<1x40xi32, #tpu.memory_space<hbm>> -> memref<40xi32, #tpu.memory_space<hbm>>
        %dma_start3A_651 = arith.constant 0 : i32
        %dma_start3A_652 = tpu.memref_slice %arg2[%add3A_647, %dma_start3A_651] : memref<8000x40xi32, #tpu.memory_space<hbm>> -> memref<1x40xi32, #tpu.memory_space<hbm>>
        %dma_start3A_653 = tpu.memref_squeeze %dma_start3A_652 : memref<1x40xi32, #tpu.memory_space<hbm>> -> memref<40xi32, #tpu.memory_space<hbm>>
        tpu.enqueue_dma source(%dma_start3A_653 : memref<40xi32, #tpu.memory_space<hbm>>) target(%arg11 : memref<40xi32, #tpu.memory_space<vmem>>) target_semaphore(%arg27 : memref<!tpu.dma_semaphore, #tpu.memory_space<semaphore_mem>>)
        %add3A_654 = arith.addi %mul3A_2, %add3A_646 : i32
        %dma_start3A_655 = arith.constant 0 : i32
        %dma_start3A_656 = tpu.memref_slice %arg3[%add3A_654, %dma_start3A_655] : memref<8000x40xi32, #tpu.memory_space<hbm>> -> memref<1x40xi32, #tpu.memory_space<hbm>>
        %dma_start3A_657 = tpu.memref_squeeze %dma_start3A_656 : memref<1x40xi32, #tpu.memory_space<hbm>> -> memref<40xi32, #tpu.memory_space<hbm>>
        %dma_start3A_658 = arith.constant 0 : i32
        %dma_start3A_659 = tpu.memref_slice %arg3[%add3A_654, %dma_start3A_658] : memref<8000x40xi32, #tpu.memory_space<hbm>> -> memref<1x40xi32, #tpu.memory_space<hbm>>
        %dma_start3A_660 = tpu.memref_squeeze %dma_start3A_659 : memref<1x40xi32, #tpu.memory_space<hbm>> -> memref<40xi32, #tpu.memory_space<hbm>>
        tpu.enqueue_dma source(%dma_start3A_660 : memref<40xi32, #tpu.memory_space<hbm>>) target(%arg18 : memref<40xi32, #tpu.memory_space<vmem>>) target_semaphore(%arg27 : memref<!tpu.dma_semaphore, #tpu.memory_space<semaphore_mem>>)
      } else {
      }
      %add3A_636 = arith.constant 5 : i32
      %add3A_637 = arith.addi %add3A_605, %add3A_636 : i32
      %le3A_638 = arith.constant 249 : i32
      %le3A_639 = arith.cmpi sle, %add3A_637, %le3A_638 : i32
      %convert_element_type3A_640 = arith.extui %le3A_639 : i1 to i32
      %cond3A_641 = arith.constant 0 : i32
      %cond3A_642 = arith.cmpi ne, %convert_element_type3A_640, %cond3A_641 : i32
      scf.if %cond3A_642 {
        %dma_wait3A_643 = arith.constant 0 : i32
        %dma_wait3A_644 = arith.constant 0 : i32
        %dma_wait3A_645 = tpu.memref_slice %arg2[%dma_wait3A_643, %dma_wait3A_644] : memref<8000x40xi32, #tpu.memory_space<hbm>> -> memref<1x40xi32, #tpu.memory_space<hbm>>
        %dma_wait3A_646 = tpu.memref_squeeze %dma_wait3A_645 : memref<1x40xi32, #tpu.memory_space<hbm>> -> memref<40xi32, #tpu.memory_space<hbm>>
        %dma_wait3A_647 = arith.constant 0 : i32
        %dma_wait3A_648 = tpu.memref_slice %arg2[%dma_wait3A_643, %dma_wait3A_647] : memref<8000x40xi32, #tpu.memory_space<hbm>> -> memref<1x40xi32, #tpu.memory_space<hbm>>
        %dma_wait3A_649 = tpu.memref_squeeze %dma_wait3A_648 : memref<1x40xi32, #tpu.memory_space<hbm>> -> memref<40xi32, #tpu.memory_space<hbm>>
        tpu.wait_dma2 semaphore(%arg26 : memref<!tpu.dma_semaphore, #tpu.memory_space<semaphore_mem>>) src(%dma_wait3A_649 : memref<40xi32, #tpu.memory_space<hbm>>) dst(%arg10 : memref<40xi32, #tpu.memory_space<vmem>>)
        %dma_wait3A_650 = arith.constant 0 : i32
        %dma_wait3A_651 = arith.constant 0 : i32
        %dma_wait3A_652 = tpu.memref_slice %arg3[%dma_wait3A_650, %dma_wait3A_651] : memref<8000x40xi32, #tpu.memory_space<hbm>> -> memref<1x40xi32, #tpu.memory_space<hbm>>
        %dma_wait3A_653 = tpu.memref_squeeze %dma_wait3A_652 : memref<1x40xi32, #tpu.memory_space<hbm>> -> memref<40xi32, #tpu.memory_space<hbm>>
        %dma_wait3A_654 = arith.constant 0 : i32
        %dma_wait3A_655 = tpu.memref_slice %arg3[%dma_wait3A_650, %dma_wait3A_654] : memref<8000x40xi32, #tpu.memory_space<hbm>> -> memref<1x40xi32, #tpu.memory_space<hbm>>
        %dma_wait3A_656 = tpu.memref_squeeze %dma_wait3A_655 : memref<1x40xi32, #tpu.memory_space<hbm>> -> memref<40xi32, #tpu.memory_space<hbm>>
        tpu.wait_dma2 semaphore(%arg26 : memref<!tpu.dma_semaphore, #tpu.memory_space<semaphore_mem>>) src(%dma_wait3A_656 : memref<40xi32, #tpu.memory_space<hbm>>) dst(%arg17 : memref<40xi32, #tpu.memory_space<vmem>>)
        %add3A_657 = arith.constant 5 : i32
        %add3A_658 = arith.addi %add3A_605, %add3A_657 : i32
        %dma_start3A_659 = arith.constant 4 : i32
        %dma_start3A_660 = arith.constant 0 : i32
        %dma_start3A_661 = arith.constant 0 : i32
        %dma_start3A_662 = tpu.memref_slice %arg20[%dma_start3A_659, %dma_start3A_660, %dma_start3A_661] : memref<7x40x128xf32, #tpu.memory_space<vmem>> -> memref<1x40x128xf32, #tpu.memory_space<vmem>>
        %dma_start3A_663 = tpu.memref_squeeze %dma_start3A_662 : memref<1x40x128xf32, #tpu.memory_space<vmem>> -> memref<40x128xf32, #tpu.memory_space<vmem>>
        %dma_start3A_664 = arith.constant 0 : i32
        %dma_start3A_665 = arith.constant 0 : i32
        %dma_start3A_666 = tpu.memref_slice %arg4[%dma_start3A_664, %dma_start3A_665] : memref<10000x128xf32, #tpu.memory_space<hbm>> -> memref<10000x128xf32, #tpu.memory_space<hbm>>
        tpu.enqueue_indirect_dma source(%dma_start3A_666 : memref<10000x128xf32, #tpu.memory_space<hbm>>) target(%dma_start3A_663 : memref<40x128xf32, #tpu.memory_space<vmem>>) offsets(%arg10 : memref<40xi32, #tpu.memory_space<vmem>>) semaphore(%arg33 : memref<!tpu.dma_semaphore, #tpu.memory_space<semaphore_mem>>)
      } else {
      }
    }
    %scan3A_223 = arith.constant 35 : i32
    %dma_wait3A_224 = arith.constant 0 : i32
    %dma_wait3A_225 = arith.constant 0 : i32
    %dma_wait3A_226 = arith.constant 0 : i32
    %dma_wait3A_227 = tpu.memref_slice %arg20[%dma_wait3A_224, %dma_wait3A_225, %dma_wait3A_226] : memref<7x40x128xf32, #tpu.memory_space<vmem>> -> memref<1x40x128xf32, #tpu.memory_space<vmem>>
    %dma_wait3A_228 = tpu.memref_squeeze %dma_wait3A_227 : memref<1x40x128xf32, #tpu.memory_space<vmem>> -> memref<40x128xf32, #tpu.memory_space<vmem>>
    %dma_wait3A_229 = arith.constant 0 : i32
    %dma_wait3A_230 = arith.constant 0 : i32
    %dma_wait3A_231 = tpu.memref_slice %arg4[%dma_wait3A_229, %dma_wait3A_230] : memref<10000x128xf32, #tpu.memory_space<hbm>> -> memref<10000x128xf32, #tpu.memory_space<hbm>>
    tpu.wait_indirect_dma semaphore(%arg29 : memref<!tpu.dma_semaphore, #tpu.memory_space<semaphore_mem>>) src(%dma_wait3A_231 : memref<10000x128xf32, #tpu.memory_space<hbm>>) dst(%dma_wait3A_228 : memref<40x128xf32, #tpu.memory_space<vmem>>)
    %dma_start3A_232 = arith.constant 0 : i32
    %dma_start3A_233 = arith.constant 0 : i32
    %dma_start3A_234 = arith.constant 0 : i32
    %dma_start3A_235 = tpu.memref_slice %arg20[%dma_start3A_232, %dma_start3A_233, %dma_start3A_234] : memref<7x40x128xf32, #tpu.memory_space<vmem>> -> memref<1x40x128xf32, #tpu.memory_space<vmem>>
    %dma_start3A_236 = tpu.memref_squeeze %dma_start3A_235 : memref<1x40x128xf32, #tpu.memory_space<vmem>> -> memref<40x128xf32, #tpu.memory_space<vmem>>
    %dma_start3A_237 = arith.constant 0 : i32
    %dma_start3A_238 = arith.constant 0 : i32
    %dma_start3A_239 = tpu.memref_slice %arg21[%dma_start3A_237, %dma_start3A_238] : memref<10240x128xf32, #tpu.memory_space<vmem_shared>> -> memref<10240x128xf32, #tpu.memory_space<vmem_shared>>
    tpu.enqueue_indirect_dma source(%dma_start3A_236 : memref<40x128xf32, #tpu.memory_space<vmem>>) target(%dma_start3A_239 : memref<10240x128xf32, #tpu.memory_space<vmem_shared>>) offsets(%arg13 : memref<40xi32, #tpu.memory_space<vmem>>) semaphore(%arg36 : memref<!tpu.dma_semaphore, #tpu.memory_space<semaphore_mem>>) {add = true}
    %dma_wait3A_240 = arith.constant 6 : i32
    %dma_wait3A_241 = arith.constant 0 : i32
    %dma_wait3A_242 = arith.constant 0 : i32
    %dma_wait3A_243 = tpu.memref_slice %arg20[%dma_wait3A_240, %dma_wait3A_241, %dma_wait3A_242] : memref<7x40x128xf32, #tpu.memory_space<vmem>> -> memref<1x40x128xf32, #tpu.memory_space<vmem>>
    %dma_wait3A_244 = tpu.memref_squeeze %dma_wait3A_243 : memref<1x40x128xf32, #tpu.memory_space<vmem>> -> memref<40x128xf32, #tpu.memory_space<vmem>>
    %dma_wait3A_245 = arith.constant 0 : i32
    %dma_wait3A_246 = arith.constant 0 : i32
    %dma_wait3A_247 = tpu.memref_slice %arg21[%dma_wait3A_245, %dma_wait3A_246] : memref<10240x128xf32, #tpu.memory_space<vmem_shared>> -> memref<10240x128xf32, #tpu.memory_space<vmem_shared>>
    tpu.wait_indirect_dma semaphore(%arg42 : memref<!tpu.dma_semaphore, #tpu.memory_space<semaphore_mem>>) src(%dma_wait3A_244 : memref<40x128xf32, #tpu.memory_space<vmem>>) dst(%dma_wait3A_247 : memref<10240x128xf32, #tpu.memory_space<vmem_shared>>)
    %dma_wait3A_248 = arith.constant 1 : i32
    %dma_wait3A_249 = arith.constant 0 : i32
    %dma_wait3A_250 = arith.constant 0 : i32
    %dma_wait3A_251 = tpu.memref_slice %arg20[%dma_wait3A_248, %dma_wait3A_249, %dma_wait3A_250] : memref<7x40x128xf32, #tpu.memory_space<vmem>> -> memref<1x40x128xf32, #tpu.memory_space<vmem>>
    %dma_wait3A_252 = tpu.memref_squeeze %dma_wait3A_251 : memref<1x40x128xf32, #tpu.memory_space<vmem>> -> memref<40x128xf32, #tpu.memory_space<vmem>>
    %dma_wait3A_253 = arith.constant 0 : i32
    %dma_wait3A_254 = arith.constant 0 : i32
    %dma_wait3A_255 = tpu.memref_slice %arg4[%dma_wait3A_253, %dma_wait3A_254] : memref<10000x128xf32, #tpu.memory_space<hbm>> -> memref<10000x128xf32, #tpu.memory_space<hbm>>
    tpu.wait_indirect_dma semaphore(%arg30 : memref<!tpu.dma_semaphore, #tpu.memory_space<semaphore_mem>>) src(%dma_wait3A_255 : memref<10000x128xf32, #tpu.memory_space<hbm>>) dst(%dma_wait3A_252 : memref<40x128xf32, #tpu.memory_space<vmem>>)
    %dma_start3A_256 = arith.constant 1 : i32
    %dma_start3A_257 = arith.constant 0 : i32
    %dma_start3A_258 = arith.constant 0 : i32
    %dma_start3A_259 = tpu.memref_slice %arg20[%dma_start3A_256, %dma_start3A_257, %dma_start3A_258] : memref<7x40x128xf32, #tpu.memory_space<vmem>> -> memref<1x40x128xf32, #tpu.memory_space<vmem>>
    %dma_start3A_260 = tpu.memref_squeeze %dma_start3A_259 : memref<1x40x128xf32, #tpu.memory_space<vmem>> -> memref<40x128xf32, #tpu.memory_space<vmem>>
    %dma_start3A_261 = arith.constant 0 : i32
    %dma_start3A_262 = arith.constant 0 : i32
    %dma_start3A_263 = tpu.memref_slice %arg21[%dma_start3A_261, %dma_start3A_262] : memref<10240x128xf32, #tpu.memory_space<vmem_shared>> -> memref<10240x128xf32, #tpu.memory_space<vmem_shared>>
    tpu.enqueue_indirect_dma source(%dma_start3A_260 : memref<40x128xf32, #tpu.memory_space<vmem>>) target(%dma_start3A_263 : memref<10240x128xf32, #tpu.memory_space<vmem_shared>>) offsets(%arg14 : memref<40xi32, #tpu.memory_space<vmem>>) semaphore(%arg37 : memref<!tpu.dma_semaphore, #tpu.memory_space<semaphore_mem>>) {add = true}
    %dma_wait3A_264 = arith.constant 0 : i32
    %dma_wait3A_265 = arith.constant 0 : i32
    %dma_wait3A_266 = arith.constant 0 : i32
    %dma_wait3A_267 = tpu.memref_slice %arg20[%dma_wait3A_264, %dma_wait3A_265, %dma_wait3A_266] : memref<7x40x128xf32, #tpu.memory_space<vmem>> -> memref<1x40x128xf32, #tpu.memory_space<vmem>>
    %dma_wait3A_268 = tpu.memref_squeeze %dma_wait3A_267 : memref<1x40x128xf32, #tpu.memory_space<vmem>> -> memref<40x128xf32, #tpu.memory_space<vmem>>
    %dma_wait3A_269 = arith.constant 0 : i32
    %dma_wait3A_270 = arith.constant 0 : i32
    %dma_wait3A_271 = tpu.memref_slice %arg21[%dma_wait3A_269, %dma_wait3A_270] : memref<10240x128xf32, #tpu.memory_space<vmem_shared>> -> memref<10240x128xf32, #tpu.memory_space<vmem_shared>>
    tpu.wait_indirect_dma semaphore(%arg36 : memref<!tpu.dma_semaphore, #tpu.memory_space<semaphore_mem>>) src(%dma_wait3A_268 : memref<40x128xf32, #tpu.memory_space<vmem>>) dst(%dma_wait3A_271 : memref<10240x128xf32, #tpu.memory_space<vmem_shared>>)
    %dma_wait3A_272 = arith.constant 2 : i32
    %dma_wait3A_273 = arith.constant 0 : i32
    %dma_wait3A_274 = arith.constant 0 : i32
    %dma_wait3A_275 = tpu.memref_slice %arg20[%dma_wait3A_272, %dma_wait3A_273, %dma_wait3A_274] : memref<7x40x128xf32, #tpu.memory_space<vmem>> -> memref<1x40x128xf32, #tpu.memory_space<vmem>>
    %dma_wait3A_276 = tpu.memref_squeeze %dma_wait3A_275 : memref<1x40x128xf32, #tpu.memory_space<vmem>> -> memref<40x128xf32, #tpu.memory_space<vmem>>
    %dma_wait3A_277 = arith.constant 0 : i32
    %dma_wait3A_278 = arith.constant 0 : i32
    %dma_wait3A_279 = tpu.memref_slice %arg4[%dma_wait3A_277, %dma_wait3A_278] : memref<10000x128xf32, #tpu.memory_space<hbm>> -> memref<10000x128xf32, #tpu.memory_space<hbm>>
    tpu.wait_indirect_dma semaphore(%arg31 : memref<!tpu.dma_semaphore, #tpu.memory_space<semaphore_mem>>) src(%dma_wait3A_279 : memref<10000x128xf32, #tpu.memory_space<hbm>>) dst(%dma_wait3A_276 : memref<40x128xf32, #tpu.memory_space<vmem>>)
    %dma_start3A_280 = arith.constant 2 : i32
    %dma_start3A_281 = arith.constant 0 : i32
    %dma_start3A_282 = arith.constant 0 : i32
    %dma_start3A_283 = tpu.memref_slice %arg20[%dma_start3A_280, %dma_start3A_281, %dma_start3A_282] : memref<7x40x128xf32, #tpu.memory_space<vmem>> -> memref<1x40x128xf32, #tpu.memory_space<vmem>>
    %dma_start3A_284 = tpu.memref_squeeze %dma_start3A_283 : memref<1x40x128xf32, #tpu.memory_space<vmem>> -> memref<40x128xf32, #tpu.memory_space<vmem>>
    %dma_start3A_285 = arith.constant 0 : i32
    %dma_start3A_286 = arith.constant 0 : i32
    %dma_start3A_287 = tpu.memref_slice %arg21[%dma_start3A_285, %dma_start3A_286] : memref<10240x128xf32, #tpu.memory_space<vmem_shared>> -> memref<10240x128xf32, #tpu.memory_space<vmem_shared>>
    tpu.enqueue_indirect_dma source(%dma_start3A_284 : memref<40x128xf32, #tpu.memory_space<vmem>>) target(%dma_start3A_287 : memref<10240x128xf32, #tpu.memory_space<vmem_shared>>) offsets(%arg15 : memref<40xi32, #tpu.memory_space<vmem>>) semaphore(%arg38 : memref<!tpu.dma_semaphore, #tpu.memory_space<semaphore_mem>>) {add = true}
    %dma_wait3A_288 = arith.constant 1 : i32
    %dma_wait3A_289 = arith.constant 0 : i32
    %dma_wait3A_290 = arith.constant 0 : i32
    %dma_wait3A_291 = tpu.memref_slice %arg20[%dma_wait3A_288, %dma_wait3A_289, %dma_wait3A_290] : memref<7x40x128xf32, #tpu.memory_space<vmem>> -> memref<1x40x128xf32, #tpu.memory_space<vmem>>
    %dma_wait3A_292 = tpu.memref_squeeze %dma_wait3A_291 : memref<1x40x128xf32, #tpu.memory_space<vmem>> -> memref<40x128xf32, #tpu.memory_space<vmem>>
    %dma_wait3A_293 = arith.constant 0 : i32
    %dma_wait3A_294 = arith.constant 0 : i32
    %dma_wait3A_295 = tpu.memref_slice %arg21[%dma_wait3A_293, %dma_wait3A_294] : memref<10240x128xf32, #tpu.memory_space<vmem_shared>> -> memref<10240x128xf32, #tpu.memory_space<vmem_shared>>
    tpu.wait_indirect_dma semaphore(%arg37 : memref<!tpu.dma_semaphore, #tpu.memory_space<semaphore_mem>>) src(%dma_wait3A_292 : memref<40x128xf32, #tpu.memory_space<vmem>>) dst(%dma_wait3A_295 : memref<10240x128xf32, #tpu.memory_space<vmem_shared>>)
    %dma_wait3A_296 = arith.constant 3 : i32
    %dma_wait3A_297 = arith.constant 0 : i32
    %dma_wait3A_298 = arith.constant 0 : i32
    %dma_wait3A_299 = tpu.memref_slice %arg20[%dma_wait3A_296, %dma_wait3A_297, %dma_wait3A_298] : memref<7x40x128xf32, #tpu.memory_space<vmem>> -> memref<1x40x128xf32, #tpu.memory_space<vmem>>
    %dma_wait3A_300 = tpu.memref_squeeze %dma_wait3A_299 : memref<1x40x128xf32, #tpu.memory_space<vmem>> -> memref<40x128xf32, #tpu.memory_space<vmem>>
    %dma_wait3A_301 = arith.constant 0 : i32
    %dma_wait3A_302 = arith.constant 0 : i32
    %dma_wait3A_303 = tpu.memref_slice %arg4[%dma_wait3A_301, %dma_wait3A_302] : memref<10000x128xf32, #tpu.memory_space<hbm>> -> memref<10000x128xf32, #tpu.memory_space<hbm>>
    tpu.wait_indirect_dma semaphore(%arg32 : memref<!tpu.dma_semaphore, #tpu.memory_space<semaphore_mem>>) src(%dma_wait3A_303 : memref<10000x128xf32, #tpu.memory_space<hbm>>) dst(%dma_wait3A_300 : memref<40x128xf32, #tpu.memory_space<vmem>>)
    %dma_start3A_304 = arith.constant 3 : i32
    %dma_start3A_305 = arith.constant 0 : i32
    %dma_start3A_306 = arith.constant 0 : i32
    %dma_start3A_307 = tpu.memref_slice %arg20[%dma_start3A_304, %dma_start3A_305, %dma_start3A_306] : memref<7x40x128xf32, #tpu.memory_space<vmem>> -> memref<1x40x128xf32, #tpu.memory_space<vmem>>
    %dma_start3A_308 = tpu.memref_squeeze %dma_start3A_307 : memref<1x40x128xf32, #tpu.memory_space<vmem>> -> memref<40x128xf32, #tpu.memory_space<vmem>>
    %dma_start3A_309 = arith.constant 0 : i32
    %dma_start3A_310 = arith.constant 0 : i32
    %dma_start3A_311 = tpu.memref_slice %arg21[%dma_start3A_309, %dma_start3A_310] : memref<10240x128xf32, #tpu.memory_space<vmem_shared>> -> memref<10240x128xf32, #tpu.memory_space<vmem_shared>>
    tpu.enqueue_indirect_dma source(%dma_start3A_308 : memref<40x128xf32, #tpu.memory_space<vmem>>) target(%dma_start3A_311 : memref<10240x128xf32, #tpu.memory_space<vmem_shared>>) offsets(%arg16 : memref<40xi32, #tpu.memory_space<vmem>>) semaphore(%arg39 : memref<!tpu.dma_semaphore, #tpu.memory_space<semaphore_mem>>) {add = true}
    %dma_wait3A_312 = arith.constant 2 : i32
    %dma_wait3A_313 = arith.constant 0 : i32
    %dma_wait3A_314 = arith.constant 0 : i32
    %dma_wait3A_315 = tpu.memref_slice %arg20[%dma_wait3A_312, %dma_wait3A_313, %dma_wait3A_314] : memref<7x40x128xf32, #tpu.memory_space<vmem>> -> memref<1x40x128xf32, #tpu.memory_space<vmem>>
    %dma_wait3A_316 = tpu.memref_squeeze %dma_wait3A_315 : memref<1x40x128xf32, #tpu.memory_space<vmem>> -> memref<40x128xf32, #tpu.memory_space<vmem>>
    %dma_wait3A_317 = arith.constant 0 : i32
    %dma_wait3A_318 = arith.constant 0 : i32
    %dma_wait3A_319 = tpu.memref_slice %arg21[%dma_wait3A_317, %dma_wait3A_318] : memref<10240x128xf32, #tpu.memory_space<vmem_shared>> -> memref<10240x128xf32, #tpu.memory_space<vmem_shared>>
    tpu.wait_indirect_dma semaphore(%arg38 : memref<!tpu.dma_semaphore, #tpu.memory_space<semaphore_mem>>) src(%dma_wait3A_316 : memref<40x128xf32, #tpu.memory_space<vmem>>) dst(%dma_wait3A_319 : memref<10240x128xf32, #tpu.memory_space<vmem_shared>>)
    %dma_wait3A_320 = arith.constant 4 : i32
    %dma_wait3A_321 = arith.constant 0 : i32
    %dma_wait3A_322 = arith.constant 0 : i32
    %dma_wait3A_323 = tpu.memref_slice %arg20[%dma_wait3A_320, %dma_wait3A_321, %dma_wait3A_322] : memref<7x40x128xf32, #tpu.memory_space<vmem>> -> memref<1x40x128xf32, #tpu.memory_space<vmem>>
    %dma_wait3A_324 = tpu.memref_squeeze %dma_wait3A_323 : memref<1x40x128xf32, #tpu.memory_space<vmem>> -> memref<40x128xf32, #tpu.memory_space<vmem>>
    %dma_wait3A_325 = arith.constant 0 : i32
    %dma_wait3A_326 = arith.constant 0 : i32
    %dma_wait3A_327 = tpu.memref_slice %arg4[%dma_wait3A_325, %dma_wait3A_326] : memref<10000x128xf32, #tpu.memory_space<hbm>> -> memref<10000x128xf32, #tpu.memory_space<hbm>>
    tpu.wait_indirect_dma semaphore(%arg33 : memref<!tpu.dma_semaphore, #tpu.memory_space<semaphore_mem>>) src(%dma_wait3A_327 : memref<10000x128xf32, #tpu.memory_space<hbm>>) dst(%dma_wait3A_324 : memref<40x128xf32, #tpu.memory_space<vmem>>)
    %dma_start3A_328 = arith.constant 4 : i32
    %dma_start3A_329 = arith.constant 0 : i32
    %dma_start3A_330 = arith.constant 0 : i32
    %dma_start3A_331 = tpu.memref_slice %arg20[%dma_start3A_328, %dma_start3A_329, %dma_start3A_330] : memref<7x40x128xf32, #tpu.memory_space<vmem>> -> memref<1x40x128xf32, #tpu.memory_space<vmem>>
    %dma_start3A_332 = tpu.memref_squeeze %dma_start3A_331 : memref<1x40x128xf32, #tpu.memory_space<vmem>> -> memref<40x128xf32, #tpu.memory_space<vmem>>
    %dma_start3A_333 = arith.constant 0 : i32
    %dma_start3A_334 = arith.constant 0 : i32
    %dma_start3A_335 = tpu.memref_slice %arg21[%dma_start3A_333, %dma_start3A_334] : memref<10240x128xf32, #tpu.memory_space<vmem_shared>> -> memref<10240x128xf32, #tpu.memory_space<vmem_shared>>
    tpu.enqueue_indirect_dma source(%dma_start3A_332 : memref<40x128xf32, #tpu.memory_space<vmem>>) target(%dma_start3A_335 : memref<10240x128xf32, #tpu.memory_space<vmem_shared>>) offsets(%arg17 : memref<40xi32, #tpu.memory_space<vmem>>) semaphore(%arg40 : memref<!tpu.dma_semaphore, #tpu.memory_space<semaphore_mem>>) {add = true}
    %dma_wait3A_336 = arith.constant 3 : i32
    %dma_wait3A_337 = arith.constant 0 : i32
    %dma_wait3A_338 = arith.constant 0 : i32
    %dma_wait3A_339 = tpu.memref_slice %arg20[%dma_wait3A_336, %dma_wait3A_337, %dma_wait3A_338] : memref<7x40x128xf32, #tpu.memory_space<vmem>> -> memref<1x40x128xf32, #tpu.memory_space<vmem>>
    %dma_wait3A_340 = tpu.memref_squeeze %dma_wait3A_339 : memref<1x40x128xf32, #tpu.memory_space<vmem>> -> memref<40x128xf32, #tpu.memory_space<vmem>>
    %dma_wait3A_341 = arith.constant 0 : i32
    %dma_wait3A_342 = arith.constant 0 : i32
    %dma_wait3A_343 = tpu.memref_slice %arg21[%dma_wait3A_341, %dma_wait3A_342] : memref<10240x128xf32, #tpu.memory_space<vmem_shared>> -> memref<10240x128xf32, #tpu.memory_space<vmem_shared>>
    tpu.wait_indirect_dma semaphore(%arg39 : memref<!tpu.dma_semaphore, #tpu.memory_space<semaphore_mem>>) src(%dma_wait3A_340 : memref<40x128xf32, #tpu.memory_space<vmem>>) dst(%dma_wait3A_343 : memref<10240x128xf32, #tpu.memory_space<vmem_shared>>)
    %dma_wait3A_344 = arith.constant 4 : i32
    %dma_wait3A_345 = arith.constant 0 : i32
    %dma_wait3A_346 = arith.constant 0 : i32
    %dma_wait3A_347 = tpu.memref_slice %arg20[%dma_wait3A_344, %dma_wait3A_345, %dma_wait3A_346] : memref<7x40x128xf32, #tpu.memory_space<vmem>> -> memref<1x40x128xf32, #tpu.memory_space<vmem>>
    %dma_wait3A_348 = tpu.memref_squeeze %dma_wait3A_347 : memref<1x40x128xf32, #tpu.memory_space<vmem>> -> memref<40x128xf32, #tpu.memory_space<vmem>>
    %dma_wait3A_349 = arith.constant 0 : i32
    %dma_wait3A_350 = arith.constant 0 : i32
    %dma_wait3A_351 = tpu.memref_slice %arg21[%dma_wait3A_349, %dma_wait3A_350] : memref<10240x128xf32, #tpu.memory_space<vmem_shared>> -> memref<10240x128xf32, #tpu.memory_space<vmem_shared>>
    tpu.wait_indirect_dma semaphore(%arg40 : memref<!tpu.dma_semaphore, #tpu.memory_space<semaphore_mem>>) src(%dma_wait3A_348 : memref<40x128xf32, #tpu.memory_space<vmem>>) dst(%dma_wait3A_351 : memref<10240x128xf32, #tpu.memory_space<vmem_shared>>)
    %barrier3A_352 = arith.constant 0 : index
    tpu.barrier barrier_id(%barrier3A_352)
    %scan3A_353 = arith.constant 0 : i32
    %scan3A_354 = arith.constant 0 : i32
    %scan3A_355 = arith.constant 5 : i32
    %scan3A_356 = arith.addi %scan3A_354, %scan3A_355 : i32
    %scan3A_357 = arith.constant 1 : i32
    scf.for %scan3A_359 = %scan3A_354 to %scan3A_356 step %scan3A_357  : i32 {
      %mul3A_360 = arith.constant 640 : i32
      %mul3A_361 = arith.muli %arg1, %mul3A_360 : i32
      %mul3A_362 = arith.constant 128 : i32
      %mul3A_363 = arith.muli %scan3A_359, %mul3A_362 : i32
      %add3A_364 = arith.addi %mul3A_361, %mul3A_363 : i32
      %mul3A_365 = arith.constant 640 : i32
      %mul3A_366 = arith.muli %arg1, %mul3A_365 : i32
      %mul3A_367 = arith.constant 128 : i32
      %mul3A_368 = arith.muli %scan3A_359, %mul3A_367 : i32
      %add3A_369 = arith.addi %mul3A_366, %mul3A_368 : i32
      "tpu.region"() ({
        %run_scoped3A = tpu.sem_alloc : memref<!tpu.dma_semaphore, #tpu.memory_space<semaphore_mem>>
        %dma_start3A_370 = arith.constant 0 : i32
        %dma_start3A_371 = tpu.memref_slice %arg5[%arg0, %add3A_369, %dma_start3A_370] : memref<2x10240x128xf32, #tpu.memory_space<hbm>> -> memref<1x128x128xf32, #tpu.memory_space<hbm>>
        %dma_start3A_372 = tpu.memref_squeeze %dma_start3A_371 : memref<1x128x128xf32, #tpu.memory_space<hbm>> -> memref<128x128xf32, #tpu.memory_space<hbm>>
        %dma_start3A_373 = arith.constant 0 : i32
        %dma_start3A_374 = tpu.memref_slice %arg21[%add3A_364, %dma_start3A_373] : memref<10240x128xf32, #tpu.memory_space<vmem_shared>> -> memref<128x128xf32, #tpu.memory_space<vmem_shared>>
        tpu.enqueue_dma source(%dma_start3A_374 : memref<128x128xf32, #tpu.memory_space<vmem_shared>>) target(%dma_start3A_372 : memref<128x128xf32, #tpu.memory_space<hbm>>) target_semaphore(%run_scoped3A : memref<!tpu.dma_semaphore, #tpu.memory_space<semaphore_mem>>)
        %dma_wait3A_375 = arith.constant 0 : i32
        %dma_wait3A_376 = tpu.memref_slice %arg5[%arg0, %add3A_369, %dma_wait3A_375] : memref<2x10240x128xf32, #tpu.memory_space<hbm>> -> memref<1x128x128xf32, #tpu.memory_space<hbm>>
        %dma_wait3A_377 = tpu.memref_squeeze %dma_wait3A_376 : memref<1x128x128xf32, #tpu.memory_space<hbm>> -> memref<128x128xf32, #tpu.memory_space<hbm>>
        %dma_wait3A_378 = arith.constant 0 : i32
        %dma_wait3A_379 = tpu.memref_slice %arg21[%add3A_364, %dma_wait3A_378] : memref<10240x128xf32, #tpu.memory_space<vmem_shared>> -> memref<128x128xf32, #tpu.memory_space<vmem_shared>>
        tpu.wait_dma2 semaphore(%run_scoped3A : memref<!tpu.dma_semaphore, #tpu.memory_space<semaphore_mem>>) src(%dma_wait3A_379 : memref<128x128xf32, #tpu.memory_space<vmem_shared>>) dst(%dma_wait3A_377 : memref<128x128xf32, #tpu.memory_space<hbm>>)
        tpu.yield
      }) : () -> ()
    }
    %scan3A_358 = arith.constant 5 : i32
    return
  }
}

#map = affine_map<(d0, d1) -> (0, 0, 0)>
#map1 = affine_map<(d0, d1) -> (0, 0)>
module attributes {stable_mosaic.version = 14 : i64} {
  func.func @_sc_degree(%arg0: i32, %arg1: i32, %arg2: memref<32x125x80xi32, #tpu.memory_space<hbm>>, %arg3: memref<2x10240xf32, #tpu.memory_space<hbm>>, %arg4: memref<125x80xi32, #tpu.memory_space<vmem>>, %arg5: memref<80xf32, #tpu.memory_space<vmem>>, %arg6: memref<640xf32, #tpu.memory_space<vmem>>, %arg7: memref<10240xf32, #tpu.memory_space<vmem_shared>>, %arg8: memref<!tpu.dma_semaphore, #tpu.memory_space<semaphore_mem>>) attributes {dimension_semantics = [#tpu.dimension_semantics<core_parallel>, #tpu.dimension_semantics<subcore_parallel>], iteration_bounds = array<i64: 2, 16>, scalar_prefetch = 0 : i64, scratch_operands = 5 : i64, tpu.core_type = #tpu.core_type<sc_vector_subcore>, window_params = [{transform_indices = #map}, {transform_indices = #map1}]} {
    %mul3A = arith.constant 16 : i32
    %mul3A_0 = arith.muli %arg0, %mul3A : i32
    %add3A = arith.addi %mul3A_0, %arg1 : i32
    %scan3A = arith.constant 0 : i32
    %scan3A_1 = arith.constant 0 : i32
    %scan3A_2 = arith.constant 40 : i32
    %scan3A_3 = arith.addi %scan3A_1, %scan3A_2 : i32
    %scan3A_4 = arith.constant 1 : i32
    scf.for %scan3A_25 = %scan3A_1 to %scan3A_3 step %scan3A_4  : i32 {
      %broadcast_in_dim3A = arith.constant 0.000000e+00 : f32
      %broadcast_in_dim3A_26 = vector.broadcast %broadcast_in_dim3A : f32 to vector<16xf32>
      %mul3A_27 = arith.constant 16 : i32
      %mul3A_28 = arith.muli %scan3A_25, %mul3A_27 : i32
      %swap3A = arith.index_cast %mul3A_28 : i32 to index
      %swap3A_29 = tpu.vector_load %arg6[%swap3A] {strides = array<i32>} : memref<640xf32, #tpu.memory_space<vmem>>, vector<16xf32>,
      %swap3A_30 = vector.shape_cast %swap3A_29 : vector<16xf32> to vector<16xf32>
      %swap3A_31 = vector.shape_cast %broadcast_in_dim3A_26 : vector<16xf32> to vector<16xf32>
      tpu.vector_store %arg6[%swap3A], %swap3A_31 {strides = array<i32>} : memref<640xf32, #tpu.memory_space<vmem>>, vector<16xf32>,
    }
    %scan3A_5 = arith.constant 40 : i32
    %scan3A_6 = arith.constant 0 : i32
    %scan3A_7 = arith.constant 0 : i32
    %scan3A_8 = arith.constant 5 : i32
    %scan3A_9 = arith.addi %scan3A_7, %scan3A_8 : i32
    %scan3A_10 = arith.constant 1 : i32
    scf.for %scan3A_25 = %scan3A_7 to %scan3A_9 step %scan3A_10  : i32 {
      %broadcast_in_dim3A = arith.constant 1.000000e+00 : f32
      %broadcast_in_dim3A_26 = vector.broadcast %broadcast_in_dim3A : f32 to vector<16xf32>
      %mul3A_27 = arith.constant 16 : i32
      %mul3A_28 = arith.muli %scan3A_25, %mul3A_27 : i32
      %swap3A = arith.index_cast %mul3A_28 : i32 to index
      %swap3A_29 = tpu.vector_load %arg5[%swap3A] {strides = array<i32>} : memref<80xf32, #tpu.memory_space<vmem>>, vector<16xf32>,
      %swap3A_30 = vector.shape_cast %swap3A_29 : vector<16xf32> to vector<16xf32>
      %swap3A_31 = vector.shape_cast %broadcast_in_dim3A_26 : vector<16xf32> to vector<16xf32>
      tpu.vector_store %arg5[%swap3A], %swap3A_31 {strides = array<i32>} : memref<80xf32, #tpu.memory_space<vmem>>, vector<16xf32>,
    }
    %scan3A_11 = arith.constant 5 : i32
    "tpu.region"() ({
      %run_scoped3A = tpu.sem_alloc : memref<!tpu.dma_semaphore, #tpu.memory_space<semaphore_mem>>
      %dma_start3A = arith.constant 0 : i32
      %dma_start3A_25 = arith.constant 0 : i32
      %dma_start3A_26 = tpu.memref_slice %arg2[%add3A, %dma_start3A, %dma_start3A_25] : memref<32x125x80xi32, #tpu.memory_space<hbm>> -> memref<1x125x80xi32, #tpu.memory_space<hbm>>
      %dma_start3A_27 = tpu.memref_squeeze %dma_start3A_26 : memref<1x125x80xi32, #tpu.memory_space<hbm>> -> memref<125x80xi32, #tpu.memory_space<hbm>>
      %dma_start3A_28 = arith.constant 0 : i32
      %dma_start3A_29 = arith.constant 0 : i32
      %dma_start3A_30 = tpu.memref_slice %arg2[%add3A, %dma_start3A_28, %dma_start3A_29] : memref<32x125x80xi32, #tpu.memory_space<hbm>> -> memref<1x125x80xi32, #tpu.memory_space<hbm>>
      %dma_start3A_31 = tpu.memref_squeeze %dma_start3A_30 : memref<1x125x80xi32, #tpu.memory_space<hbm>> -> memref<125x80xi32, #tpu.memory_space<hbm>>
      tpu.enqueue_dma source(%dma_start3A_31 : memref<125x80xi32, #tpu.memory_space<hbm>>) target(%arg4 : memref<125x80xi32, #tpu.memory_space<vmem>>) target_semaphore(%run_scoped3A : memref<!tpu.dma_semaphore, #tpu.memory_space<semaphore_mem>>)
      %dma_wait3A = arith.constant 0 : i32
      %dma_wait3A_32 = arith.constant 0 : i32
      %dma_wait3A_33 = tpu.memref_slice %arg2[%add3A, %dma_wait3A, %dma_wait3A_32] : memref<32x125x80xi32, #tpu.memory_space<hbm>> -> memref<1x125x80xi32, #tpu.memory_space<hbm>>
      %dma_wait3A_34 = tpu.memref_squeeze %dma_wait3A_33 : memref<1x125x80xi32, #tpu.memory_space<hbm>> -> memref<125x80xi32, #tpu.memory_space<hbm>>
      %dma_wait3A_35 = arith.constant 0 : i32
      %dma_wait3A_36 = arith.constant 0 : i32
      %dma_wait3A_37 = tpu.memref_slice %arg2[%add3A, %dma_wait3A_35, %dma_wait3A_36] : memref<32x125x80xi32, #tpu.memory_space<hbm>> -> memref<1x125x80xi32, #tpu.memory_space<hbm>>
      %dma_wait3A_38 = tpu.memref_squeeze %dma_wait3A_37 : memref<1x125x80xi32, #tpu.memory_space<hbm>> -> memref<125x80xi32, #tpu.memory_space<hbm>>
      tpu.wait_dma2 semaphore(%run_scoped3A : memref<!tpu.dma_semaphore, #tpu.memory_space<semaphore_mem>>) src(%dma_wait3A_38 : memref<125x80xi32, #tpu.memory_space<hbm>>) dst(%arg4 : memref<125x80xi32, #tpu.memory_space<vmem>>)
      tpu.yield
    }) : () -> ()
    %mul3A_12 = arith.constant 640 : i32
    %mul3A_13 = arith.muli %arg1, %mul3A_12 : i32
    "tpu.region"() ({
      %run_scoped3A = tpu.sem_alloc : memref<!tpu.dma_semaphore, #tpu.memory_space<semaphore_mem>>
      %dma_start3A = tpu.memref_slice %arg7[%mul3A_13] : memref<10240xf32, #tpu.memory_space<vmem_shared>> -> memref<640xf32, #tpu.memory_space<vmem_shared>>
      %dma_start3A_25 = tpu.memref_slice %arg7[%mul3A_13] : memref<10240xf32, #tpu.memory_space<vmem_shared>> -> memref<640xf32, #tpu.memory_space<vmem_shared>>
      tpu.enqueue_dma source(%arg6 : memref<640xf32, #tpu.memory_space<vmem>>) target(%dma_start3A_25 : memref<640xf32, #tpu.memory_space<vmem_shared>>) target_semaphore(%run_scoped3A : memref<!tpu.dma_semaphore, #tpu.memory_space<semaphore_mem>>)
      %dma_wait3A = tpu.memref_slice %arg7[%mul3A_13] : memref<10240xf32, #tpu.memory_space<vmem_shared>> -> memref<640xf32, #tpu.memory_space<vmem_shared>>
      %dma_wait3A_26 = tpu.memref_slice %arg7[%mul3A_13] : memref<10240xf32, #tpu.memory_space<vmem_shared>> -> memref<640xf32, #tpu.memory_space<vmem_shared>>
      tpu.wait_dma2 semaphore(%run_scoped3A : memref<!tpu.dma_semaphore, #tpu.memory_space<semaphore_mem>>) src(%arg6 : memref<640xf32, #tpu.memory_space<vmem>>) dst(%dma_wait3A_26 : memref<640xf32, #tpu.memory_space<vmem_shared>>)
      tpu.yield
    }) : () -> ()
    %barrier3A = arith.constant 0 : index
    tpu.barrier barrier_id(%barrier3A)
    %scan3A_14 = arith.constant 0 : i32
    %scan3A_15 = arith.constant 0 : i32
    %scan3A_16 = arith.constant 125 : i32
    %scan3A_17 = arith.addi %scan3A_15, %scan3A_16 : i32
    %scan3A_18 = arith.constant 1 : i32
    scf.for %scan3A_25 = %scan3A_15 to %scan3A_17 step %scan3A_18  : i32 {
      "tpu.region"() ({
        %run_scoped3A = tpu.sem_alloc : memref<!tpu.dma_semaphore, #tpu.memory_space<semaphore_mem>>
        %dma_start3A = arith.constant 0 : i32
        %dma_start3A_26 = tpu.memref_slice %arg4[%scan3A_25, %dma_start3A] : memref<125x80xi32, #tpu.memory_space<vmem>> -> memref<1x80xi32, #tpu.memory_space<vmem>>
        %dma_start3A_27 = tpu.memref_squeeze %dma_start3A_26 : memref<1x80xi32, #tpu.memory_space<vmem>> -> memref<80xi32, #tpu.memory_space<vmem>>
        %dma_start3A_28 = arith.constant 0 : i32
        %dma_start3A_29 = tpu.memref_slice %arg7[%dma_start3A_28] : memref<10240xf32, #tpu.memory_space<vmem_shared>> -> memref<10240xf32, #tpu.memory_space<vmem_shared>>
        tpu.enqueue_indirect_dma source(%arg5 : memref<80xf32, #tpu.memory_space<vmem>>) target(%dma_start3A_29 : memref<10240xf32, #tpu.memory_space<vmem_shared>>) offsets(%dma_start3A_27 : memref<80xi32, #tpu.memory_space<vmem>>) semaphore(%run_scoped3A : memref<!tpu.dma_semaphore, #tpu.memory_space<semaphore_mem>>) {add = true}
        %dma_wait3A = arith.constant 0 : i32
        %dma_wait3A_30 = tpu.memref_slice %arg4[%scan3A_25, %dma_wait3A] : memref<125x80xi32, #tpu.memory_space<vmem>> -> memref<1x80xi32, #tpu.memory_space<vmem>>
        %dma_wait3A_31 = tpu.memref_squeeze %dma_wait3A_30 : memref<1x80xi32, #tpu.memory_space<vmem>> -> memref<80xi32, #tpu.memory_space<vmem>>
        %dma_wait3A_32 = arith.constant 0 : i32
        %dma_wait3A_33 = tpu.memref_slice %arg7[%dma_wait3A_32] : memref<10240xf32, #tpu.memory_space<vmem_shared>> -> memref<10240xf32, #tpu.memory_space<vmem_shared>>
        tpu.wait_indirect_dma semaphore(%run_scoped3A : memref<!tpu.dma_semaphore, #tpu.memory_space<semaphore_mem>>) src(%arg5 : memref<80xf32, #tpu.memory_space<vmem>>) dst(%dma_wait3A_33 : memref<10240xf32, #tpu.memory_space<vmem_shared>>)
        tpu.yield
      }) : () -> ()
    }
    %scan3A_19 = arith.constant 125 : i32
    %barrier3A_20 = arith.constant 0 : index
    tpu.barrier barrier_id(%barrier3A_20)
    %mul3A_21 = arith.constant 640 : i32
    %mul3A_22 = arith.muli %arg1, %mul3A_21 : i32
    %mul3A_23 = arith.constant 640 : i32
    %mul3A_24 = arith.muli %arg1, %mul3A_23 : i32
    "tpu.region"() ({
      %run_scoped3A = tpu.sem_alloc : memref<!tpu.dma_semaphore, #tpu.memory_space<semaphore_mem>>
      %dma_start3A = tpu.memref_slice %arg3[%arg0, %mul3A_24] : memref<2x10240xf32, #tpu.memory_space<hbm>> -> memref<1x640xf32, #tpu.memory_space<hbm>>
      %dma_start3A_25 = tpu.memref_squeeze %dma_start3A : memref<1x640xf32, #tpu.memory_space<hbm>> -> memref<640xf32, #tpu.memory_space<hbm>>
      %dma_start3A_26 = tpu.memref_slice %arg7[%mul3A_22] : memref<10240xf32, #tpu.memory_space<vmem_shared>> -> memref<640xf32, #tpu.memory_space<vmem_shared>>
      tpu.enqueue_dma source(%dma_start3A_26 : memref<640xf32, #tpu.memory_space<vmem_shared>>) target(%dma_start3A_25 : memref<640xf32, #tpu.memory_space<hbm>>) target_semaphore(%run_scoped3A : memref<!tpu.dma_semaphore, #tpu.memory_space<semaphore_mem>>)
      %dma_wait3A = tpu.memref_slice %arg3[%arg0, %mul3A_24] : memref<2x10240xf32, #tpu.memory_space<hbm>> -> memref<1x640xf32, #tpu.memory_space<hbm>>
      %dma_wait3A_27 = tpu.memref_squeeze %dma_wait3A : memref<1x640xf32, #tpu.memory_space<hbm>> -> memref<640xf32, #tpu.memory_space<hbm>>
      %dma_wait3A_28 = tpu.memref_slice %arg7[%mul3A_22] : memref<10240xf32, #tpu.memory_space<vmem_shared>> -> memref<640xf32, #tpu.memory_space<vmem_shared>>
      tpu.wait_dma2 semaphore(%run_scoped3A : memref<!tpu.dma_semaphore, #tpu.memory_space<semaphore_mem>>) src(%dma_wait3A_28 : memref<640xf32, #tpu.memory_space<vmem_shared>>) dst(%dma_wait3A_27 : memref<640xf32, #tpu.memory_space<hbm>>)
      tpu.yield
    }) : () -> ()
    return
  }
}

module attributes {stable_mosaic.version = 14 : i64} {
  func.func @_tc_scale_body(%arg0: i32, %arg1: memref<1000x128xf32, #tpu.memory_space<vmem>>, %arg2: memref<128x128xf32, #tpu.memory_space<vmem>>, %arg3: memref<2x1000x1xf32, #tpu.memory_space<vmem>>, %arg4: memref<1000x128xf32, #tpu.memory_space<vmem>>, %arg5: memref<1000x1xf32, #tpu.memory_space<vmem>>) attributes {dimension_semantics = [#tpu.dimension_semantics<arbitrary>], iteration_bounds = array<i64: 10>, scalar_prefetch = 0 : i64, scratch_operands = 0 : i64, tpu.core_type = #tpu.core_type<tc>, window_params = [{transform_indices = @transform_0, window_bounds = array<i64: 1000, 128>}, {pipeline_mode = #tpu.pipeline_mode<synchronous>, transform_indices = @transform_1, window_bounds = array<i64: 128, 128>}, {transform_indices = @transform_2, window_bounds = array<i64: 2, 1000, 1>}, {transform_indices = @transform_3, window_bounds = array<i64: 1000, 128>}, {transform_indices = @transform_4, window_bounds = array<i64: 1000, 1>}]} {
    %get3A = arith.constant 0 : index
    %get3A_0 = arith.constant 0 : index
    %get3A_1 = vector.load %arg1[%get3A, %get3A_0] : memref<1000x128xf32, #tpu.memory_space<vmem>>, vector<1000x128xf32>
    %get3A_2 = arith.constant 0 : index
    %get3A_3 = arith.constant 0 : index
    %get3A_4 = vector.load %arg2[%get3A_2, %get3A_3] : memref<128x128xf32, #tpu.memory_space<vmem>>, vector<128x128xf32>
    %dot_general3A = arith.constant dense<0.000000e+00> : vector<1000x128xf32>
    %dot_general3A_5 = tpu.matmul %get3A_1, %get3A_4, %dot_general3A {dimension_numbers = #tpu.dot_dimension_numbers<[1], [0], [0], [1], [0, 0, 1, 1], [], []>, transpose_lhs_hint = false} : vector<1000x128xf32>, vector<128x128xf32>, vector<1000x128xf32> -> vector<1000x128xf32>
    %get3A_6 = arith.constant 0 : index
    %get3A_7 = arith.constant 0 : index
    %get3A_8 = arith.constant 0 : index
    %get3A_9 = vector.load %arg3[%get3A_6, %get3A_7, %get3A_8] : memref<2x1000x1xf32, #tpu.memory_space<vmem>>, vector<1x1000x1xf32>
    %get3A_10 = vector.shape_cast %get3A_9 : vector<1x1000x1xf32> to vector<1000x1xf32>
    %add3A = arith.constant 1.000000e+00 : f32
    %add3A_11 = vector.broadcast %add3A : f32 to vector<1000x1xf32>
    %add3A_12 = arith.addf %add3A_11, %get3A_10 : vector<1000x1xf32>
    %get3A_13 = arith.constant 1 : index
    %get3A_14 = arith.constant 0 : index
    %get3A_15 = arith.constant 0 : index
    %get3A_16 = vector.load %arg3[%get3A_13, %get3A_14, %get3A_15] : memref<2x1000x1xf32, #tpu.memory_space<vmem>>, vector<1x1000x1xf32>
    %get3A_17 = vector.shape_cast %get3A_16 : vector<1x1000x1xf32> to vector<1000x1xf32>
    %add3A_18 = arith.addf %add3A_12, %get3A_17 : vector<1000x1xf32>
    %rsqrt3A = math.rsqrt %add3A_18 : vector<1000x1xf32>
    %swap3A = arith.constant 0 : index
    %swap3A_19 = arith.constant 0 : index
    %swap3A_20 = vector.load %arg5[%swap3A, %swap3A_19] : memref<1000x1xf32, #tpu.memory_space<vmem>>, vector<1000x1xf32>
    tpu.vector_store %arg5[%swap3A, %swap3A_19], %rsqrt3A {strides = array<i32>} : memref<1000x1xf32, #tpu.memory_space<vmem>>, vector<1000x1xf32>,
    %mul3A = vector.broadcast %rsqrt3A : vector<1000x1xf32> to vector<1000x128xf32>
    %mul3A_21 = arith.mulf %dot_general3A_5, %mul3A : vector<1000x128xf32>
    %swap3A_22 = arith.constant 0 : index
    %swap3A_23 = arith.constant 0 : index
    %swap3A_24 = vector.load %arg4[%swap3A_22, %swap3A_23] : memref<1000x128xf32, #tpu.memory_space<vmem>>, vector<1000x128xf32>
    tpu.vector_store %arg4[%swap3A_22, %swap3A_23], %mul3A_21 {strides = array<i32>} : memref<1000x128xf32, #tpu.memory_space<vmem>>, vector<1000x128xf32>,
    return
  }
  func.func @transform_0(%arg0: i32) -> (i32, i32) {
    %c0_i32 = arith.constant 0 : i32
    %c0_i32_0 = arith.constant 0 : i32
    return %arg0, %c0_i32 : i32, i32
  }
  func.func @transform_1(%arg0: i32) -> (i32, i32) {
    %c0_i32 = arith.constant 0 : i32
    %c0_i32_0 = arith.constant 0 : i32
    %c0_i32_1 = arith.constant 0 : i32
    return %c0_i32, %c0_i32_0 : i32, i32
  }
  func.func @transform_2(%arg0: i32) -> (i32, i32, i32) {
    %c0_i32 = arith.constant 0 : i32
    %c0_i32_0 = arith.constant 0 : i32
    %c0_i32_1 = arith.constant 0 : i32
    return %c0_i32, %arg0, %c0_i32_0 : i32, i32, i32
  }
  func.func @transform_3(%arg0: i32) -> (i32, i32) {
    %c0_i32 = arith.constant 0 : i32
    %c0_i32_0 = arith.constant 0 : i32
    return %arg0, %c0_i32 : i32, i32
  }
  func.func @transform_4(%arg0: i32) -> (i32, i32) {
    %c0_i32 = arith.constant 0 : i32
    %c0_i32_0 = arith.constant 0 : i32
    return %arg0, %c0_i32 : i32, i32
  }
}

module attributes {stable_mosaic.version = 14 : i64} {
  func.func @_tc_final_body(%arg0: i32, %arg1: memref<2x1000x128xf32, #tpu.memory_space<vmem>>, %arg2: memref<1000x128xf32, #tpu.memory_space<vmem>>, %arg3: memref<1000x1xf32, #tpu.memory_space<vmem>>, %arg4: memref<1x128xf32, #tpu.memory_space<vmem>>, %arg5: memref<1000x128xf32, #tpu.memory_space<vmem>>) attributes {dimension_semantics = [#tpu.dimension_semantics<arbitrary>], iteration_bounds = array<i64: 10>, scalar_prefetch = 0 : i64, scratch_operands = 0 : i64, tpu.core_type = #tpu.core_type<tc>, window_params = [{transform_indices = @transform_0, window_bounds = array<i64: 2, 1000, 128>}, {transform_indices = @transform_1, window_bounds = array<i64: 1000, 128>}, {transform_indices = @transform_2, window_bounds = array<i64: 1000, 1>}, {pipeline_mode = #tpu.pipeline_mode<synchronous>, transform_indices = @transform_3, window_bounds = array<i64: 1, 128>}, {transform_indices = @transform_4, window_bounds = array<i64: 1000, 128>}]} {
    %get3A = arith.constant 0 : index
    %get3A_0 = arith.constant 0 : index
    %get3A_1 = arith.constant 0 : index
    %get3A_2 = vector.load %arg1[%get3A, %get3A_0, %get3A_1] : memref<2x1000x128xf32, #tpu.memory_space<vmem>>, vector<1x1000x128xf32>
    %get3A_3 = vector.shape_cast %get3A_2 : vector<1x1000x128xf32> to vector<1000x128xf32>
    %get3A_4 = arith.constant 1 : index
    %get3A_5 = arith.constant 0 : index
    %get3A_6 = arith.constant 0 : index
    %get3A_7 = vector.load %arg1[%get3A_4, %get3A_5, %get3A_6] : memref<2x1000x128xf32, #tpu.memory_space<vmem>>, vector<1x1000x128xf32>
    %get3A_8 = vector.shape_cast %get3A_7 : vector<1x1000x128xf32> to vector<1000x128xf32>
    %add3A = arith.addf %get3A_3, %get3A_8 : vector<1000x128xf32>
    %get3A_9 = arith.constant 0 : index
    %get3A_10 = arith.constant 0 : index
    %get3A_11 = vector.load %arg2[%get3A_9, %get3A_10] : memref<1000x128xf32, #tpu.memory_space<vmem>>, vector<1000x128xf32>
    %add3A_12 = arith.addf %add3A, %get3A_11 : vector<1000x128xf32>
    %get3A_13 = arith.constant 0 : index
    %get3A_14 = arith.constant 0 : index
    %get3A_15 = vector.load %arg3[%get3A_13, %get3A_14] : memref<1000x1xf32, #tpu.memory_space<vmem>>, vector<1000x1xf32>
    %mul3A = vector.broadcast %get3A_15 : vector<1000x1xf32> to vector<1000x128xf32>
    %mul3A_16 = arith.mulf %add3A_12, %mul3A : vector<1000x128xf32>
    %get3A_17 = arith.constant 0 : index
    %get3A_18 = arith.constant 0 : index
    %get3A_19 = vector.load %arg4[%get3A_17, %get3A_18] : memref<1x128xf32, #tpu.memory_space<vmem>>, vector<1x128xf32>
    %add3A_20 = vector.broadcast %get3A_19 : vector<1x128xf32> to vector<1000x128xf32>
    %add3A_21 = arith.addf %mul3A_16, %add3A_20 : vector<1000x128xf32>
    %max3A = arith.constant 0.000000e+00 : f32
    %max3A_22 = vector.broadcast %max3A : f32 to vector<1000x128xf32>
    %max3A_23 = arith.maximumf %add3A_21, %max3A_22 : vector<1000x128xf32>
    %swap3A = arith.constant 0 : index
    %swap3A_24 = arith.constant 0 : index
    %swap3A_25 = vector.load %arg5[%swap3A, %swap3A_24] : memref<1000x128xf32, #tpu.memory_space<vmem>>, vector<1000x128xf32>
    tpu.vector_store %arg5[%swap3A, %swap3A_24], %max3A_23 {strides = array<i32>} : memref<1000x128xf32, #tpu.memory_space<vmem>>, vector<1000x128xf32>,
    return
  }
  func.func @transform_0(%arg0: i32) -> (i32, i32, i32) {
    %c0_i32 = arith.constant 0 : i32
    %c0_i32_0 = arith.constant 0 : i32
    %c0_i32_1 = arith.constant 0 : i32
    return %c0_i32, %arg0, %c0_i32_0 : i32, i32, i32
  }
  func.func @transform_1(%arg0: i32) -> (i32, i32) {
    %c0_i32 = arith.constant 0 : i32
    %c0_i32_0 = arith.constant 0 : i32
    return %arg0, %c0_i32 : i32, i32
  }
  func.func @transform_2(%arg0: i32) -> (i32, i32) {
    %c0_i32 = arith.constant 0 : i32
    %c0_i32_0 = arith.constant 0 : i32
    return %arg0, %c0_i32 : i32, i32
  }
  func.func @transform_3(%arg0: i32) -> (i32, i32) {
    %c0_i32 = arith.constant 0 : i32
    %c0_i32_0 = arith.constant 0 : i32
    %c0_i32_1 = arith.constant 0 : i32
    return %c0_i32, %c0_i32_0 : i32, i32
  }
  func.func @transform_4(%arg0: i32) -> (i32, i32) {
    %c0_i32 = arith.constant 0 : i32
    %c0_i32_0 = arith.constant 0 : i32
    return %arg0, %c0_i32 : i32, i32
  }
}

</mosaic_0001>

<sc_bundles>
// kernel: kernel.6.cloned.1.call-start
scs
__scs_entry_jumppad:
0x0: {  	(pc) =	sbr.rel $0x88, $3  }
0x1: {  	(tag) =	ssettag $0x0;
	lr =	simm.s32 $0x1  }
0x2: {  	[smem:$0x3F9D] =	sst lr;
	_ =	strace $0xD0000000  }
0x3: {  	_ = 	snop  }
0x4: {  	_ = 	snop  }
0x5: {  	_ = 	snop  }
0x6: {  	_ = 	snop  }
0x7: {  	_ = 	snop  }
__scs_overlays_trampoline_lowered:
0x8: {  	[smem:$0x3FAC] =	sst s0  }
0x9: {  	[smem:$0x3FAD] =	sst s1  }
0xa: {  	[smem:$0x3FAE] =	sst s2  }
0xb: {  	[smem:$0x3FAF] =	sst s3  }
0xc: {  	[smem:$0x3FB0] =	sst s4  }
0xd: {  	[smem:$0x3FB1] =	sst s5  }
0xe: {  	[smem:$0x3FB2] =	sst s6  }
0xf: {  	[smem:$0x3FB3] =	sst s7  }
0x10: {  	[smem:$0x3FB4] =	sst s8  }
0x11: {  	[smem:$0x3FB5] =	sst s9;
	s0 =	simm.s32 @!p0 $0x0  }
0x12: {  	s1 =	sld [smem:$0x3F9B];
	s0 =	simm.s32 @p0 $0x1  }
0x13: {  	[smem:$0x3FB6] =	sst s0;
	s0 =	simm.s32 @!p1 $0x0  }
0x14: {  	s2 =	sld [smem:$0x3F9A];
	s0 =	simm.s32 @p1 $0x1  }
0x15: {  	[smem:$0x3FB7] =	sst s0;
	s0 =	simm.s32 @!p2 $0x0  }
0x16: {  	s3 =	sld [smem:$0x3FDB];
	s0 =	simm.s32 @p2 $0x1  }
0x17: {  	s4 =	simm.s32 $0x1BF5;
	[smem:$0x3FB9] =	sst s0  }
0x18: {  	s0 =	sld [smem:$0x3F9C];
	_ =	swait.ge [sflag:s4], $0x0  }
0x19: {  	s7 =	sld [smem:$0x3F9D]  }
0x1a: {  	s8 =	sadd.s32 $0xFFFFE003, lr  }
0x1b: {  	s9 =	sadd.s32 $0xFFFFFEF7, lr;
	s5 =	simm.s32 $0xFFFFFFFF;
	p2 =	slt.u32 s8, $0xFFFFF086  }
0x1c: {  	p1 =	slt.u32 s9, $0xF7A;
	s5 =	simm.s32 @!p2 $0x0  }
0x1d: {  	s5 =	simm.s32 @p1 $0x1;
	p0 =	seq.s32 s7, s2  }
0x1e: {  	s7 =	smul.u32 @!p0 $0xF7A, s2;
	p2 =	seq.s32 @!p0 s5, $0x0  }
0x1f: {  	s9 =	smul.u32 $0xF7A, s1;
	s8 =	simm.s32 @!p0 $0x1BF5;
	p2 =	por !p2, p0  }
0x20: {  	[sflag:s8] =	ssyncset.s32 @!p0 $0xFFFFF086;
	s6 =	sadd.s32 @!p0 s3, s7;
	s7 =	simm.s32 @!p0 $0x108  }
0x21: {  	s3 =	sadd.s32 s3, s9;
	s6 =	sadd.s32 @!p0 $0x88, s6;
	s7 =	simm.s32 @p2 $0x1082  }
0x22: {  	[simem:s7], [sflag:s8] =	dma.local @!p0 [hbm:s6], $0xF7A  }
0x23: {  	s9 =	sor.u32 $0xD0000000, s2;
	s6 =	simm.s32 $0x108;
	_ =	swait.ge @!p0 [sflag:s8], $0x0  }
0x24: {  	s3 =	sadd.s32 $0x88, s3;
	s6 =	simm.s32 @!p1 $0x1082;
	[sflag:s4] =	ssyncset.s32 $0xFFFFF086  }
0x25: {  	[simem:s6], [sflag:s4] =	dma.local [hbm:s3], $0xF7A  }
0x26: {  	[smem:$0x3F9D] =	sst s1;
	(tag) =	ssettag s2;
	_ =	strace s9  }
0x27: {  	s1 =	sld [smem:$0x3FAD]  }
0x28: {  	s2 =	sld [smem:$0x3FAE]  }
0x29: {  	s4 =	sld [smem:$0x3FB0]  }
0x2a: {  	p0 =	seq.s32 s5, $0x0;
	s5 =	sld [smem:$0x3FB1]  }
0x2b: {  	s6 =	sld [smem:$0x3FB2]  }
0x2c: {  	s7 =	sld [smem:$0x3FB3]  }
0x2d: {  	s3 =	simm.s32 $0x108;
	s8 =	sld [smem:$0x3FB4]  }
0x2e: {  	s3 =	simm.s32 @!p0 $0x1082;
	s9 =	sld [smem:$0x3FB5]  }
0x2f: {  	lr =	sadd.s32 s0, s3;
	s0 =	sld [smem:$0x3FAC]  }
0x30: {  	s3 =	sld [smem:$0x3FAF]  }
0x31: {  	[smem:$0x3FB8] =	sst s10  }
0x32: {  	s10 =	sld [smem:$0x3FB6];
	_ =	sdelay $0x3  }
0x33: {  	p0 =	seq.s32 s10, $0x1;
	s10 =	sld [smem:$0x3FB8];
	_ =	sdelay $0x3  }
0x34: {  	[smem:$0x3FB8] =	sst s10  }
0x35: {  	s10 =	sld [smem:$0x3FB7];
	_ =	sdelay $0x3  }
0x36: {  	p1 =	seq.s32 s10, $0x1;
	s10 =	sld [smem:$0x3FB8];
	_ =	sdelay $0x3  }
0x37: {  	[smem:$0x3FB8] =	sst s10  }
0x38: {  	s10 =	sld [smem:$0x3FB9]  }
0x39: {  	_ = 	snop;
	(pc) =	sbr.ind lr, $3  }
0x3a: {  	_ = 	snop  }
0x3b: {  	_ = 	snop  }
0x3c: {  	p2 =	seq.s32 s10, $0x1;
	s10 =	sld [smem:$0x3FB8]  }
0x3d: {  	_ =	shalt  }
0x3e: {  	_ =	shalt  }
0x3f: {  	_ =	shalt  }
0x40: {  	_ =	shalt  }
0x41: {  	_ =	shalt  }
0x42: {  	_ =	shalt  }
0x43: {  	_ =	shalt  }
0x44: {  	_ =	shalt  }
0x45: {  	_ =	shalt  }
0x46: {  	_ =	shalt  }
0x47: {  	_ =	shalt  }
0x48: {  	_ =	shalt  }
0x49: {  	_ =	shalt  }
0x4a: {  	_ =	shalt  }
0x4b: {  	_ =	shalt  }
0x4c: {  	_ =	shalt  }
0x4d: {  	_ =	shalt  }
0x4e: {  	_ =	shalt  }
0x4f: {  	_ =	shalt  }
0x50: {  	_ =	shalt  }
0x51: {  	_ =	shalt  }
0x52: {  	_ =	shalt  }
0x53: {  	_ =	shalt  }
0x54: {  	_ =	shalt  }
0x55: {  	_ =	shalt  }
0x56: {  	_ =	shalt  }
0x57: {  	_ =	shalt  }
0x58: {  	_ =	shalt  }
0x59: {  	_ =	shalt  }
0x5a: {  	_ =	shalt  }
0x5b: {  	_ =	shalt  }
0x5c: {  	_ =	shalt  }
0x5d: {  	_ =	shalt  }
0x5e: {  	_ =	shalt  }
0x5f: {  	_ =	shalt  }
0x60: {  	_ =	shalt  }
0x61: {  	_ =	shalt  }
0x62: {  	_ =	shalt  }
0x63: {  	_ =	shalt  }
0x64: {  	_ =	shalt  }
0x65: {  	_ =	shalt  }
0x66: {  	_ =	shalt  }
0x67: {  	_ =	shalt  }
0x68: {  	_ =	shalt  }
0x69: {  	_ =	shalt  }
0x6a: {  	_ =	shalt  }
0x6b: {  	_ =	shalt  }
0x6c: {  	_ =	shalt  }
0x6d: {  	_ =	shalt  }
0x6e: {  	_ =	shalt  }
0x6f: {  	_ =	shalt  }
0x70: {  	_ =	shalt  }
0x71: {  	_ =	shalt  }
0x72: {  	_ =	shalt  }
0x73: {  	_ =	shalt  }
0x74: {  	_ =	shalt  }
0x75: {  	_ =	shalt  }
0x76: {  	_ =	shalt  }
0x77: {  	_ =	shalt  }
0x78: {  	_ =	shalt  }
0x79: {  	_ =	shalt  }
0x7a: {  	_ =	shalt  }
0x7b: {  	_ =	shalt  }
0x7c: {  	_ =	shalt  }
0x7d: {  	_ =	shalt  }
0x7e: {  	_ =	shalt  }
0x7f: {  	_ =	shalt  }
0x80: {  	_ =	shalt  }
0x81: {  	_ =	shalt  }
0x82: {  	_ =	shalt  }
0x83: {  	_ =	shalt  }
0x84: {  	_ =	shalt  }
0x85: {  	_ =	shalt  }
0x86: {  	_ =	shalt  }
0x87: {  	_ =	shalt  }
.Lfunc_end0:
.L_simem_size_0:
called_computation_lowered:
.L_overlay_start_0:
0x88: {  	s2 =	sld [smem:$0x3FD9]  }
0x89: {  	s3 =	sld [smem:$0x3FFE];
	_ =	sdelay $0x1  }
0x8a: {  	s1 =	srdreg.scid  }
0x8b: {  	s0 =	sand.u32 $0x1, s1  }
0x8c: {  	s17 =	sshll.u32 s0, $0xA;
	s2 =	sadd.s32 s3, s2  }
0x8d: {  	s2 =	sadd.s32 s2, s17  }
0x8e: {  	[smem:$0x3FC4] =	sst s2  }
0x8f: {  	_ = 	snop  }
0x90: {  	s2 =	sld [smem:$0x3FD0];
	(tm) =	ssettm $0x1  }
0x91: {  	s18 =	sld [smem:$0x3FFB];
	_ =	sdelay $0x3  }
0x92: {  	_ =	strace s18  }
0x93: {  	s3 =	sld [smem:$0x3FFC];
	_ =	sdelay $0x3  }
0x94: {  	_ =	strace s3  }
0x95: {  	s3 =	sld [smem:$0x3FFD];
	_ =	sdelay $0x3  }
0x96: {  	_ =	strace s3  }
0x97: {  	_ =	strace $0x8FFFFFFF  }
0x98: {  	s19 =	sld [smem:$0x3FDB];
	_ =	sdelay $0x1  }
0x99: {  	s4 =	simm.s32 $_scs_section_size  }
0x9a: {  	s5 =	simm.s32 $_size__tile_overlayer_lowered;
	s6 =	simm.s32 $_tile_overlayer_lowered  }
0x9b: {  	s22 =	simm.s32 $0x1BFF;
	s21 =	sshll.u32 s6, $0x1;
	s3 =	sadd.s32 s4, s19  }
0x9c: {  	s7 =	simm.s32 $0x0;
	s20 =	sshll.u32 s5, $0x1;
	s5 =	sadd.s32 s21, s3  }
0x9d: {  	[timem:s7], [sflag:s22] =	dma.local [hbm:s5], s20  }
0x9e: {  	_ =	swait.ge [sflag:s22], s20  }
0x9f: {  	s4 =	ssub.s32 $0x0, s20;
	[sflag:s22] =	ssyncset.done $0x0  }
0xa0: {  	[sflag:s22] =	ssyncadd.s32 s4;
	_ =	sdelay $0x1  }
0xa1: {  	s23 =	simm.s32 $0x1B8B  }
0xa2: {  	_ =	swait.ge [sflag:s23], $0x1  }
0xa3: {  	[sflag:s23] =	ssyncset.done $0x0  }
0xa4: {  	s25 =	simm.s32 $0x1B8E;
	s24 =	sld [smem:$0x3FFE];
	[sflag:s23] =	ssyncadd.s32 $0xFFFFFFFF  }
0xa5: {  	s26 =	simm.s32 $execute0_lowered;
	[smem:$0x3FD2] =	sst s25  }
0xa6: {  	s5 =	sshll.u32 s26, $0x1;
	_ =	strace $0x80000046;
	[dreg:$0x1] =	wrdreg $0xFFFFFFFF  }
0xa7: {  	s28 =	simm.s32 $_size_execute0_lowered;
	s3 =	sadd.s32 s3, s5;
	[dreg:$0x0] =	wrdreg $0x0  }
0xa8: {  	s5 =	sshll.u32 s28, $0x1;
	[dreg:$0x2] =	wrdreg s3  }
0xa9: {  	[dreg:$0x3] =	wrdreg s5  }
0xaa: {  	[dreg:$0x4] =	wrdreg $0xC0  }
0xab: {  	_ =	task [dreg:s7], $0x5FFFF  }
0xac: {  	[dreg:$0x1] =	wrdreg $0xFFFFFFFF  }
0xad: {  	[dreg:$0x0] =	wrdreg $0x60  }
0xae: {  	[dreg:$0x2] =	wrdreg s2  }
0xaf: {  	[dreg:$0x3] =	wrdreg s24  }
0xb0: {  	[dreg:$0x4] =	wrdreg $0x43000  }
0xb1: {  	[dreg:$0x5] =	wrdreg $0x9  }
0xb2: {  	_ =	task.clear_ibuf [dreg:s7], $0x6FFFF;
	_ =	strace $0x90000046  }
0xb3: {  	s29 =	simm.s32 $0x9;
	_ =	strace $0x80000048  }
0xb4: {  	_ =	swait.ge [sflag:s29], $0x1  }
0xb5: {  	[sflag:s29] =	ssyncadd.s32 $0xFFFFFFFF  }
0xb6: {  	_ =	strace $0x90000048  }
0xb7: {  	_ =	sfence  }
0xb8: {  	s30 =	sld [smem:$0x0];
	_ =	sdelay $0x2  }
0xb9: {  	s31 =	sshll.u32 s1, $0xD;
	s1 =	sshrl.u32 s1, $0x2  }
0xba: {  	s3 =	sand.u32 $0x4000, s31;
	s1 =	sadd.s32 s1, s30  }
0xbb: {  	s0 =	sor.u32 s3, s0;
	s1 =	sshll.u32 s1, $0x11  }
0xbc: {  	s0 =	sor.u32 s1, s0  }
0xbd: {  	s0 =	sadd.s32 $0x8F2B, s0  }
0xbe: {  	[sflag:s0] =	ssyncadd.remote.s32 $0x1  }
0xbf: {  	_ =	sfence.sel $0xFFFF  }
0xc0: {  	[dreg:$0x0] =	wrdreg $0xFFFFFFFF;
	(pc) =	sbr.abs _section_cstart, $3  }
0xc1: {  	[dreg:$0x1] =	wrdreg $0xFFFFFFFF  }
0xc2: {  	_ =	task.clear_ibuf [dreg:s7], $0x2FFFF;
	_ =	strace $0x9FFFFFFF  }
0xc3: {  	(tm) =	ssettm $0x7FFFFFFF  }
tec
execute0_lowered:
.L_overlay_start_1:
0x0: {  	(tag) =	ssettag $0x1  }
0x1: {  	s4 =	rddreg [dreg:$0x0]  }
0x2: {  	s5 =	rddreg [dreg:$0x1]  }
0x3: {  	s2 =	rddreg [dreg:$0x2]  }
0x4: {  	s0 =	rddreg [dreg:$0x3]  }
0x5: {  	s6 =	srdreg.scid;
	s1 =	stileid.u32;
	s3 =	simm.s32 $0x0  }
0x6: {  	s11 =	simm.s32 $0x4000;
	s14 =	simm.s32 $0x20;
	s15 =	simm.s32 $0x10  }
0x7: {  	s16 =	simm.s32 $0x0;
	s6 =	sand.u32 $0x1, s6;
	s7 =	smul.u32 $0x500, s1  }
0x8: {  	[smem:$0x7FF] =	sst s3;
	s9 =	smul.u32 $0xA00, s1;
	s10 =	sshll.u32 s1, $0xB  }
0x9: {  	s12 =	sshll.u32 s1, $0x6;
	s8 =	sshll.u32 s6, $0x7;
	_ =	strace $0x80000047  }
0xa: {  	s30 =	ssub.s32 $0x2, s6;
	s6 =	sshll.u32 s6, $0xF;
	s4 =	sadd.s32 s4, s10  }
0xb: {  	s10 =	simm.s32 $0x50;
	s12 =	sor.u32 $0x1C01, s12;
	s7 =	sor.u32 s8, s7  }
0xc: {  	s31 =	sshrl.u32 s30, $0x1;
	s9 =	sshrl.u32 s9, $0x2;
	s7 =	sshrl.u32 s7, $0x3  }
0xd: {  	s4 =	sadd.s32 s6, s4;
	s8 =	ssub.s32 s30, s31;
	s7 =	sadd.s32 s7, s5  }
0xe: {  	s5 =	sadd.s32 s9, s2;
	s9 =	simm.s32 $0x4080;
	s6 =	sadd.s32 $0x1A00, s7  }
0xf: {  	v0 =	vimm.f32 $0.0e+00;
	v1 =	vimm.f32 $1.000000000e+00;
	s7 =	smax.u32 s8, $0x1;
	s8 =	simm.s32 $0x1;
	s13 =	sshrl.u32 s5, $0x3  }
.LBB2_1:
0x10: {  	[tilespmem:$0x4080] =	vst v0  }
0x11: {  	[tilespmem:$0x4090] =	vst v0  }
0x12: {  	[tilespmem:$0x40A0] =	vst v0  }
0x13: {  	[tilespmem:$0x40B0] =	vst v0  }
0x14: {  	[tilespmem:$0x40C0] =	vst v0  }
0x15: {  	[tilespmem:$0x40D0] =	vst v0  }
0x16: {  	[tilespmem:$0x40E0] =	vst v0  }
0x17: {  	[tilespmem:$0x40F0] =	vst v0  }
0x18: {  	[tilespmem:$0x4100] =	vst v0  }
0x19: {  	[tilespmem:$0x4110] =	vst v0  }
0x1a: {  	[tilespmem:$0x4120] =	vst v0  }
0x1b: {  	[tilespmem:$0x4130] =	vst v0  }
0x1c: {  	[tilespmem:$0x4140] =	vst v0  }
0x1d: {  	[tilespmem:$0x4150] =	vst v0  }
0x1e: {  	[tilespmem:$0x4160] =	vst v0  }
0x1f: {  	[tilespmem:$0x4170] =	vst v0  }
0x20: {  	[tilespmem:$0x4180] =	vst v0  }
0x21: {  	[tilespmem:$0x4190] =	vst v0  }
0x22: {  	[tilespmem:$0x41A0] =	vst v0  }
0x23: {  	[tilespmem:$0x41B0] =	vst v0  }
0x24: {  	[tilespmem:$0x41C0] =	vst v0  }
0x25: {  	[tilespmem:$0x41D0] =	vst v0  }
0x26: {  	[tilespmem:$0x41E0] =	vst v0  }
0x27: {  	[tilespmem:$0x41F0] =	vst v0  }
0x28: {  	[tilespmem:$0x4200] =	vst v0  }
0x29: {  	[tilespmem:$0x4210] =	vst v0  }
0x2a: {  	[tilespmem:$0x4220] =	vst v0  }
0x2b: {  	[tilespmem:$0x4230] =	vst v0  }
0x2c: {  	[tilespmem:$0x4240] =	vst v0  }
0x2d: {  	[tilespmem:$0x4250] =	vst v0  }
0x2e: {  	[tilespmem:$0x4260] =	vst v0  }
0x2f: {  	[tilespmem:$0x4270] =	vst v0  }
0x30: {  	[tilespmem:$0x4280] =	vst v0  }
0x31: {  	[tilespmem:$0x4290] =	vst v0  }
0x32: {  	[tilespmem:$0x42A0] =	vst v0  }
0x33: {  	[tilespmem:$0x42B0] =	vst v0  }
0x34: {  	[tilespmem:$0x42C0] =	vst v0  }
0x35: {  	[tilespmem:$0x42D0] =	vst v0  }
0x36: {  	[tilespmem:$0x42E0] =	vst v0  }
0x37: {  	[tilespmem:$0x42F0] =	vst v0  }
0x38: {  	[tilespmem:$0x4000] =	vst v1  }
0x39: {  	[tilespmem:$0x4010] =	vst v1  }
0x3a: {  	[tilespmem:$0x4020] =	vst v1  }
0x3b: {  	[tilespmem:$0x4030] =	vst v1  }
0x3c: {  	[tilespmem:$0x4040] =	vst v1  }
0x3d: {  	[tilespmem:s3], [sflag:$0x1] =	stream.linear.gather [hbm4b:s4+s3], $0x3E80, $0x38;
	[tilespmem:$0x4580] =	vst v63  }
0x3e: {  	_ =	swait.ge [sflag:s8], $0x3E80  }
0x3f: {  	[sflag:s8] =	ssyncset.done $0x0  }
0x40: {  	[sflag:s8] =	ssyncadd.s32 $0xFFFFC180  }
0x41: {  	[spmem:s5] =	stream.linear.scatter [tilespmem:s9], [sflag:$0x1], $0x280, $0x38;
	[tilespmem:$0x4580] =	vst v63  }
0x42: {  	_ =	swait.ge [sflag:s8], $0x280  }
0x43: {  	[sflag:s8] =	ssyncset.done $0x0  }
0x44: {  	[sflag:s8] =	ssyncadd.s32 $0xFFFFFD80  }
0x45: {  	s17 =	simm.s32 $0x0;
	[bflag:$0x0] =	sbarrier.arrive $0xFFFF  }
0x46: {  	[spmem:s2] =	stream.indirect.scatter.add.f32 [tilespmem:s11], [sflag:$0x1], $0x1, s17, s10, $0xb8;
	[tilespmem:$0x4580] =	vst v63  }
0x47: {  	_ =	swait.ge [sflag:s8], $0x50  }
0x48: {  	s17 =	simm.s32 $0x200;
	[sflag:s8] =	ssyncset.done $0x0  }
.LBB2_2:
0x49: {  	s18 =	sshra.s32 s17, $0x2;
	[sflag:s8] =	ssyncadd.s32 $0xFFFFFFB0;
	p0 =	sne.s32 s17, $0xF800  }
0x4a: {  	[spmem:s2] =	stream.indirect.scatter.add.f32 [tilespmem:s11], [sflag:$0x1], $0x1, s18, s10, $0xb8;
	[tilespmem:$0x4580] =	vst v63  }
.Ltmp0:
0x4b: {  	_ = 	snop;
	(pc) =	sbr.rel @p0 .LBB2_2-.Ltmp0, $4  }
0x4c: {  	_ = 	snop  }
0x4d: {  	s17 =	sadd.s32 $0x200, s17  }
0x4e: {  	_ =	swait.ge [sflag:s8], $0x50  }
0x4f: {  	[sflag:s8] =	ssyncset.done $0x0  }
0x50: {  	s16 =	sadd.s32 $0x1, s16  }
0x51: {  	[sflag:s8] =	ssyncadd.s32 $0xFFFFFFB0;
	p0 =	sne.s32 s16, s7  }
.Ltmp1:
0x52: {  	[bflag:$0x0] =	sbarrier.arrive $0xFFFF;
	(pc) =	sbr.rel @p0 .LBB2_1-.Ltmp1, $4  }
0x53: {  	[hbm:s6@s14], [sflag:s12] =	dma.strided [spmem:s13@s15], $0x50, s8, $0x10   }
0x54: {  	_ =	swait.ge [sflag:s8], $0x50  }
0x55: {  	[sflag:s8] =	ssyncset.done $0x0  }
0x56: {  	[sflag:s8] =	ssyncadd.s32 $0xFFFFFFB0  }
0x57: {  	_ =	sfence.sel $0x180000  }
0x58: {  	[bflag:$0x0] =	sbarrier.arrive $0xFFFF  }
0x59: {  	p0 =	sne.s32 s1, $0x0;
	_ =	strace $0x90000047  }
0x5a: {  	s0 =	sadd.s32 @!p0 $0x100000, s0;
	[bflag:$0x2] =	sbarrier.arrive $0xFFFF  }
0x5b: {  	[sflag:s0] =	ssyncadd.tile.s32 @!p0 $0x1;
	_ =	shalt  }
.Lfunc_end2:
_tile_overlayer_lowered:
.L_overlay_start_2:
0x5c: {  	(tag) =	ssettag $0x2  }
0x5d: {  	s0 =	rddreg [dreg:$0x0];
	s2 =	stileid.u32  }
0x5e: {  	s1 =	rddreg [dreg:$0x1];
	p0 =	sne.s32 s2, $0x0  }
0x5f: {  	s3 =	rddreg [dreg:$0x2];
	[bflag:$0x3] =	sbarrier.arrive $0xFFFF;
	s2 =	simm.s32 @!p0 $0x1C01  }
0x60: {  	[timem:s3], [sflag:s2] =	dma.local @!p0 [hbm:s0], s1  }
0x61: {  	s0 =	simm.s32 @!p0 $0x1  }
0x62: {  	_ =	swait.ge @!p0 [sflag:s0], s1  }
0x63: {  	s1 =	ssub.s32 @!p0 $0x0, s1;
	[sflag:s0] =	ssyncset.done @!p0 $0x0  }
0x64: {  	[sflag:s0] =	ssyncadd.s32 @!p0 s1  }
0x65: {  	[bflag:$0x3] =	sbarrier.arrive $0xFFFF  }
0x66: {  	_ =	shalt  }

// kernel: kernel.9.cloned.1.call-start
scs
__scs_entry_jumppad:
0x0: {  	(pc) =	sbr.rel $0x88, $3  }
0x1: {  	(tag) =	ssettag $0x0;
	lr =	simm.s32 $0x1  }
0x2: {  	[smem:$0x3F9D] =	sst lr;
	_ =	strace $0xD0000000  }
0x3: {  	_ = 	snop  }
0x4: {  	_ = 	snop  }
0x5: {  	_ = 	snop  }
0x6: {  	_ = 	snop  }
0x7: {  	_ = 	snop  }
__scs_overlays_trampoline_lowered:
0x8: {  	[smem:$0x3FAC] =	sst s0  }
0x9: {  	[smem:$0x3FAD] =	sst s1  }
0xa: {  	[smem:$0x3FAE] =	sst s2  }
0xb: {  	[smem:$0x3FAF] =	sst s3  }
0xc: {  	[smem:$0x3FB0] =	sst s4  }
0xd: {  	[smem:$0x3FB1] =	sst s5  }
0xe: {  	[smem:$0x3FB2] =	sst s6  }
0xf: {  	[smem:$0x3FB3] =	sst s7  }
0x10: {  	[smem:$0x3FB4] =	sst s8  }
0x11: {  	[smem:$0x3FB5] =	sst s9;
	s0 =	simm.s32 @!p0 $0x0  }
0x12: {  	s1 =	sld [smem:$0x3F9B];
	s0 =	simm.s32 @p0 $0x1  }
0x13: {  	[smem:$0x3FB6] =	sst s0;
	s0 =	simm.s32 @!p1 $0x0  }
0x14: {  	s2 =	sld [smem:$0x3F9A];
	s0 =	simm.s32 @p1 $0x1  }
0x15: {  	[smem:$0x3FB7] =	sst s0;
	s0 =	simm.s32 @!p2 $0x0  }
0x16: {  	s3 =	sld [smem:$0x3FDB];
	s0 =	simm.s32 @p2 $0x1  }
0x17: {  	s4 =	simm.s32 $0x1BF5;
	[smem:$0x3FB9] =	sst s0  }
0x18: {  	s0 =	sld [smem:$0x3F9C];
	_ =	swait.ge [sflag:s4], $0x0  }
0x19: {  	s7 =	sld [smem:$0x3F9D]  }
0x1a: {  	s8 =	sadd.s32 $0xFFFFE003, lr  }
0x1b: {  	s9 =	sadd.s32 $0xFFFFFEF7, lr;
	s5 =	simm.s32 $0xFFFFFFFF;
	p2 =	slt.u32 s8, $0xFFFFF086  }
0x1c: {  	p1 =	slt.u32 s9, $0xF7A;
	s5 =	simm.s32 @!p2 $0x0  }
0x1d: {  	s5 =	simm.s32 @p1 $0x1;
	p0 =	seq.s32 s7, s2  }
0x1e: {  	s7 =	smul.u32 @!p0 $0xF7A, s2;
	p2 =	seq.s32 @!p0 s5, $0x0  }
0x1f: {  	s9 =	smul.u32 $0xF7A, s1;
	s8 =	simm.s32 @!p0 $0x1BF5;
	p2 =	por !p2, p0  }
0x20: {  	[sflag:s8] =	ssyncset.s32 @!p0 $0xFFFFF086;
	s6 =	sadd.s32 @!p0 s3, s7;
	s7 =	simm.s32 @!p0 $0x108  }
0x21: {  	s3 =	sadd.s32 s3, s9;
	s6 =	sadd.s32 @!p0 $0x88, s6;
	s7 =	simm.s32 @p2 $0x1082  }
0x22: {  	[simem:s7], [sflag:s8] =	dma.local @!p0 [hbm:s6], $0xF7A  }
0x23: {  	s9 =	sor.u32 $0xD0000000, s2;
	s6 =	simm.s32 $0x108;
	_ =	swait.ge @!p0 [sflag:s8], $0x0  }
0x24: {  	s3 =	sadd.s32 $0x88, s3;
	s6 =	simm.s32 @!p1 $0x1082;
	[sflag:s4] =	ssyncset.s32 $0xFFFFF086  }
0x25: {  	[simem:s6], [sflag:s4] =	dma.local [hbm:s3], $0xF7A  }
0x26: {  	[smem:$0x3F9D] =	sst s1;
	(tag) =	ssettag s2;
	_ =	strace s9  }
0x27: {  	s1 =	sld [smem:$0x3FAD]  }
0x28: {  	s2 =	sld [smem:$0x3FAE]  }
0x29: {  	s4 =	sld [smem:$0x3FB0]  }
0x2a: {  	p0 =	seq.s32 s5, $0x0;
	s5 =	sld [smem:$0x3FB1]  }
0x2b: {  	s6 =	sld [smem:$0x3FB2]  }
0x2c: {  	s7 =	sld [smem:$0x3FB3]  }
0x2d: {  	s3 =	simm.s32 $0x108;
	s8 =	sld [smem:$0x3FB4]  }
0x2e: {  	s3 =	simm.s32 @!p0 $0x1082;
	s9 =	sld [smem:$0x3FB5]  }
0x2f: {  	lr =	sadd.s32 s0, s3;
	s0 =	sld [smem:$0x3FAC]  }
0x30: {  	s3 =	sld [smem:$0x3FAF]  }
0x31: {  	[smem:$0x3FB8] =	sst s10  }
0x32: {  	s10 =	sld [smem:$0x3FB6];
	_ =	sdelay $0x3  }
0x33: {  	p0 =	seq.s32 s10, $0x1;
	s10 =	sld [smem:$0x3FB8];
	_ =	sdelay $0x3  }
0x34: {  	[smem:$0x3FB8] =	sst s10  }
0x35: {  	s10 =	sld [smem:$0x3FB7];
	_ =	sdelay $0x3  }
0x36: {  	p1 =	seq.s32 s10, $0x1;
	s10 =	sld [smem:$0x3FB8];
	_ =	sdelay $0x3  }
0x37: {  	[smem:$0x3FB8] =	sst s10  }
0x38: {  	s10 =	sld [smem:$0x3FB9]  }
0x39: {  	_ = 	snop;
	(pc) =	sbr.ind lr, $3  }
0x3a: {  	_ = 	snop  }
0x3b: {  	_ = 	snop  }
0x3c: {  	p2 =	seq.s32 s10, $0x1;
	s10 =	sld [smem:$0x3FB8]  }
0x3d: {  	_ =	shalt  }
0x3e: {  	_ =	shalt  }
0x3f: {  	_ =	shalt  }
0x40: {  	_ =	shalt  }
0x41: {  	_ =	shalt  }
0x42: {  	_ =	shalt  }
0x43: {  	_ =	shalt  }
0x44: {  	_ =	shalt  }
0x45: {  	_ =	shalt  }
0x46: {  	_ =	shalt  }
0x47: {  	_ =	shalt  }
0x48: {  	_ =	shalt  }
0x49: {  	_ =	shalt  }
0x4a: {  	_ =	shalt  }
0x4b: {  	_ =	shalt  }
0x4c: {  	_ =	shalt  }
0x4d: {  	_ =	shalt  }
0x4e: {  	_ =	shalt  }
0x4f: {  	_ =	shalt  }
0x50: {  	_ =	shalt  }
0x51: {  	_ =	shalt  }
0x52: {  	_ =	shalt  }
0x53: {  	_ =	shalt  }
0x54: {  	_ =	shalt  }
0x55: {  	_ =	shalt  }
0x56: {  	_ =	shalt  }
0x57: {  	_ =	shalt  }
0x58: {  	_ =	shalt  }
0x59: {  	_ =	shalt  }
0x5a: {  	_ =	shalt  }
0x5b: {  	_ =	shalt  }
0x5c: {  	_ =	shalt  }
0x5d: {  	_ =	shalt  }
0x5e: {  	_ =	shalt  }
0x5f: {  	_ =	shalt  }
0x60: {  	_ =	shalt  }
0x61: {  	_ =	shalt  }
0x62: {  	_ =	shalt  }
0x63: {  	_ =	shalt  }
0x64: {  	_ =	shalt  }
0x65: {  	_ =	shalt  }
0x66: {  	_ =	shalt  }
0x67: {  	_ =	shalt  }
0x68: {  	_ =	shalt  }
0x69: {  	_ =	shalt  }
0x6a: {  	_ =	shalt  }
0x6b: {  	_ =	shalt  }
0x6c: {  	_ =	shalt  }
0x6d: {  	_ =	shalt  }
0x6e: {  	_ =	shalt  }
0x6f: {  	_ =	shalt  }
0x70: {  	_ =	shalt  }
0x71: {  	_ =	shalt  }
0x72: {  	_ =	shalt  }
0x73: {  	_ =	shalt  }
0x74: {  	_ =	shalt  }
0x75: {  	_ =	shalt  }
0x76: {  	_ =	shalt  }
0x77: {  	_ =	shalt  }
0x78: {  	_ =	shalt  }
0x79: {  	_ =	shalt  }
0x7a: {  	_ =	shalt  }
0x7b: {  	_ =	shalt  }
0x7c: {  	_ =	shalt  }
0x7d: {  	_ =	shalt  }
0x7e: {  	_ =	shalt  }
0x7f: {  	_ =	shalt  }
0x80: {  	_ =	shalt  }
0x81: {  	_ =	shalt  }
0x82: {  	_ =	shalt  }
0x83: {  	_ =	shalt  }
0x84: {  	_ =	shalt  }
0x85: {  	_ =	shalt  }
0x86: {  	_ =	shalt  }
0x87: {  	_ =	shalt  }
.Lfunc_end0:
.L_simem_size_0:
called_computation.1_lowered:
.L_overlay_start_0:
0x88: {  	s2 =	sld [smem:$0x3FD9]  }
0x89: {  	s3 =	sld [smem:$0x3FFE];
	_ =	sdelay $0x1  }
0x8a: {  	s1 =	srdreg.scid  }
0x8b: {  	s0 =	sand.u32 $0x1, s1  }
0x8c: {  	s17 =	sshll.u32 s0, $0xA;
	s2 =	sadd.s32 s3, s2  }
0x8d: {  	s2 =	sadd.s32 s2, s17  }
0x8e: {  	[smem:$0x3FC4] =	sst s2  }
0x8f: {  	_ = 	snop  }
0x90: {  	s2 =	sld [smem:$0x3FD0];
	(tm) =	ssettm $0x1  }
0x91: {  	s18 =	sld [smem:$0x3FFB];
	_ =	sdelay $0x3  }
0x92: {  	_ =	strace s18  }
0x93: {  	s3 =	sld [smem:$0x3FFC];
	_ =	sdelay $0x3  }
0x94: {  	_ =	strace s3  }
0x95: {  	s3 =	sld [smem:$0x3FFD];
	_ =	sdelay $0x3  }
0x96: {  	_ =	strace s3  }
0x97: {  	_ =	strace $0x8FFFFFFF  }
0x98: {  	s19 =	sld [smem:$0x3FDB];
	_ =	sdelay $0x1  }
0x99: {  	s4 =	simm.s32 $_scs_section_size  }
0x9a: {  	s5 =	simm.s32 $_size__tile_overlayer_lowered;
	s6 =	simm.s32 $_tile_overlayer_lowered  }
0x9b: {  	s22 =	simm.s32 $0x1BFF;
	s21 =	sshll.u32 s6, $0x1;
	s3 =	sadd.s32 s4, s19  }
0x9c: {  	s7 =	simm.s32 $0x0;
	s20 =	sshll.u32 s5, $0x1;
	s5 =	sadd.s32 s21, s3  }
0x9d: {  	[timem:s7], [sflag:s22] =	dma.local [hbm:s5], s20  }
0x9e: {  	_ =	swait.ge [sflag:s22], s20  }
0x9f: {  	s4 =	ssub.s32 $0x0, s20;
	[sflag:s22] =	ssyncset.done $0x0  }
0xa0: {  	[sflag:s22] =	ssyncadd.s32 s4;
	_ =	sdelay $0x1  }
0xa1: {  	s23 =	simm.s32 $0x1B8B  }
0xa2: {  	_ =	swait.ge [sflag:s23], $0x1  }
0xa3: {  	[sflag:s23] =	ssyncset.done $0x0  }
0xa4: {  	s25 =	simm.s32 $0x1B8E;
	s24 =	sld [smem:$0x3FFE];
	[sflag:s23] =	ssyncadd.s32 $0xFFFFFFFF  }
0xa5: {  	s26 =	simm.s32 $execute0_lowered;
	[smem:$0x3FD2] =	sst s25  }
0xa6: {  	s5 =	sshll.u32 s26, $0x1;
	_ =	strace $0x80000049;
	[dreg:$0x1] =	wrdreg $0xFFFFFFFF  }
0xa7: {  	s28 =	simm.s32 $_size_execute0_lowered;
	s3 =	sadd.s32 s3, s5;
	[dreg:$0x0] =	wrdreg $0x0  }
0xa8: {  	s5 =	sshll.u32 s28, $0x1;
	[dreg:$0x2] =	wrdreg s3  }
0xa9: {  	[dreg:$0x3] =	wrdreg s5  }
0xaa: {  	[dreg:$0x4] =	wrdreg $0xC0  }
0xab: {  	_ =	task [dreg:s7], $0x5FFFF  }
0xac: {  	[dreg:$0x1] =	wrdreg $0xFFFFFFFF  }
0xad: {  	[dreg:$0x0] =	wrdreg $0x60  }
0xae: {  	[dreg:$0x2] =	wrdreg s24  }
0xaf: {  	[dreg:$0x3] =	wrdreg s2  }
0xb0: {  	[dreg:$0x4] =	wrdreg $0x93000  }
0xb1: {  	[dreg:$0x5] =	wrdreg $0x9  }
0xb2: {  	_ =	task.clear_ibuf [dreg:s7], $0x6FFFF;
	_ =	strace $0x90000049  }
0xb3: {  	s29 =	simm.s32 $0x9;
	_ =	strace $0x8000004B  }
0xb4: {  	_ =	swait.ge [sflag:s29], $0x1  }
0xb5: {  	[sflag:s29] =	ssyncadd.s32 $0xFFFFFFFF  }
0xb6: {  	_ =	strace $0x9000004B  }
0xb7: {  	_ =	sfence  }
0xb8: {  	s30 =	sld [smem:$0x0];
	_ =	sdelay $0x2  }
0xb9: {  	s31 =	sshll.u32 s1, $0xD;
	s1 =	sshrl.u32 s1, $0x2  }
0xba: {  	s3 =	sand.u32 $0x4000, s31;
	s1 =	sadd.s32 s1, s30  }
0xbb: {  	s0 =	sor.u32 s3, s0;
	s1 =	sshll.u32 s1, $0x11  }
0xbc: {  	s0 =	sor.u32 s1, s0  }
0xbd: {  	s0 =	sadd.s32 $0x8F2B, s0  }
0xbe: {  	[sflag:s0] =	ssyncadd.remote.s32 $0x1  }
0xbf: {  	_ =	sfence.sel $0xFFFF  }
0xc0: {  	[dreg:$0x0] =	wrdreg $0xFFFFFFFF;
	(pc) =	sbr.abs _section_cstart, $3  }
0xc1: {  	[dreg:$0x1] =	wrdreg $0xFFFFFFFF  }
0xc2: {  	_ =	task.clear_ibuf [dreg:s7], $0x2FFFF;
	_ =	strace $0x9FFFFFFF  }
0xc3: {  	(tm) =	ssettm $0x7FFFFFFF  }
tec
execute0_lowered:
.L_overlay_start_1:
0x0: {  	(tag) =	ssettag $0x1  }
0x1: {  	s0 =	rddreg [dreg:$0x0]  }
0x2: {  	s2 =	rddreg [dreg:$0x1]  }
0x3: {  	s1 =	srdreg.scid;
	s3 =	rddreg [dreg:$0x2];
	s4 =	simm.s32 $0x0  }
0x4: {  	s13 =	stileid.u32;
	s6 =	sand.u32 $0x1, s1;
	[smem:$0x7FF] =	sst s4  }
0x5: {  	s18 =	sshll.u32 s13, $0x8;
	s12 =	smul.u32 $0xFA, s13;
	s1 =	sshll.u32 s6, $0x4  }
0x6: {  	s5 =	sadd.s32 $0x21800, s0;
	s23 =	smul.u32 $0xFA0, s6;
	s1 =	sor.u32 s13, s1  }
0x7: {  	s9 =	sadd.s32 $0x2400, s0;
	s0 =	sadd.s32 $0x40C00, s0;
	s7 =	smul.u32 $0x7D00, s1  }
0x8: {  	_ =	strace $0x8000004A;
	s10 =	ssub.s32 $0x2, s6;
	s6 =	smul.u32 $0x140000, s6  }
0x9: {  	s1 =	sand.u32 $0x300, s18;
	s8 =	sand.u32 $0xFFC00, s7;
	s7 =	sshrl.u32 s7, $0x3  }
0xa: {  	s19 =	sshrl.u32 s10, $0x1;
	s1 =	sor.u32 s1, s8;
	s24 =	sadd.s32 $0x20, s7  }
0xb: {  	s26 =	sadd.s32 $0x30, s7;
	s15 =	sadd.s32 $0x40, s7;
	s25 =	sadd.s32 s5, s24  }
0xc: {  	s7 =	sadd.s32 $0x50, s7;
	s14 =	sadd.s32 s5, s26;
	[dreg:$0x12] =	wrdreg s25  }
0xd: {  	s11 =	sshrl.u32 s1, $0x3;
	s16 =	sadd.s32 s5, s15;
	[dreg:$0x14] =	wrdreg s14  }
0xe: {  	s1 =	ssub.s32 s10, s19;
	s18 =	sadd.s32 s5, s7;
	[dreg:$0x16] =	wrdreg s16  }
0xf: {  	s10 =	sadd.s32 s12, s23;
	s7 =	sadd.s32 s9, s7;
	[dreg:$0x18] =	wrdreg s18  }
0x10: {  	s20 =	sadd.s32 s5, s11;
	s21 =	sadd.s32 s9, s11;
	[dreg:$0x19] =	wrdreg s7  }
0x11: {  	s22 =	sor.u32 $0x10, s11;
	s10 =	sshll.u32 s10, $0x4;
	[dreg:$0xe] =	wrdreg s20  }
0x12: {  	s25 =	smul.u32 $0x14000, s13;
	s1 =	smax.u32 s1, $0x1;
	[dreg:$0xf] =	wrdreg s21  }
0x13: {  	s13 =	smul.u32 $0x50000, s13;
	s11 =	sadd.s32 s5, s22;
	[dreg:$0x1f] =	wrdreg s1  }
0x14: {  	s8 =	sadd.s32 s9, s22;
	s17 =	sadd.s32 $0xC0, s10;
	[dreg:$0x10] =	wrdreg s11  }
0x15: {  	s21 =	sadd.s32 $0xA0, s10;
	[dreg:$0x11] =	wrdreg s8;
	s11 =	sadd.s32 s9, s24  }
0x16: {  	s14 =	sadd.s32 s10, s9;
	s8 =	sadd.s32 s9, s26;
	[dreg:$0x13] =	wrdreg s11  }
0x17: {  	s19 =	sadd.s32 s17, s9;
	s20 =	sadd.s32 s17, s5;
	[dreg:$0x15] =	wrdreg s8  }
0x18: {  	s22 =	sadd.s32 s21, s9;
	s23 =	sadd.s32 s21, s5;
	[dreg:$0x4] =	wrdreg s19  }
0x19: {  	s24 =	sadd.s32 $0x80, s10;
	s16 =	sadd.s32 s6, s25;
	[dreg:$0x5] =	wrdreg s20  }
0x1a: {  	s17 =	sadd.s32 s10, s5;
	s10 =	sadd.s32 $0x60, s10;
	[dreg:$0x6] =	wrdreg s22  }
0x1b: {  	s18 =	sadd.s32 $0x4000, s25;
	s8 =	sadd.s32 s9, s15;
	[dreg:$0x7] =	wrdreg s23  }
0x1c: {  	s26 =	sadd.s32 s24, s9;
	s11 =	sadd.s32 s24, s5;
	[dreg:$0x17] =	wrdreg s8  }
0x1d: {  	s15 =	sadd.s32 $0x70, s14;
	s7 =	sadd.s32 $0x70, s17;
	[dreg:$0x8] =	wrdreg s26  }
0x1e: {  	s9 =	sadd.s32 s10, s9;
	s19 =	sadd.s32 s6, s18;
	[dreg:$0x9] =	wrdreg s11  }
0x1f: {  	s5 =	sadd.s32 s10, s5;
	s20 =	sadd.s32 $0x8000, s25;
	[dreg:$0xa] =	wrdreg s15  }
0x20: {  	s22 =	sadd.s32 $0xC000, s25;
	s23 =	sadd.s32 $0x10000, s25;
	[dreg:$0xb] =	wrdreg s7  }
0x21: {  	s8 =	sshrl.u32 s16, $0x3;
	[dreg:$0xc] =	wrdreg s9;
	s24 =	sadd.s32 s6, s22  }
0x22: {  	[dreg:$0xd] =	wrdreg s5;
	s7 =	sadd.s32 s23, s3;
	s8 =	sadd.s32 s0, s8  }
0x23: {  	s12 =	sshrl.u32 s24, $0x3;
	s10 =	sshrl.u32 s7, $0x3;
	[dreg:$0x1a] =	wrdreg s8  }
0x24: {  	s26 =	sshrl.u32 s13, $0x2;
	s25 =	sadd.s32 s0, s12;
	[smem:$0x7ED] =	sst s10  }
0x25: {  	s8 =	sshrl.u32 s19, $0x3;
	s12 =	sadd.s32 s26, s3;
	[dreg:$0x1d] =	wrdreg s25  }
0x26: {  	s8 =	sadd.s32 s0, s8;
	[smem:$0x7FD] =	sst s12  }
0x27: {  	s11 =	sadd.s32 $0x1400, s12;
	[dreg:$0x1b] =	wrdreg s8  }
0x28: {  	s28 =	simm.s32 $0x600;
	s13 =	sadd.s32 $0x2800, s12;
	[smem:$0x7EE] =	sst s11  }
0x29: {  	s30 =	simm.s32 $0x1;
	s14 =	sadd.s32 $0x3C00, s12;
	[smem:$0x7EF] =	sst s13  }
0x2a: {  	s31 =	simm.s32 $0x28;
	s15 =	sadd.s32 $0x5000, s12;
	[smem:$0x7F0] =	sst s14  }
0x2b: {  	s29 =	simm.s32 $0x7;
	s16 =	sadd.s32 $0x6400, s12;
	[smem:$0x7F1] =	sst s15  }
0x2c: {  	s1 =	sadd.s32 s18, s3;
	s17 =	sadd.s32 $0x7800, s12;
	[smem:$0x7F2] =	sst s16  }
0x2d: {  	s21 =	sadd.s32 s6, s20;
	s18 =	sadd.s32 $0x8C00, s12;
	[smem:$0x7F3] =	sst s17  }
0x2e: {  	s6 =	sadd.s32 s6, s23;
	s19 =	sadd.s32 $0xA000, s12;
	[smem:$0x7F4] =	sst s18  }
0x2f: {  	s5 =	sadd.s32 s20, s3;
	s20 =	sadd.s32 $0xB400, s12;
	[smem:$0x7F5] =	sst s19  }
0x30: {  	s6 =	sshrl.u32 s6, $0x3;
	s23 =	sadd.s32 $0xF000, s12;
	[smem:$0x7F6] =	sst s20  }
0x31: {  	s7 =	simm.s32 $0x4;
	s24 =	sadd.s32 $0x10400, s12;
	[smem:$0x7F9] =	sst s23  }
0x32: {  	s10 =	simm.s32 $0x80;
	s25 =	sadd.s32 $0x11800, s12;
	[smem:$0x7FA] =	sst s24  }
0x33: {  	s26 =	sadd.s32 $0x12C00, s12;
	s8 =	sshrl.u32 s21, $0x3;
	[smem:$0x7FB] =	sst s25  }
0x34: {  	s21 =	sadd.s32 $0xC800, s12;
	[smem:$0x7FC] =	sst s26;
	s13 =	simm.s32 $0x700  }
0x35: {  	s23 =	simm.s32 $0x16;
	s11 =	simm.s32 $0x400;
	s17 =	simm.s32 $0x100  }
0x36: {  	s16 =	simm.s32 $0x480;
	s20 =	simm.s32 $0x180;
	s18 =	simm.s32 $0x500  }
0x37: {  	s15 =	simm.s32 $0x580;
	s8 =	sadd.s32 s0, s8;
	[smem:$0x7F7] =	sst s21  }
0x38: {  	s19 =	simm.s32 $0x280;
	s0 =	sadd.s32 s0, s6;
	[dreg:$0x1c] =	wrdreg s8  }
0x39: {  	s6 =	sadd.s32 s22, s3;
	s22 =	sadd.s32 $0xDC00, s12;
	[dreg:$0x1e] =	wrdreg s0  }
0x3a: {  	s14 =	simm.s32 $0x6;
	s0 =	sshrl.u32 s1, $0x3;
	[smem:$0x7F8] =	sst s22  }
0x3b: {  	s8 =	sshrl.u32 s5, $0x3;
	s9 =	sshrl.u32 s6, $0x3;
	[smem:$0x7EA] =	sst s0  }
0x3c: {  	s5 =	simm.s32 $0x3;
	s1 =	simm.s32 $0x0;
	[smem:$0x7EB] =	sst s8  }
0x3d: {  	v0 =	vimm.f32 $0.0e+00;
	[smem:$0x7EC] =	sst s9;
	s0 =	simm.s32 $0x2;
	s9 =	simm.s32 $0x5  }
.LBB2_1:
0x3e: {  	[smem:$0x7E9] =	sst s1;
	s6 =	simm.s32 $0x0;
	s8 =	simm.s32 $0x200  }
.LBB2_2:
0x3f: {  	p0 =	sne.s32 s8, $0x4E00;
	[tilespmem:s6+$0x770] =	vst v0  }
0x40: {  	[tilespmem:s6+$0x700] =	vst v0  }
0x41: {  	[tilespmem:s6+$0x710] =	vst v0  }
.Ltmp0:
0x42: {  	[tilespmem:s6+$0x720] =	vst v0;
	(pc) =	sbr.rel @p0 .LBB2_2-.Ltmp0, $4  }
0x43: {  	[tilespmem:s6+$0x730] =	vst v0  }
0x44: {  	[tilespmem:s6+$0x740] =	vst v0  }
0x45: {  	[tilespmem:s6+$0x750] =	vst v0  }
0x46: {  	[tilespmem:s6+$0x760] =	vst v0;
	s6 =	sshra.s32 s8, $0x2;
	s8 =	sadd.s32 $0x200, s8  }
0x47: {  	[tilespmem:s6+$0x770] =	vst v0  }
0x48: {  	[tilespmem:s6+$0x700] =	vst v0  }
0x49: {  	[tilespmem:s6+$0x710] =	vst v0  }
0x4a: {  	[tilespmem:s6+$0x720] =	vst v0  }
0x4b: {  	[tilespmem:s6+$0x730] =	vst v0  }
0x4c: {  	[tilespmem:s6+$0x740] =	vst v0  }
0x4d: {  	[tilespmem:s6+$0x750] =	vst v0  }
0x4e: {  	[tilespmem:s6+$0x760] =	vst v0  }
0x4f: {  	[spmem:s12] =	stream.linear.scatter [tilespmem:s13], [sflag:$0x16], $0x1400, $0x38;
	[tilespmem:$0x1D300] =	vst v63  }
0x50: {  	_ =	swait.ge [sflag:s23], $0x1400  }
0x51: {  	s25 =	sld [smem:$0x7EE]  }
0x52: {  	[sflag:s23] =	ssyncset.done $0x0  }
0x53: {  	[sflag:s23] =	ssyncadd.s32 $0xFFFFEC00  }
0x54: {  	[spmem:s25] =	stream.linear.scatter [tilespmem:s13], [sflag:$0x16], $0x1400, $0x38;
	[tilespmem:$0x1D300] =	vst v63  }
0x55: {  	_ =	swait.ge [sflag:s23], $0x1400  }
0x56: {  	s26 =	sld [smem:$0x7EF]  }
0x57: {  	[sflag:s23] =	ssyncset.done $0x0  }
0x58: {  	[sflag:s23] =	ssyncadd.s32 $0xFFFFEC00  }
0x59: {  	[spmem:s26] =	stream.linear.scatter [tilespmem:s13], [sflag:$0x16], $0x1400, $0x38;
	[tilespmem:$0x1D300] =	vst v63  }
0x5a: {  	_ =	swait.ge [sflag:s23], $0x1400  }
0x5b: {  	s1 =	sld [smem:$0x7F0]  }
0x5c: {  	[sflag:s23] =	ssyncset.done $0x0  }
0x5d: {  	[sflag:s23] =	ssyncadd.s32 $0xFFFFEC00  }
0x5e: {  	[spmem:s1] =	stream.linear.scatter [tilespmem:s13], [sflag:$0x16], $0x1400, $0x38;
	[tilespmem:$0x1D300] =	vst v63  }
0x5f: {  	_ =	swait.ge [sflag:s23], $0x1400  }
0x60: {  	s8 =	sld [smem:$0x7F1]  }
0x61: {  	[sflag:s23] =	ssyncset.done $0x0  }
0x62: {  	[sflag:s23] =	ssyncadd.s32 $0xFFFFEC00  }
0x63: {  	[spmem:s8] =	stream.linear.scatter [tilespmem:s13], [sflag:$0x16], $0x1400, $0x38;
	[tilespmem:$0x1D300] =	vst v63  }
0x64: {  	_ =	swait.ge [sflag:s23], $0x1400  }
0x65: {  	s12 =	sld [smem:$0x7F2]  }
0x66: {  	[sflag:s23] =	ssyncset.done $0x0  }
0x67: {  	[sflag:s23] =	ssyncadd.s32 $0xFFFFEC00  }
0x68: {  	[spmem:s12] =	stream.linear.scatter [tilespmem:s13], [sflag:$0x16], $0x1400, $0x38;
	[tilespmem:$0x1D300] =	vst v63  }
0x69: {  	_ =	swait.ge [sflag:s23], $0x1400  }
0x6a: {  	s21 =	sld [smem:$0x7F3]  }
0x6b: {  	[sflag:s23] =	ssyncset.done $0x0  }
0x6c: {  	[sflag:s23] =	ssyncadd.s32 $0xFFFFEC00  }
0x6d: {  	[spmem:s21] =	stream.linear.scatter [tilespmem:s13], [sflag:$0x16], $0x1400, $0x38;
	[tilespmem:$0x1D300] =	vst v63  }
0x6e: {  	_ =	swait.ge [sflag:s23], $0x1400  }
0x6f: {  	s22 =	sld [smem:$0x7F4]  }
0x70: {  	[sflag:s23] =	ssyncset.done $0x0  }
0x71: {  	[sflag:s23] =	ssyncadd.s32 $0xFFFFEC00  }
0x72: {  	[spmem:s22] =	stream.linear.scatter [tilespmem:s13], [sflag:$0x16], $0x1400, $0x38;
	[tilespmem:$0x1D300] =	vst v63  }
0x73: {  	_ =	swait.ge [sflag:s23], $0x1400  }
0x74: {  	s24 =	sld [smem:$0x7F5]  }
0x75: {  	[sflag:s23] =	ssyncset.done $0x0  }
0x76: {  	[sflag:s23] =	ssyncadd.s32 $0xFFFFEC00  }
0x77: {  	[spmem:s24] =	stream.linear.scatter [tilespmem:s13], [sflag:$0x16], $0x1400, $0x38;
	[tilespmem:$0x1D300] =	vst v63  }
0x78: {  	_ =	swait.ge [sflag:s23], $0x1400  }
0x79: {  	s25 =	sld [smem:$0x7F6]  }
0x7a: {  	[sflag:s23] =	ssyncset.done $0x0  }
0x7b: {  	[sflag:s23] =	ssyncadd.s32 $0xFFFFEC00  }
0x7c: {  	[spmem:s25] =	stream.linear.scatter [tilespmem:s13], [sflag:$0x16], $0x1400, $0x38;
	[tilespmem:$0x1D300] =	vst v63  }
0x7d: {  	_ =	swait.ge [sflag:s23], $0x1400  }
0x7e: {  	s26 =	sld [smem:$0x7F7]  }
0x7f: {  	[sflag:s23] =	ssyncset.done $0x0  }
0x80: {  	[sflag:s23] =	ssyncadd.s32 $0xFFFFEC00  }
0x81: {  	[spmem:s26] =	stream.linear.scatter [tilespmem:s13], [sflag:$0x16], $0x1400, $0x38;
	[tilespmem:$0x1D300] =	vst v63  }
0x82: {  	_ =	swait.ge [sflag:s23], $0x1400  }
0x83: {  	s1 =	sld [smem:$0x7F8]  }
0x84: {  	[sflag:s23] =	ssyncset.done $0x0  }
0x85: {  	[sflag:s23] =	ssyncadd.s32 $0xFFFFEC00  }
0x86: {  	[spmem:s1] =	stream.linear.scatter [tilespmem:s13], [sflag:$0x16], $0x1400, $0x38;
	[tilespmem:$0x1D300] =	vst v63  }
0x87: {  	_ =	swait.ge [sflag:s23], $0x1400  }
0x88: {  	s8 =	sld [smem:$0x7F9]  }
0x89: {  	[sflag:s23] =	ssyncset.done $0x0  }
0x8a: {  	[sflag:s23] =	ssyncadd.s32 $0xFFFFEC00  }
0x8b: {  	[spmem:s8] =	stream.linear.scatter [tilespmem:s13], [sflag:$0x16], $0x1400, $0x38;
	[tilespmem:$0x1D300] =	vst v63  }
0x8c: {  	_ =	swait.ge [sflag:s23], $0x1400  }
0x8d: {  	s12 =	sld [smem:$0x7FA]  }
0x8e: {  	[sflag:s23] =	ssyncset.done $0x0  }
0x8f: {  	[sflag:s23] =	ssyncadd.s32 $0xFFFFEC00  }
0x90: {  	[spmem:s12] =	stream.linear.scatter [tilespmem:s13], [sflag:$0x16], $0x1400, $0x38;
	[tilespmem:$0x1D300] =	vst v63  }
0x91: {  	_ =	swait.ge [sflag:s23], $0x1400  }
0x92: {  	s21 =	sld [smem:$0x7FB]  }
0x93: {  	[sflag:s23] =	ssyncset.done $0x0  }
0x94: {  	[sflag:s23] =	ssyncadd.s32 $0xFFFFEC00  }
0x95: {  	[spmem:s21] =	stream.linear.scatter [tilespmem:s13], [sflag:$0x16], $0x1400, $0x38;
	[tilespmem:$0x1D300] =	vst v63  }
0x96: {  	_ =	swait.ge [sflag:s23], $0x1400  }
0x97: {  	s22 =	sld [smem:$0x7FC]  }
0x98: {  	[sflag:s23] =	ssyncset.done $0x0  }
0x99: {  	[sflag:s23] =	ssyncadd.s32 $0xFFFFEC00  }
0x9a: {  	[spmem:s22] =	stream.linear.scatter [tilespmem:s13], [sflag:$0x16], $0x1400, $0x38;
	[tilespmem:$0x1D300] =	vst v63  }
0x9b: {  	_ =	swait.ge [sflag:s23], $0x1400  }
0x9c: {  	[sflag:s23] =	ssyncset.done $0x0  }
0x9d: {  	[sflag:s23] =	ssyncadd.s32 $0xFFFFEC00  }
0x9e: {  	[bflag:$0x0] =	sbarrier.arrive $0xFFFF  }
0x9f: {  	s6 =	simm.s32 $0x0;
	s8 =	rddreg [dreg:$0xe]  }
0xa0: {  	[tilespmem:s6], [sflag:$0x1] =	stream.linear.gather [hbm4b:s8+s6], $0x80, $0x38;
	[tilespmem:$0x1D300] =	vst v63  }
0xa1: {  	s23 =	simm.s32 $0x380;
	s24 =	rddreg [dreg:$0xf]  }
0xa2: {  	[tilespmem:s23], [sflag:$0x1] =	stream.linear.gather [hbm4b:s24+s6], $0x80, $0x38;
	[tilespmem:$0x1D300] =	vst v63  }
0xa3: {  	s25 =	rddreg [dreg:$0x10]  }
0xa4: {  	[tilespmem:s10], [sflag:$0x2] =	stream.linear.gather [hbm4b:s25+s6], $0x80, $0x38;
	[tilespmem:$0x1D300] =	vst v63  }
0xa5: {  	s26 =	rddreg [dreg:$0x11]  }
0xa6: {  	[tilespmem:s11], [sflag:$0x2] =	stream.linear.gather [hbm4b:s26+s6], $0x80, $0x38;
	[tilespmem:$0x1D300] =	vst v63  }
0xa7: {  	s1 =	rddreg [dreg:$0x12]  }
0xa8: {  	[tilespmem:s17], [sflag:$0x3] =	stream.linear.gather [hbm4b:s1+s6], $0x80, $0x38;
	[tilespmem:$0x1D300] =	vst v63  }
0xa9: {  	s12 =	rddreg [dreg:$0x13]  }
0xaa: {  	[tilespmem:s16], [sflag:$0x3] =	stream.linear.gather [hbm4b:s12+s6], $0x80, $0x38;
	[tilespmem:$0x1D300] =	vst v63  }
0xab: {  	s21 =	rddreg [dreg:$0x14]  }
0xac: {  	[tilespmem:s20], [sflag:$0x4] =	stream.linear.gather [hbm4b:s21+s6], $0x80, $0x38;
	[tilespmem:$0x1D300] =	vst v63  }
0xad: {  	s22 =	rddreg [dreg:$0x15]  }
0xae: {  	[tilespmem:s18], [sflag:$0x4] =	stream.linear.gather [hbm4b:s22+s6], $0x80, $0x38;
	[tilespmem:$0x1D300] =	vst v63  }
0xaf: {  	s24 =	rddreg [dreg:$0x16];
	s12 =	simm.s32 $0x200  }
0xb0: {  	[tilespmem:s12], [sflag:$0x5] =	stream.linear.gather [hbm4b:s24+s6], $0x80, $0x38;
	[tilespmem:$0x1D300] =	vst v63  }
0xb1: {  	s25 =	rddreg [dreg:$0x17]  }
0xb2: {  	[tilespmem:s15], [sflag:$0x5] =	stream.linear.gather [hbm4b:s25+s6], $0x80, $0x38;
	[tilespmem:$0x1D300] =	vst v63  }
0xb3: {  	s26 =	rddreg [dreg:$0x18]  }
0xb4: {  	[tilespmem:s19], [sflag:$0x6] =	stream.linear.gather [hbm4b:s26+s6], $0x80, $0x38;
	[tilespmem:$0x1D300] =	vst v63  }
0xb5: {  	s1 =	rddreg [dreg:$0x19]  }
0xb6: {  	[tilespmem:s28], [sflag:$0x6] =	stream.linear.gather [hbm4b:s1+s6], $0x80, $0x38;
	[tilespmem:$0x1D300] =	vst v63  }
0xb7: {  	_ =	swait.ge [sflag:s30], $0x80  }
0xb8: {  	[sflag:s30] =	ssyncset.done $0x0  }
0xb9: {  	[sflag:s30] =	ssyncadd.s32 $0xFFFFFF80  }
0xba: {  	_ =	swait.ge [sflag:s30], $0x80  }
0xbb: {  	[sflag:s30] =	ssyncset.done $0x0  }
0xbc: {  	[sflag:s30] =	ssyncadd.s32 $0xFFFFFF80  }
0xbd: {  	[tilespmem:s13], [sflag:$0x8] =	stream.indirect.gather [hbm4b:s2+s31], $0x80, s6, s31, $0xb8;
	[tilespmem:$0x1D300] =	vst v63  }
0xbe: {  	_ =	swait.ge [sflag:s0], $0x80  }
0xbf: {  	[sflag:s0] =	ssyncset.done $0x0  }
0xc0: {  	[sflag:s0] =	ssyncadd.s32 $0xFFFFFF80  }
0xc1: {  	_ =	swait.ge [sflag:s0], $0x80  }
0xc2: {  	[sflag:s0] =	ssyncset.done $0x0  }
0xc3: {  	s1 =	simm.s32 $0x1B00;
	[sflag:s0] =	ssyncadd.s32 $0xFFFFFF80  }
0xc4: {  	[tilespmem:s1], [sflag:$0x9] =	stream.indirect.gather [hbm4b:s2+s31], $0x80, s10, s31, $0xb8;
	[tilespmem:$0x1D300] =	vst v63  }
0xc5: {  	_ =	swait.ge [sflag:s5], $0x80  }
0xc6: {  	[sflag:s5] =	ssyncset.done $0x0  }
0xc7: {  	[sflag:s5] =	ssyncadd.s32 $0xFFFFFF80  }
0xc8: {  	_ =	swait.ge [sflag:s5], $0x80  }
0xc9: {  	[sflag:s5] =	ssyncset.done $0x0  }
0xca: {  	s22 =	simm.s32 $0x2F00;
	[sflag:s5] =	ssyncadd.s32 $0xFFFFFF80  }
0xcb: {  	[tilespmem:s22], [sflag:$0xA] =	stream.indirect.gather [hbm4b:s2+s31], $0x80, s17, s31, $0xb8;
	[tilespmem:$0x1D300] =	vst v63  }
0xcc: {  	_ =	swait.ge [sflag:s7], $0x80  }
0xcd: {  	[sflag:s7] =	ssyncset.done $0x0  }
0xce: {  	[sflag:s7] =	ssyncadd.s32 $0xFFFFFF80  }
0xcf: {  	_ =	swait.ge [sflag:s7], $0x80  }
0xd0: {  	[sflag:s7] =	ssyncset.done $0x0  }
0xd1: {  	s21 =	simm.s32 $0x4300;
	[sflag:s7] =	ssyncadd.s32 $0xFFFFFF80  }
0xd2: {  	[tilespmem:s21], [sflag:$0xB] =	stream.indirect.gather [hbm4b:s2+s31], $0x80, s20, s31, $0xb8;
	[tilespmem:$0x1D300] =	vst v63  }
0xd3: {  	_ =	swait.ge [sflag:s9], $0x80  }
0xd4: {  	[sflag:s9] =	ssyncset.done $0x0  }
0xd5: {  	[sflag:s9] =	ssyncadd.s32 $0xFFFFFF80  }
0xd6: {  	_ =	swait.ge [sflag:s9], $0x80  }
0xd7: {  	[sflag:s9] =	ssyncset.done $0x0  }
0xd8: {  	s24 =	simm.s32 $0x8;
	s15 =	simm.s32 $0x5700;
	[sflag:s9] =	ssyncadd.s32 $0xFFFFFF80  }
0xd9: {  	[tilespmem:s15], [sflag:$0xC] =	stream.indirect.gather [hbm4b:s2+s31], $0x80, s12, s31, $0xb8;
	[tilespmem:$0x1D300] =	vst v63  }
0xda: {  	_ =	swait.ge [sflag:s24], $0x1400  }
0xdb: {  	p0 =	por $0x1, $0x1;
	[sflag:s24] =	ssyncset.done $0x0  }
0xdc: {  	s15 =	simm.s32 @!p0 $0x15;
	[sflag:s24] =	ssyncadd.s32 $0xFFFFEC00  }
0xdd: {  	[spmem:s3] =	stream.indirect.scatter.add.f32 [tilespmem:s13], [sflag:$0xF], $0x80, s23, s31, $0xb8;
	[tilespmem:$0x1D300] =	vst v63  }
0xde: {  	_ =	swait.ge @!p0 [sflag:s15], $0x1400  }
0xdf: {  	s24 =	simm.s32 $0x300;
	s25 =	rddreg [dreg:$0xd];
	[sflag:s15] =	ssyncset.done @!p0 $0x0  }
0xe0: {  	s26 =	rddreg [dreg:$0xc];
	[sflag:s15] =	ssyncadd.s32 @!p0 $0xFFFFEC00;
	s8 =	sadd.s32 $0x0, s25  }
0xe1: {  	[tilespmem:s24], [sflag:$0x7] =	stream.linear.gather [hbm4b:s8+s4], $0x80, $0x38;
	[tilespmem:$0x1D300] =	vst v63  }
0xe2: {  	s6 =	sadd.s32 $0x0, s26;
	s15 =	simm.s32 $0x680  }
0xe3: {  	[tilespmem:s15], [sflag:$0x7] =	stream.linear.gather [hbm4b:s6+s4], $0x80, $0x38;
	[tilespmem:$0x1D300] =	vst v63  }
0xe4: {  	_ =	swait.ge [sflag:s14], $0x80  }
0xe5: {  	[sflag:s14] =	ssyncset.done $0x0  }
0xe6: {  	[sflag:s14] =	ssyncadd.s32 $0xFFFFFF80  }
0xe7: {  	_ =	swait.ge [sflag:s14], $0x80  }
0xe8: {  	[sflag:s14] =	ssyncset.done $0x0  }
0xe9: {  	s26 =	simm.s32 $0x6B00;
	s25 =	simm.s32 $0x9;
	[sflag:s14] =	ssyncadd.s32 $0xFFFFFF80  }
0xea: {  	[tilespmem:s26], [sflag:$0xD] =	stream.indirect.gather [hbm4b:s2+s31], $0x80, s19, s31, $0xb8;
	[tilespmem:$0x1D300] =	vst v63  }
0xeb: {  	_ =	swait.ge [sflag:s25], $0x1400  }
0xec: {  	[sflag:s25] =	ssyncset.done $0x0  }
0xed: {  	s6 =	simm.s32 $0xF;
	[sflag:s25] =	ssyncadd.s32 $0xFFFFEC00  }
0xee: {  	[spmem:s3] =	stream.indirect.scatter.add.f32 [tilespmem:s1], [sflag:$0x10], $0x80, s11, s31, $0xb8;
	[tilespmem:$0x1D300] =	vst v63  }
0xef: {  	_ =	swait.ge [sflag:s6], $0x1400  }
0xf0: {  	s8 =	rddreg [dreg:$0xb];
	[sflag:s6] =	ssyncset.done $0x0  }
0xf1: {  	s19 =	rddreg [dreg:$0xa];
	[sflag:s6] =	ssyncadd.s32 $0xFFFFEC00;
	s6 =	sadd.s32 $0x0, s8  }
0xf2: {  	[tilespmem:s4], [sflag:$0x1] =	stream.linear.gather [hbm4b:s6+s4], $0x80, $0x38;
	[tilespmem:$0x1D300] =	vst v63  }
0xf3: {  	s19 =	sadd.s32 $0x0, s19  }
0xf4: {  	[tilespmem:s23], [sflag:$0x1] =	stream.linear.gather [hbm4b:s19+s4], $0x80, $0x38;
	[tilespmem:$0x1D300] =	vst v63  }
0xf5: {  	_ =	swait.ge [sflag:s29], $0x80  }
0xf6: {  	[sflag:s29] =	ssyncset.done $0x0  }
0xf7: {  	[sflag:s29] =	ssyncadd.s32 $0xFFFFFF80  }
0xf8: {  	_ =	swait.ge [sflag:s29], $0x80  }
0xf9: {  	[sflag:s29] =	ssyncset.done $0x0  }
0xfa: {  	s19 =	simm.s32 $0x7F00;
	[sflag:s29] =	ssyncadd.s32 $0xFFFFFF80  }
0xfb: {  	[tilespmem:s19], [sflag:$0xE] =	stream.indirect.gather [hbm4b:s2+s31], $0x80, s24, s31, $0xb8;
	[tilespmem:$0x1D300] =	vst v63  }
0xfc: {  	s24 =	simm.s32 $0xA  }
0xfd: {  	_ =	swait.ge [sflag:s24], $0x1400  }
0xfe: {  	[sflag:s24] =	ssyncset.done $0x0  }
0xff: {  	s6 =	simm.s32 $0x10;
	[sflag:s24] =	ssyncadd.s32 $0xFFFFEC00  }
0x100: {  	[spmem:s3] =	stream.indirect.scatter.add.f32 [tilespmem:s22], [sflag:$0x11], $0x80, s16, s31, $0xb8;
	[tilespmem:$0x1D300] =	vst v63  }
0x101: {  	_ =	swait.ge [sflag:s6], $0x1400  }
0x102: {  	s8 =	rddreg [dreg:$0x9];
	[sflag:s6] =	ssyncset.done $0x0  }
0x103: {  	s24 =	rddreg [dreg:$0x8];
	[sflag:s6] =	ssyncadd.s32 $0xFFFFEC00;
	s6 =	sadd.s32 $0x0, s8  }
0x104: {  	[tilespmem:s10], [sflag:$0x2] =	stream.linear.gather [hbm4b:s6+s4], $0x80, $0x38;
	[tilespmem:$0x1D300] =	vst v63  }
0x105: {  	s8 =	sadd.s32 $0x0, s24  }
0x106: {  	[tilespmem:s11], [sflag:$0x2] =	stream.linear.gather [hbm4b:s8+s4], $0x80, $0x38;
	[tilespmem:$0x1D300] =	vst v63  }
0x107: {  	_ =	swait.ge [sflag:s30], $0x80  }
0x108: {  	[sflag:s30] =	ssyncset.done $0x0  }
0x109: {  	[sflag:s30] =	ssyncadd.s32 $0xFFFFFF80  }
0x10a: {  	_ =	swait.ge [sflag:s30], $0x80  }
0x10b: {  	[sflag:s30] =	ssyncset.done $0x0  }
0x10c: {  	s15 =	simm.s32 $0xB;
	[sflag:s30] =	ssyncadd.s32 $0xFFFFFF80  }
0x10d: {  	[tilespmem:s13], [sflag:$0x8] =	stream.indirect.gather [hbm4b:s2+s31], $0x80, s4, s31, $0xb8;
	[tilespmem:$0x1D300] =	vst v63  }
0x10e: {  	_ =	swait.ge [sflag:s15], $0x1400  }
0x10f: {  	[sflag:s15] =	ssyncset.done $0x0  }
0x110: {  	s24 =	simm.s32 $0x11;
	[sflag:s15] =	ssyncadd.s32 $0xFFFFEC00  }
0x111: {  	[spmem:s3] =	stream.indirect.scatter.add.f32 [tilespmem:s21], [sflag:$0x12], $0x80, s18, s31, $0xb8;
	[tilespmem:$0x1D300] =	vst v63  }
0x112: {  	_ =	swait.ge [sflag:s24], $0x1400  }
0x113: {  	[sflag:s24] =	ssyncset.done $0x0  }
0x114: {  	s6 =	sadd.s32 $0x10, s6;
	[sflag:s24] =	ssyncadd.s32 $0xFFFFEC00  }
0x115: {  	[tilespmem:s17], [sflag:$0x3] =	stream.linear.gather [hbm4b:s6+s4], $0x80, $0x38;
	[tilespmem:$0x1D300] =	vst v63  }
0x116: {  	s8 =	sadd.s32 $0x10, s8  }
0x117: {  	[tilespmem:s16], [sflag:$0x3] =	stream.linear.gather [hbm4b:s8+s4], $0x80, $0x38;
	[tilespmem:$0x1D300] =	vst v63  }
0x118: {  	_ =	swait.ge [sflag:s0], $0x80  }
0x119: {  	[sflag:s0] =	ssyncset.done $0x0  }
0x11a: {  	[sflag:s0] =	ssyncadd.s32 $0xFFFFFF80  }
0x11b: {  	_ =	swait.ge [sflag:s0], $0x80  }
0x11c: {  	[sflag:s0] =	ssyncset.done $0x0  }
0x11d: {  	[sflag:s0] =	ssyncadd.s32 $0xFFFFFF80  }
0x11e: {  	[tilespmem:s1], [sflag:$0x9] =	stream.indirect.gather [hbm4b:s2+s31], $0x80, s10, s31, $0xb8;
	[tilespmem:$0x1D300] =	vst v63  }
0x11f: {  	s10 =	simm.s32 $0xC  }
0x120: {  	_ =	swait.ge [sflag:s10], $0x1400  }
0x121: {  	s25 =	simm.s32 $0x580;
	[sflag:s10] =	ssyncset.done $0x0  }
0x122: {  	s11 =	simm.s32 $0x12;
	s21 =	simm.s32 $0x5700;
	[sflag:s10] =	ssyncadd.s32 $0xFFFFEC00  }
0x123: {  	[spmem:s3] =	stream.indirect.scatter.add.f32 [tilespmem:s21], [sflag:$0x13], $0x80, s25, s31, $0xb8;
	[tilespmem:$0x1D300] =	vst v63  }
0x124: {  	_ =	swait.ge [sflag:s11], $0x1400  }
0x125: {  	s15 =	rddreg [dreg:$0x7];
	[sflag:s11] =	ssyncset.done $0x0  }
0x126: {  	s16 =	rddreg [dreg:$0x6];
	[sflag:s11] =	ssyncadd.s32 $0xFFFFEC00;
	s6 =	sadd.s32 $0x0, s15  }
0x127: {  	[tilespmem:s20], [sflag:$0x4] =	stream.linear.gather [hbm4b:s6+s4], $0x80, $0x38;
	[tilespmem:$0x1D300] =	vst v63  }
0x128: {  	s8 =	sadd.s32 $0x0, s16  }
0x129: {  	[tilespmem:s18], [sflag:$0x4] =	stream.linear.gather [hbm4b:s8+s4], $0x80, $0x38;
	[tilespmem:$0x1D300] =	vst v63  }
0x12a: {  	_ =	swait.ge [sflag:s5], $0x80  }
0x12b: {  	[sflag:s5] =	ssyncset.done $0x0  }
0x12c: {  	[sflag:s5] =	ssyncadd.s32 $0xFFFFFF80  }
0x12d: {  	_ =	swait.ge [sflag:s5], $0x80  }
0x12e: {  	[sflag:s5] =	ssyncset.done $0x0  }
0x12f: {  	s18 =	simm.s32 $0xD;
	[sflag:s5] =	ssyncadd.s32 $0xFFFFFF80  }
0x130: {  	[tilespmem:s22], [sflag:$0xA] =	stream.indirect.gather [hbm4b:s2+s31], $0x80, s17, s31, $0xb8;
	[tilespmem:$0x1D300] =	vst v63  }
0x131: {  	_ =	swait.ge [sflag:s18], $0x1400  }
0x132: {  	[sflag:s18] =	ssyncset.done $0x0  }
0x133: {  	s24 =	simm.s32 $0x13;
	[sflag:s18] =	ssyncadd.s32 $0xFFFFEC00  }
0x134: {  	[spmem:s3] =	stream.indirect.scatter.add.f32 [tilespmem:s26], [sflag:$0x14], $0x80, s28, s31, $0xb8;
	[tilespmem:$0x1D300] =	vst v63  }
0x135: {  	_ =	swait.ge [sflag:s24], $0x1400  }
0x136: {  	[sflag:s24] =	ssyncset.done $0x0  }
0x137: {  	s6 =	sadd.s32 $0x10, s6;
	[sflag:s24] =	ssyncadd.s32 $0xFFFFEC00  }
0x138: {  	[tilespmem:s12], [sflag:$0x5] =	stream.linear.gather [hbm4b:s6+s4], $0x80, $0x38;
	[tilespmem:$0x1D300] =	vst v63  }
0x139: {  	s26 =	sadd.s32 $0x10, s8  }
0x13a: {  	[tilespmem:s25], [sflag:$0x5] =	stream.linear.gather [hbm4b:s26+s4], $0x80, $0x38;
	[tilespmem:$0x1D300] =	vst v63  }
0x13b: {  	_ =	swait.ge [sflag:s7], $0x80  }
0x13c: {  	[sflag:s7] =	ssyncset.done $0x0  }
0x13d: {  	[sflag:s7] =	ssyncadd.s32 $0xFFFFFF80  }
0x13e: {  	_ =	swait.ge [sflag:s7], $0x80  }
0x13f: {  	[sflag:s7] =	ssyncset.done $0x0  }
0x140: {  	s22 =	simm.s32 $0x4300;
	s18 =	simm.s32 $0xE;
	[sflag:s7] =	ssyncadd.s32 $0xFFFFFF80  }
0x141: {  	[tilespmem:s22], [sflag:$0xB] =	stream.indirect.gather [hbm4b:s2+s31], $0x80, s20, s31, $0xb8;
	[tilespmem:$0x1D300] =	vst v63  }
0x142: {  	_ =	swait.ge [sflag:s18], $0x1400  }
0x143: {  	p0 =	por $0x0, $0x0;
	[sflag:s18] =	ssyncset.done $0x0  }
0x144: {  	s28 =	simm.s32 $0x680;
	s22 =	simm.s32 $0x14;
	[sflag:s18] =	ssyncadd.s32 $0xFFFFEC00  }
0x145: {  	[spmem:s3] =	stream.indirect.scatter.add.f32 [tilespmem:s19], [sflag:$0x15], $0x80, s28, s31, $0xb8;
	[tilespmem:$0x1D300] =	vst v63  }
0x146: {  	s1 =	simm.s32 @!p0 $0x0;
	_ =	swait.ge [sflag:s22], $0x1400  }
0x147: {  	s8 =	simm.s32 @!p0 $0x280;
	s6 =	rddreg [dreg:$0x5];
	[sflag:s22] =	ssyncset.done $0x0  }
0x148: {  	s0 =	rddreg [dreg:$0x4];
	[sflag:s22] =	ssyncadd.s32 $0xFFFFEC00;
	s6 =	sadd.s32 @!p0 $0x0, s6  }
0x149: {  	[tilespmem:s8], [sflag:$0x6] =	stream.linear.gather @!p0 [hbm4b:s6+s1], $0x80, $0x38;
	[tilespmem:$0x1D300] =	vst v63  }
0x14a: {  	s6 =	sadd.s32 @!p0 $0x0, s0;
	s8 =	simm.s32 @!p0 $0x600  }
0x14b: {  	[tilespmem:s8], [sflag:$0x6] =	stream.linear.gather @!p0 [hbm4b:s6+s1], $0x80, $0x38;
	[tilespmem:$0x1D300] =	vst v63  }
0x14c: {  	_ =	swait.ge [sflag:s9], $0x80  }
0x14d: {  	[sflag:s9] =	ssyncset.done $0x0  }
0x14e: {  	[sflag:s9] =	ssyncadd.s32 $0xFFFFFF80  }
0x14f: {  	_ =	swait.ge [sflag:s9], $0x80  }
0x150: {  	s17 =	simm.s32 $0x2;
	s6 =	simm.s32 $0x70;
	[sflag:s9] =	ssyncset.done $0x0  }
.LBB2_4:
0x151: {  	[sflag:s9] =	ssyncadd.s32 $0xFFFFFF80;
	s1 =	simm.s32 $0x8  }
0x152: {  	[tilespmem:s21], [sflag:$0xC] =	stream.indirect.gather [hbm4b:s2+s31], $0x80, s12, s31, $0xb8;
	[tilespmem:$0x1D300] =	vst v63  }
0x153: {  	s8 =	smov.u32 s6;
	_ =	swait.ge [sflag:s1], $0x1400  }
0x154: {  	p1 =	seq.s32 s8, $0x0;
	[sflag:s1] =	ssyncset.done $0x0  }
0x155: {  	s10 =	simm.s32 @!p1 $0x15;
	[sflag:s1] =	ssyncadd.s32 $0xFFFFEC00  }
0x156: {  	[spmem:s3] =	stream.indirect.scatter.add.f32 [tilespmem:s13], [sflag:$0xF], $0x80, s23, s31, $0xb8;
	[tilespmem:$0x1D300] =	vst v63  }
0x157: {  	_ =	swait.ge @!p1 [sflag:s10], $0x1400  }
0x158: {  	s25 =	simm.s32 $0x300;
	[sflag:s10] =	ssyncset.done @!p1 $0x0;
	s1 =	rddreg [dreg:$0xd]  }
0x159: {  	s5 =	rddreg [dreg:$0xc];
	[sflag:s10] =	ssyncadd.s32 @!p1 $0xFFFFEC00;
	s12 =	sadd.s32 s8, s1  }
0x15a: {  	[tilespmem:s25], [sflag:$0x7] =	stream.linear.gather [hbm4b:s12+s4], $0x80, $0x38;
	[tilespmem:$0x1D300] =	vst v63  }
0x15b: {  	s26 =	simm.s32 $0x680;
	s10 =	sadd.s32 s8, s5  }
0x15c: {  	[tilespmem:s26], [sflag:$0x7] =	stream.linear.gather [hbm4b:s10+s4], $0x80, $0x38;
	[tilespmem:$0x1D300] =	vst v63  }
0x15d: {  	_ =	swait.ge [sflag:s14], $0x80  }
0x15e: {  	[sflag:s14] =	ssyncset.done $0x0  }
0x15f: {  	[sflag:s14] =	ssyncadd.s32 $0xFFFFFF80  }
0x160: {  	_ =	swait.ge [sflag:s14], $0x80  }
0x161: {  	s15 =	simm.s32 $0x6B00;
	[sflag:s14] =	ssyncset.done $0x0  }
0x162: {  	s11 =	simm.s32 $0x280;
	s12 =	simm.s32 $0x9;
	[sflag:s14] =	ssyncadd.s32 $0xFFFFFF80  }
0x163: {  	[tilespmem:s15], [sflag:$0xD] =	stream.indirect.gather [hbm4b:s2+s31], $0x80, s11, s31, $0xb8;
	[tilespmem:$0x1D300] =	vst v63  }
0x164: {  	_ =	swait.ge [sflag:s12], $0x1400  }
0x165: {  	s24 =	simm.s32 $0x1B00;
	[sflag:s12] =	ssyncset.done $0x0  }
0x166: {  	s16 =	simm.s32 $0xF;
	s11 =	simm.s32 $0x400;
	[sflag:s12] =	ssyncadd.s32 $0xFFFFEC00  }
0x167: {  	[spmem:s3] =	stream.indirect.scatter.add.f32 [tilespmem:s24], [sflag:$0x10], $0x80, s11, s31, $0xb8;
	[tilespmem:$0x1D300] =	vst v63  }
0x168: {  	_ =	swait.ge [sflag:s16], $0x1400  }
0x169: {  	s19 =	rddreg [dreg:$0xb];
	[sflag:s16] =	ssyncset.done $0x0  }
0x16a: {  	s0 =	rddreg [dreg:$0xa];
	[sflag:s16] =	ssyncadd.s32 $0xFFFFEC00;
	s10 =	sadd.s32 s8, s19  }
0x16b: {  	[tilespmem:s4], [sflag:$0x1] =	stream.linear.gather [hbm4b:s10+s4], $0x80, $0x38;
	[tilespmem:$0x1D300] =	vst v63  }
0x16c: {  	s5 =	sadd.s32 s8, s0  }
0x16d: {  	[tilespmem:s23], [sflag:$0x1] =	stream.linear.gather [hbm4b:s5+s4], $0x80, $0x38;
	[tilespmem:$0x1D300] =	vst v63  }
0x16e: {  	_ =	swait.ge [sflag:s29], $0x80  }
0x16f: {  	[sflag:s29] =	ssyncset.done $0x0  }
0x170: {  	[sflag:s29] =	ssyncadd.s32 $0xFFFFFF80  }
0x171: {  	_ =	swait.ge [sflag:s29], $0x80  }
0x172: {  	[sflag:s29] =	ssyncset.done $0x0  }
0x173: {  	s19 =	simm.s32 $0x7F00;
	s10 =	simm.s32 $0xA;
	[sflag:s29] =	ssyncadd.s32 $0xFFFFFF80  }
0x174: {  	[tilespmem:s19], [sflag:$0xE] =	stream.indirect.gather [hbm4b:s2+s31], $0x80, s25, s31, $0xb8;
	[tilespmem:$0x1D300] =	vst v63  }
0x175: {  	_ =	swait.ge [sflag:s10], $0x1400  }
0x176: {  	s12 =	simm.s32 $0x10;
	[sflag:s10] =	ssyncset.done $0x0  }
0x177: {  	s23 =	simm.s32 $0x2F00;
	s25 =	simm.s32 $0x480;
	[sflag:s10] =	ssyncadd.s32 $0xFFFFEC00  }
0x178: {  	[spmem:s3] =	stream.indirect.scatter.add.f32 [tilespmem:s23], [sflag:$0x11], $0x80, s25, s31, $0xb8;
	[tilespmem:$0x1D300] =	vst v63  }
0x179: {  	_ =	swait.ge [sflag:s12], $0x1400  }
0x17a: {  	s5 =	simm.s32 $0x80;
	s16 =	rddreg [dreg:$0x9];
	[sflag:s12] =	ssyncset.done $0x0  }
0x17b: {  	s0 =	rddreg [dreg:$0x8];
	[sflag:s12] =	ssyncadd.s32 $0xFFFFEC00;
	s10 =	sadd.s32 s8, s16  }
0x17c: {  	[tilespmem:s5], [sflag:$0x2] =	stream.linear.gather [hbm4b:s10+s4], $0x80, $0x38;
	[tilespmem:$0x1D300] =	vst v63  }
0x17d: {  	s12 =	sadd.s32 s8, s0  }
0x17e: {  	[tilespmem:s11], [sflag:$0x2] =	stream.linear.gather [hbm4b:s12+s4], $0x80, $0x38;
	[tilespmem:$0x1D300] =	vst v63  }
0x17f: {  	_ =	swait.ge [sflag:s30], $0x80  }
0x180: {  	[sflag:s30] =	ssyncset.done $0x0  }
0x181: {  	[sflag:s30] =	ssyncadd.s32 $0xFFFFFF80  }
0x182: {  	_ =	swait.ge [sflag:s30], $0x80  }
0x183: {  	[sflag:s30] =	ssyncset.done $0x0  }
0x184: {  	s11 =	simm.s32 $0xB;
	[sflag:s30] =	ssyncadd.s32 $0xFFFFFF80  }
0x185: {  	[tilespmem:s13], [sflag:$0x8] =	stream.indirect.gather [hbm4b:s2+s31], $0x80, s4, s31, $0xb8;
	[tilespmem:$0x1D300] =	vst v63  }
0x186: {  	_ =	swait.ge [sflag:s11], $0x1400  }
0x187: {  	s21 =	simm.s32 $0x4300;
	[sflag:s11] =	ssyncset.done $0x0  }
0x188: {  	s13 =	simm.s32 $0x11;
	[sflag:s11] =	ssyncadd.s32 $0xFFFFEC00;
	s11 =	simm.s32 $0x500  }
0x189: {  	[spmem:s3] =	stream.indirect.scatter.add.f32 [tilespmem:s21], [sflag:$0x12], $0x80, s11, s31, $0xb8;
	[tilespmem:$0x1D300] =	vst v63  }
0x18a: {  	_ =	swait.ge [sflag:s13], $0x1400  }
0x18b: {  	[sflag:s13] =	ssyncset.done $0x0  }
0x18c: {  	s0 =	simm.s32 $0x100;
	s10 =	sadd.s32 $0x10, s10;
	[sflag:s13] =	ssyncadd.s32 $0xFFFFEC00  }
0x18d: {  	[tilespmem:s0], [sflag:$0x3] =	stream.linear.gather [hbm4b:s10+s4], $0x80, $0x38;
	[tilespmem:$0x1D300] =	vst v63  }
0x18e: {  	s12 =	sadd.s32 $0x10, s12  }
0x18f: {  	[tilespmem:s25], [sflag:$0x3] =	stream.linear.gather [hbm4b:s12+s4], $0x80, $0x38;
	[tilespmem:$0x1D300] =	vst v63  }
0x190: {  	_ =	swait.ge [sflag:s17], $0x80  }
0x191: {  	[sflag:s17] =	ssyncset.done $0x0  }
0x192: {  	[sflag:s17] =	ssyncadd.s32 $0xFFFFFF80  }
0x193: {  	_ =	swait.ge [sflag:s17], $0x80  }
0x194: {  	[sflag:s17] =	ssyncset.done $0x0  }
0x195: {  	s25 =	simm.s32 $0xC;
	[sflag:s17] =	ssyncadd.s32 $0xFFFFFF80  }
0x196: {  	[tilespmem:s24], [sflag:$0x9] =	stream.indirect.gather [hbm4b:s2+s31], $0x80, s5, s31, $0xb8;
	[tilespmem:$0x1D300] =	vst v63  }
0x197: {  	_ =	swait.ge [sflag:s25], $0x1400  }
0x198: {  	s21 =	simm.s32 $0x5700;
	[sflag:s25] =	ssyncset.done $0x0  }
0x199: {  	s13 =	simm.s32 $0x580;
	s10 =	simm.s32 $0x12;
	[sflag:s25] =	ssyncadd.s32 $0xFFFFEC00  }
0x19a: {  	[spmem:s3] =	stream.indirect.scatter.add.f32 [tilespmem:s21], [sflag:$0x13], $0x80, s13, s31, $0xb8;
	[tilespmem:$0x1D300] =	vst v63  }
0x19b: {  	_ =	swait.ge [sflag:s10], $0x1400  }
0x19c: {  	s30 =	simm.s32 $0x180;
	s12 =	rddreg [dreg:$0x7];
	[sflag:s10] =	ssyncset.done $0x0  }
0x19d: {  	s25 =	rddreg [dreg:$0x6];
	[sflag:s10] =	ssyncadd.s32 $0xFFFFEC00;
	s10 =	sadd.s32 s8, s12  }
0x19e: {  	[tilespmem:s30], [sflag:$0x4] =	stream.linear.gather [hbm4b:s10+s4], $0x80, $0x38;
	[tilespmem:$0x1D300] =	vst v63  }
0x19f: {  	s5 =	simm.s32 $0x3;
	s12 =	sadd.s32 s8, s25  }
0x1a0: {  	[tilespmem:s11], [sflag:$0x4] =	stream.linear.gather [hbm4b:s12+s4], $0x80, $0x38;
	[tilespmem:$0x1D300] =	vst v63  }
0x1a1: {  	_ =	swait.ge [sflag:s5], $0x80  }
0x1a2: {  	[sflag:s5] =	ssyncset.done $0x0  }
0x1a3: {  	[sflag:s5] =	ssyncadd.s32 $0xFFFFFF80  }
0x1a4: {  	_ =	swait.ge [sflag:s5], $0x80  }
0x1a5: {  	[sflag:s5] =	ssyncset.done $0x0  }
0x1a6: {  	[sflag:s5] =	ssyncadd.s32 $0xFFFFFF80  }
0x1a7: {  	[tilespmem:s23], [sflag:$0xA] =	stream.indirect.gather [hbm4b:s2+s31], $0x80, s0, s31, $0xb8;
	[tilespmem:$0x1D300] =	vst v63  }
0x1a8: {  	s23 =	simm.s32 $0xD  }
0x1a9: {  	_ =	swait.ge [sflag:s23], $0x1400  }
0x1aa: {  	[sflag:s23] =	ssyncset.done $0x0  }
0x1ab: {  	s11 =	simm.s32 $0x600;
	[sflag:s23] =	ssyncadd.s32 $0xFFFFEC00;
	s23 =	simm.s32 $0x13  }
0x1ac: {  	[spmem:s3] =	stream.indirect.scatter.add.f32 [tilespmem:s15], [sflag:$0x14], $0x80, s11, s31, $0xb8;
	[tilespmem:$0x1D300] =	vst v63  }
0x1ad: {  	_ =	swait.ge [sflag:s23], $0x1400  }
0x1ae: {  	[sflag:s23] =	ssyncset.done $0x0  }
0x1af: {  	s20 =	simm.s32 $0x200;
	s10 =	sadd.s32 $0x10, s10;
	[sflag:s23] =	ssyncadd.s32 $0xFFFFEC00  }
0x1b0: {  	[tilespmem:s20], [sflag:$0x5] =	stream.linear.gather [hbm4b:s10+s4], $0x80, $0x38;
	[tilespmem:$0x1D300] =	vst v63  }
0x1b1: {  	s12 =	sadd.s32 $0x10, s12  }
0x1b2: {  	[tilespmem:s13], [sflag:$0x5] =	stream.linear.gather [hbm4b:s12+s4], $0x80, $0x38;
	[tilespmem:$0x1D300] =	vst v63  }
0x1b3: {  	_ =	swait.ge [sflag:s7], $0x80  }
0x1b4: {  	[sflag:s7] =	ssyncset.done $0x0  }
0x1b5: {  	[sflag:s7] =	ssyncadd.s32 $0xFFFFFF80  }
0x1b6: {  	_ =	swait.ge [sflag:s7], $0x80  }
0x1b7: {  	[sflag:s7] =	ssyncset.done $0x0  }
0x1b8: {  	s20 =	simm.s32 $0x4300;
	[sflag:s7] =	ssyncadd.s32 $0xFFFFFF80  }
0x1b9: {  	[tilespmem:s20], [sflag:$0xB] =	stream.indirect.gather [hbm4b:s2+s31], $0x80, s30, s31, $0xb8;
	[tilespmem:$0x1D300] =	vst v63  }
0x1ba: {  	_ =	swait.ge [sflag:s18], $0x1400  }
0x1bb: {  	[sflag:s18] =	ssyncset.done $0x0  }
0x1bc: {  	s6 =	sadd.s32 $0x70, s6;
	p1 =	seq.s32 s8, $0xEE0;
	[sflag:s18] =	ssyncadd.s32 $0xFFFFEC00  }
0x1bd: {  	[spmem:s3] =	stream.indirect.scatter.add.f32 [tilespmem:s19], [sflag:$0x15], $0x80, s26, s31, $0xb8;
	[tilespmem:$0x1D300] =	vst v63  }
0x1be: {  	s28 =	simm.s32 $0x480;
	s23 =	simm.s32 @!p1 $0x280;
	_ =	swait.ge [sflag:s22], $0x1400  }
0x1bf: {  	s13 =	simm.s32 @!p1 $0x0;
	s10 =	rddreg [dreg:$0x5];
	[sflag:s22] =	ssyncset.done $0x0  }
0x1c0: {  	s12 =	rddreg [dreg:$0x4];
	[sflag:s22] =	ssyncadd.s32 $0xFFFFEC00;
	s10 =	sadd.s32 @!p1 s8, s10  }
0x1c1: {  	[tilespmem:s23], [sflag:$0x6] =	stream.linear.gather @!p1 [hbm4b:s10+s13], $0x80, $0x38;
	[tilespmem:$0x1D300] =	vst v63  }
0x1c2: {  	p0 =	sne.s32 s6, $0xF50;
	s8 =	sadd.s32 @!p1 s8, s12;
	s10 =	simm.s32 @!p1 $0x600  }
0x1c3: {  	[tilespmem:s10], [sflag:$0x6] =	stream.linear.gather @!p1 [hbm4b:s8+s13], $0x80, $0x38;
	[tilespmem:$0x1D300] =	vst v63  }
.Ltmp1:
0x1c4: {  	s1 =	simm.s32 $0x1B00;
	_ =	swait.ge [sflag:s9], $0x80;
	(pc) =	sbr.rel @p0 .LBB2_4-.Ltmp1, $4  }
0x1c5: {  	s16 =	simm.s32 $0x400;
	s24 =	simm.s32 $0x2F00;
	[sflag:s9] =	ssyncset.done $0x0  }
0x1c6: {  	s25 =	simm.s32 $0x500;
	s15 =	simm.s32 $0x580;
	[sflag:s9] =	ssyncadd.s32 $0xFFFFFF80  }
0x1c7: {  	s30 =	simm.s32 $0x1;
	s12 =	simm.s32 $0x200;
	_ =	swait.ge [sflag:s9], $0x80  }
0x1c8: {  	s23 =	simm.s32 $0x380;
	s13 =	simm.s32 $0x700;
	[sflag:s9] =	ssyncset.done $0x0  }
0x1c9: {  	[sflag:s9] =	ssyncadd.s32 $0xFFFFFF80;
	s6 =	simm.s32 $0x8  }
0x1ca: {  	[tilespmem:s21], [sflag:$0xC] =	stream.indirect.gather [hbm4b:s2+s31], $0x80, s12, s31, $0xb8;
	[tilespmem:$0x1D300] =	vst v63  }
0x1cb: {  	_ =	swait.ge [sflag:s6], $0x1400  }
0x1cc: {  	[sflag:s6] =	ssyncset.done $0x0  }
0x1cd: {  	s19 =	simm.s32 $0x15;
	[sflag:s6] =	ssyncadd.s32 $0xFFFFEC00  }
0x1ce: {  	[spmem:s3] =	stream.indirect.scatter.add.f32 [tilespmem:s13], [sflag:$0xF], $0x80, s23, s31, $0xb8;
	[tilespmem:$0x1D300] =	vst v63  }
0x1cf: {  	_ =	swait.ge [sflag:s19], $0x1400  }
0x1d0: {  	[sflag:s19] =	ssyncset.done $0x0  }
0x1d1: {  	s22 =	simm.s32 $0x9;
	[sflag:s19] =	ssyncadd.s32 $0xFFFFEC00  }
0x1d2: {  	_ =	swait.ge [sflag:s22], $0x1400  }
0x1d3: {  	[sflag:s22] =	ssyncset.done $0x0  }
0x1d4: {  	s23 =	simm.s32 $0xF;
	[sflag:s22] =	ssyncadd.s32 $0xFFFFEC00  }
0x1d5: {  	[spmem:s3] =	stream.indirect.scatter.add.f32 [tilespmem:s1], [sflag:$0x10], $0x80, s16, s31, $0xb8;
	[tilespmem:$0x1D300] =	vst v63  }
0x1d6: {  	_ =	swait.ge [sflag:s23], $0x1400  }
0x1d7: {  	[sflag:s23] =	ssyncset.done $0x0  }
0x1d8: {  	s26 =	simm.s32 $0xA;
	[sflag:s23] =	ssyncadd.s32 $0xFFFFEC00  }
0x1d9: {  	_ =	swait.ge [sflag:s26], $0x1400  }
0x1da: {  	[sflag:s26] =	ssyncset.done $0x0  }
0x1db: {  	s0 =	simm.s32 $0x10;
	[sflag:s26] =	ssyncadd.s32 $0xFFFFEC00  }
0x1dc: {  	[spmem:s3] =	stream.indirect.scatter.add.f32 [tilespmem:s24], [sflag:$0x11], $0x80, s28, s31, $0xb8;
	[tilespmem:$0x1D300] =	vst v63  }
0x1dd: {  	_ =	swait.ge [sflag:s0], $0x1400  }
0x1de: {  	[sflag:s0] =	ssyncset.done $0x0  }
0x1df: {  	s6 =	simm.s32 $0xB;
	[sflag:s0] =	ssyncadd.s32 $0xFFFFEC00  }
0x1e0: {  	_ =	swait.ge [sflag:s6], $0x1400  }
0x1e1: {  	[sflag:s6] =	ssyncset.done $0x0  }
0x1e2: {  	s8 =	simm.s32 $0x11;
	[sflag:s6] =	ssyncadd.s32 $0xFFFFEC00  }
0x1e3: {  	[spmem:s3] =	stream.indirect.scatter.add.f32 [tilespmem:s20], [sflag:$0x12], $0x80, s25, s31, $0xb8;
	[tilespmem:$0x1D300] =	vst v63  }
0x1e4: {  	_ =	swait.ge [sflag:s8], $0x1400  }
0x1e5: {  	[sflag:s8] =	ssyncset.done $0x0  }
0x1e6: {  	s10 =	simm.s32 $0xC;
	[sflag:s8] =	ssyncadd.s32 $0xFFFFEC00  }
0x1e7: {  	_ =	swait.ge [sflag:s10], $0x1400  }
0x1e8: {  	[sflag:s10] =	ssyncset.done $0x0  }
0x1e9: {  	s11 =	simm.s32 $0x12;
	[sflag:s10] =	ssyncadd.s32 $0xFFFFEC00  }
0x1ea: {  	[spmem:s3] =	stream.indirect.scatter.add.f32 [tilespmem:s21], [sflag:$0x13], $0x80, s15, s31, $0xb8;
	[tilespmem:$0x1D300] =	vst v63  }
0x1eb: {  	_ =	swait.ge [sflag:s11], $0x1400  }
0x1ec: {  	[sflag:s11] =	ssyncset.done $0x0  }
0x1ed: {  	s12 =	simm.s32 $0x13;
	[sflag:s11] =	ssyncadd.s32 $0xFFFFEC00  }
0x1ee: {  	_ =	swait.ge [sflag:s12], $0x1400  }
0x1ef: {  	[sflag:s12] =	ssyncset.done $0x0  }
0x1f0: {  	[sflag:s12] =	ssyncadd.s32 $0xFFFFEC00  }
0x1f1: {  	[bflag:$0x0] =	sbarrier.arrive $0xFFFF  }
0x1f2: {  	s12 =	sld [smem:$0x7FD]  }
0x1f3: {  	s15 =	stileid.u32  }
0x1f4: {  	s23 =	simm.s32 $0x16;
	s6 =	sshll.u32 s15, $0x6  }
0x1f5: {  	s6 =	sor.u32 $0x1C16, s6;
	s10 =	rddreg [dreg:$0x1a];
	s8 =	sshrl.u32 s12, $0x3  }
0x1f6: {  	[hbm:s10], [sflag:s6] =	dma.local [spmem:s8], $0x800  }
0x1f7: {  	_ =	swait.ge [sflag:s23], $0x800  }
0x1f8: {  	s17 =	sld [smem:$0x7EA]  }
0x1f9: {  	[sflag:s23] =	ssyncset.done $0x0  }
0x1fa: {  	s16 =	rddreg [dreg:$0x1b];
	[sflag:s23] =	ssyncadd.s32 $0xFFFFF800  }
0x1fb: {  	[hbm:s16], [sflag:s6] =	dma.local [spmem:s17], $0x800  }
0x1fc: {  	_ =	swait.ge [sflag:s23], $0x800  }
0x1fd: {  	s19 =	sld [smem:$0x7EB]  }
0x1fe: {  	[sflag:s23] =	ssyncset.done $0x0  }
0x1ff: {  	s18 =	rddreg [dreg:$0x1c];
	[sflag:s23] =	ssyncadd.s32 $0xFFFFF800  }
0x200: {  	[hbm:s18], [sflag:s6] =	dma.local [spmem:s19], $0x800  }
0x201: {  	_ =	swait.ge [sflag:s23], $0x800  }
0x202: {  	s21 =	sld [smem:$0x7EC]  }
0x203: {  	[sflag:s23] =	ssyncset.done $0x0  }
0x204: {  	s20 =	rddreg [dreg:$0x1d];
	[sflag:s23] =	ssyncadd.s32 $0xFFFFF800  }
0x205: {  	[hbm:s20], [sflag:s6] =	dma.local [spmem:s21], $0x800  }
0x206: {  	_ =	swait.ge [sflag:s23], $0x800  }
0x207: {  	s24 =	sld [smem:$0x7ED]  }
0x208: {  	[sflag:s23] =	ssyncset.done $0x0  }
0x209: {  	s22 =	rddreg [dreg:$0x1e];
	[sflag:s23] =	ssyncadd.s32 $0xFFFFF800  }
0x20a: {  	[hbm:s22], [sflag:s6] =	dma.local [spmem:s24], $0x800  }
0x20b: {  	_ =	swait.ge [sflag:s23], $0x800  }
0x20c: {  	s25 =	sld [smem:$0x7E9];
	_ =	sdelay $0x2  }
0x20d: {  	s26 =	rddreg [dreg:$0x1f];
	s1 =	sadd.s32 $0x1, s25  }
0x20e: {  	p0 =	sne.s32 s1, s26  }
.Ltmp2:
0x20f: {  	_ = 	snop;
	(pc) =	sbr.rel @p0 .LBB2_1-.Ltmp2, $4  }
0x210: {  	s28 =	simm.s32 $0x600;
	s0 =	simm.s32 $0x2;
	s15 =	simm.s32 $0x580  }
0x211: {  	s11 =	simm.s32 $0x400;
	s10 =	simm.s32 $0x80;
	s17 =	simm.s32 $0x100  }
0x212: {  	s16 =	simm.s32 $0x480;
	s18 =	simm.s32 $0x500;
	[sflag:s23] =	ssyncset.done $0x0  }
0x213: {  	s19 =	simm.s32 $0x280;
	s20 =	simm.s32 $0x180;
	[sflag:s23] =	ssyncadd.s32 $0xFFFFF800  }
0x214: {  	_ =	sfence.sel $0x180000  }
0x215: {  	[bflag:$0x0] =	sbarrier.arrive $0xFFFF  }
0x216: {  	_ =	strace $0x9000004A  }
0x217: {  	s0 =	stileid.u32;
	[bflag:$0x2] =	sbarrier.arrive $0xFFFF  }
0x218: {  	p0 =	sne.s32 s0, $0x0;
	s0 =	rddreg [dreg:$0x3]  }
0x219: {  	s0 =	sadd.s32 @!p0 $0x100000, s0  }
0x21a: {  	[sflag:s0] =	ssyncadd.tile.s32 @!p0 $0x1;
	_ =	shalt  }
.Lfunc_end2:
_tile_overlayer_lowered:
.L_overlay_start_2:
0x21b: {  	(tag) =	ssettag $0x2  }
0x21c: {  	s0 =	rddreg [dreg:$0x0];
	s2 =	stileid.u32  }
0x21d: {  	s1 =	rddreg [dreg:$0x1];
	p0 =	sne.s32 s2, $0x0  }
0x21e: {  	s3 =	rddreg [dreg:$0x2];
	[bflag:$0x3] =	sbarrier.arrive $0xFFFF;
	s2 =	simm.s32 @!p0 $0x1C16  }
0x21f: {  	[timem:s3], [sflag:s2] =	dma.local @!p0 [hbm:s0], s1  }
0x220: {  	s0 =	simm.s32 @!p0 $0x16  }
0x221: {  	_ =	swait.ge @!p0 [sflag:s0], s1  }
0x222: {  	s1 =	ssub.s32 @!p0 $0x0, s1;
	[sflag:s0] =	ssyncset.done @!p0 $0x0  }
0x223: {  	[sflag:s0] =	ssyncadd.s32 @!p0 s1  }
0x224: {  	[bflag:$0x3] =	sbarrier.arrive $0xFFFF  }
0x225: {  	_ =	shalt  }

</sc_bundles>
